<compile_context>
chip_gen: v7x
topology: tpu7x:2x2x1
jax: 0.10.2.dev20260603
libtpu: 0.0.44.dev20260713+nightly
codegen_flags: <defaults>
</compile_context>

<pallas_src>
import functools

import jax
import jax.numpy as jnp
from jax import lax
from jax.experimental import pallas as pl
from jax.experimental.pallas import tpu as pltpu
from jax.experimental.pallas import tpu_sc as plsc

VOCAB = 100000
HID = 1024
MAX_POS = 4096
B, S = 4, 4096
PAD_IDX = 0
LN_EPS = 1e-5

NTOK = B * S
NC, NS = 2, 16
NW = NC * NS

NSLICE = 4
S_SL = S // NSLICE
TOK_SL = B * S_SL
TOK_PER_W = TOK_SL // NW
WPB = NW // B
CHUNK = 32
NCHUNK = TOK_PER_W // CHUNK

_sc_mesh = plsc.VectorSubcoreMesh(core_axis_name="c", subcore_axis_name="s")


def _make_sc_gather(j):
    @functools.partial(
        pl.kernel,
        out_type=jax.ShapeDtypeStruct((TOK_SL, HID), jnp.float32),
        mesh=_sc_mesh,
        scratch_types=[
            pltpu.VMEM((TOK_PER_W,), jnp.int32),
            pltpu.VMEM((CHUNK, HID), jnp.float32),
            pltpu.VMEM((CHUNK, HID), jnp.float32),
            pltpu.VMEM((CHUNK, HID), jnp.float32),
            pltpu.SemaphoreType.DMA,
            pltpu.SemaphoreType.DMA,
            pltpu.SemaphoreType.DMA,
            pltpu.SemaphoreType.DMA,
            pltpu.SemaphoreType.DMA,
            pltpu.SemaphoreType.DMA,
        ],
    )
    def _sc_gather(table_hbm, ids_hbm, out_hbm, idx_v, buf0, buf1, buf2,
                   gsem0, gsem1, gsem2, wsem0, wsem1, wsem2):
        gsems = (gsem0, gsem1, gsem2)
        wsems = (wsem0, wsem1, wsem2)
        wid = lax.axis_index("s") * NC + lax.axis_index("c")
        base = wid * TOK_PER_W
        brow = wid // WPB
        scol = j * S_SL + (wid % WPB) * TOK_PER_W
        bufs = (buf0, buf1, buf2)
        pltpu.sync_copy(ids_hbm.at[brow, pl.ds(scol, TOK_PER_W)], idx_v)
        g = [None] * NCHUNK
        w = [None] * NCHUNK
        g[0] = pltpu.async_copy(
            table_hbm.at[idx_v.at[pl.ds(0, CHUNK)]], bufs[0], gsems[0])
        g[1] = pltpu.async_copy(
            table_hbm.at[idx_v.at[pl.ds(CHUNK, CHUNK)]], bufs[1], gsems[1])
        for c in range(NCHUNK):
            g[c].wait()
            if c + 2 < NCHUNK:
                if c >= 1:
                    w[c - 1].wait()
                g[c + 2] = pltpu.async_copy(
                    table_hbm.at[idx_v.at[pl.ds((c + 2) * CHUNK, CHUNK)]],
                    bufs[(c + 2) % 3], gsems[(c + 2) % 3])
            w[c] = pltpu.async_copy(
                bufs[c % 3], out_hbm.at[pl.ds(base + c * CHUNK, CHUNK)],
                wsems[c % 3])
        for t in range(max(0, NCHUNK - 3), NCHUNK):
            w[t].wait()

    return _sc_gather


_sc_gathers = [_make_sc_gather(j) for j in range(NSLICE)]


BLK = 1024
SBLK = S_SL // BLK
POS_BLKS = S // BLK
NBLK = NTOK // BLK


def _ln_acc_body(acc_ref, ids_ref, tok_ref, pos_ref, typ_ref, w_ref, b_ref,
                 o_ref):
    del acc_ref
    x = tok_ref[...] + pos_ref[...] + typ_ref[0:1, :]
    mean = jnp.mean(x, axis=-1, keepdims=True)
    xc = x - mean
    var = jnp.mean(xc * xc, axis=-1, keepdims=True)
    y = (xc * lax.rsqrt(var + LN_EPS)) * w_ref[...] + b_ref[...]
    keep = (ids_ref[0, 0, :] != PAD_IDX).astype(jnp.float32)
    o_ref[...] = y * keep[:, None]


def _ln_body(ids_ref, tok_ref, pos_ref, typ_ref, w_ref, b_ref, o_ref):
    _ln_acc_body(None, ids_ref, tok_ref, pos_ref, typ_ref, w_ref, b_ref,
                 o_ref)


def _make_ln_call(j, aliased):
    body = _ln_acc_body if aliased else _ln_body
    in_specs = [
        pl.BlockSpec((1, 1, BLK),
                     lambda s, b, j=j: (b * POS_BLKS + j * SBLK + s, 0, 0)),
        pl.BlockSpec((BLK, HID), lambda s, b: (b * SBLK + s, 0)),
        pl.BlockSpec((BLK, HID), lambda s, b, j=j: (j * SBLK + s, 0)),
        pl.BlockSpec((2, HID), lambda s, b: (0, 0)),
        pl.BlockSpec((HID,), lambda s, b: (0,)),
        pl.BlockSpec((HID,), lambda s, b: (0,)),
    ]
    kwargs = {}
    if aliased:
        in_specs = [pl.BlockSpec(memory_space=pl.ANY)] + in_specs
        kwargs["input_output_aliases"] = {0: 0}
    return pl.pallas_call(
        body,
        grid=(SBLK, B),
        in_specs=in_specs,
        out_specs=pl.BlockSpec(
            (BLK, HID), lambda s, b, j=j: (b * POS_BLKS + j * SBLK + s, 0)),
        out_shape=jax.ShapeDtypeStruct((NTOK, HID), jnp.float32),
        **kwargs,
    )


_ln_first = _make_ln_call(0, aliased=False)
_ln_rest = [_make_ln_call(j, aliased=True) for j in range(1, NSLICE)]


def kernel(input_ids, embed_tokens, embed_pos, embed_type, ln_weight, ln_bias):
    ids32 = input_ids.astype(jnp.int32)
    ids3 = ids32.reshape(NBLK, 1, BLK)
    toks = [_sc_gathers[j](embed_tokens, ids32) for j in range(NSLICE)]
    out = _ln_first(ids3, toks[0], embed_pos, embed_type, ln_weight, ln_bias)
    for j in range(1, NSLICE):
        out = _ln_rest[j - 1](out, ids3, toks[j], embed_pos, embed_type,
                              ln_weight, ln_bias)
    return out.reshape(B, S, HID)

# --- scband reference (transcript-rebuilt; emitter-appended) ---
"""Pipeline reference for scband-luca-gplmembeddings-11751030522570 (READ-ONLY COPY).

The authoritative reference and input builder live on the scoring server;
editing this copy changes nothing except your own understanding.
"""

import jax, jax.numpy as jnp
import numpy as np

VOCAB = 100000
HID = 1024
MAX_POS = 4096
TYPE_VOCAB = 2
B, S = 4, 4096
PAD_IDX = 0
EMBED_SCALE = 1.0
LN_EPS = 1e-5


def setup_inputs(seed: int = 0) -> dict:
    key = jax.random.key(seed)
    k1, k2, k3, k4 = jax.random.split(key, 4)
    input_ids = jax.random.randint(k1, (B, S), 0, VOCAB)
    embed_tokens = jax.random.normal(k2, (VOCAB, HID), dtype=jnp.float32) * 0.02
    # padding_idx row is zero-initialized in nn.Embedding
    embed_tokens = embed_tokens.at[PAD_IDX].set(0.0)
    embed_pos = jax.random.normal(k3, (MAX_POS, HID), dtype=jnp.float32) * 0.02
    embed_type = jax.random.normal(k4, (TYPE_VOCAB, HID), dtype=jnp.float32) * 0.02
    ln_weight = jnp.ones((HID,), dtype=jnp.float32)
    ln_bias = jnp.zeros((HID,), dtype=jnp.float32)
    return {
        "input_ids": input_ids,
        "embed_tokens": embed_tokens,
        "embed_pos": embed_pos,
        "embed_type": embed_type,
        "ln_weight": ln_weight,
        "ln_bias": ln_bias,
    }


def _layer_norm(x, weight, bias):
    mean = jnp.mean(x, axis=-1, keepdims=True)
    var = jnp.var(x, axis=-1, keepdims=True)
    xhat = (x - mean) / jnp.sqrt(var + LN_EPS)
    return xhat * weight + bias


def reference(input_ids, embed_tokens, embed_pos, embed_type, ln_weight, ln_bias):
    b, s = input_ids.shape
    # token embedding lookup
    inputs_embeds = EMBED_SCALE * jnp.take(embed_tokens, input_ids, axis=0)
    # position embeddings (position_ids = arange broadcast over batch)
    position_ids = jnp.broadcast_to(jnp.arange(s, dtype=input_ids.dtype)[None, :], (b, s))
    inputs_embeds = inputs_embeds + EMBED_SCALE * jnp.take(embed_pos, position_ids, axis=0)
    # token type embeddings (token_type_ids = zeros)
    token_type_ids = jnp.zeros((b, s), dtype=input_ids.dtype)
    inputs_embeds = inputs_embeds + EMBED_SCALE * jnp.take(embed_type, token_type_ids, axis=0)
    # layer norm
    embeddings = _layer_norm(inputs_embeds, ln_weight, ln_bias)
    # zero out padded positions (token_dropout disabled / eval mode)
    padding_mask = (input_ids == PAD_IDX)
    embeddings = embeddings * (1.0 - padding_mask[:, :, None].astype(embeddings.dtype))
    return embeddings

if __name__ == "__main__":
    import jax
    _d = setup_inputs()
    print(jax.jit(kernel)(*tuple(_d.values())))

</pallas_src>

<mosaic_0001>
#map = affine_map<(d0, d1) -> (0, 0)>
module attributes {stable_mosaic.version = 14 : i64} {
  func.func @_sc_gather(%arg0: i32, %arg1: i32, %arg2: memref<100000x1024xf32, #tpu.memory_space<hbm>>, %arg3: memref<4x4096xi32, #tpu.memory_space<hbm>>, %arg4: memref<4096x1024xf32, #tpu.memory_space<hbm>>, %arg5: memref<128xi32, #tpu.memory_space<vmem>>, %arg6: memref<32x1024xf32, #tpu.memory_space<vmem>>, %arg7: memref<32x1024xf32, #tpu.memory_space<vmem>>, %arg8: memref<32x1024xf32, #tpu.memory_space<vmem>>, %arg9: memref<!tpu.dma_semaphore, #tpu.memory_space<semaphore_mem>>, %arg10: memref<!tpu.dma_semaphore, #tpu.memory_space<semaphore_mem>>, %arg11: memref<!tpu.dma_semaphore, #tpu.memory_space<semaphore_mem>>, %arg12: memref<!tpu.dma_semaphore, #tpu.memory_space<semaphore_mem>>, %arg13: memref<!tpu.dma_semaphore, #tpu.memory_space<semaphore_mem>>, %arg14: memref<!tpu.dma_semaphore, #tpu.memory_space<semaphore_mem>>) attributes {dimension_semantics = [#tpu.dimension_semantics<core_parallel>, #tpu.dimension_semantics<subcore_parallel>], iteration_bounds = array<i64: 2, 16>, scalar_prefetch = 0 : i64, scratch_operands = 10 : i64, tpu.core_type = #tpu.core_type<sc_vector_subcore>, window_params = [{transform_indices = #map}, {transform_indices = #map}, {transform_indices = #map}]} {
    %mul3A = arith.constant 2 : i32
    %mul3A_0 = arith.muli %arg1, %mul3A : i32
    %add3A = arith.addi %mul3A_0, %arg0 : i32
    %mul3A_1 = arith.constant 128 : i32
    %mul3A_2 = arith.muli %add3A, %mul3A_1 : i32
    %jit3A = arith.constant 8 : i32
    %div3A = arith.divsi %add3A, %jit3A : i32
    %sign3A = arith.constant 0 : i32
    %sign3A_3 = arith.cmpi sgt, %add3A, %sign3A : i32
    %sign3A_4 = arith.extui %sign3A_3 : i1 to i32
    %sign3A_5 = arith.constant 0 : i32
    %sign3A_6 = arith.cmpi slt, %add3A, %sign3A_5 : i32
    %sign3A_7 = arith.extui %sign3A_6 : i1 to i32
    %sign3A_8 = arith.subi %sign3A_4, %sign3A_7 : i32
    %sign3A_9 = arith.constant 0 : i32
    %sign3A_10 = arith.cmpi sgt, %jit3A, %sign3A_9 : i32
    %sign3A_11 = arith.extui %sign3A_10 : i1 to i32
    %sign3A_12 = arith.constant 0 : i32
    %sign3A_13 = arith.cmpi slt, %jit3A, %sign3A_12 : i32
    %sign3A_14 = arith.extui %sign3A_13 : i1 to i32
    %sign3A_15 = arith.subi %sign3A_11, %sign3A_14 : i32
    %ne3A = arith.cmpi ne, %sign3A_8, %sign3A_15 : i32
    %rem3A = arith.remsi %add3A, %jit3A : i32
    %ne3A_16 = arith.constant 0 : i32
    %ne3A_17 = arith.cmpi ne, %rem3A, %ne3A_16 : i32
    %and3A = arith.andi %ne3A, %ne3A_17 : i1
    %sub3A = arith.constant 1 : i32
    %sub3A_18 = arith.subi %div3A, %sub3A : i32
    %select_n3A = arith.select %and3A, %sub3A_18, %div3A : i32
    %jit3A_19 = arith.constant 8 : i32
    %eq3A = arith.constant 0 : i32
    %eq3A_20 = arith.cmpi eq, %jit3A_19, %eq3A : i32
    %jit3A_21 = arith.constant 1 : i32
    %select_n3A_22 = arith.select %eq3A_20, %jit3A_21, %jit3A_19 : i32
    %rem3A_23 = arith.remsi %add3A, %select_n3A_22 : i32
    %ne3A_24 = arith.constant 0 : i32
    %ne3A_25 = arith.cmpi ne, %rem3A_23, %ne3A_24 : i32
    %lt3A = arith.constant 0 : i32
    %lt3A_26 = arith.cmpi slt, %rem3A_23, %lt3A : i32
    %lt3A_27 = arith.constant 0 : i32
    %lt3A_28 = arith.cmpi slt, %select_n3A_22, %lt3A_27 : i32
    %ne3A_29 = arith.xori %lt3A_26, %lt3A_28 : i1
    %and3A_30 = arith.andi %ne3A_29, %ne3A_25 : i1
    %add3A_31 = arith.addi %rem3A_23, %select_n3A_22 : i32
    %select_n3A_32 = arith.select %and3A_30, %add3A_31, %rem3A_23 : i32
    %mul3A_33 = arith.constant 128 : i32
    %mul3A_34 = arith.muli %select_n3A_32, %mul3A_33 : i32
    %add3A_35 = arith.constant 0 : i32
    %add3A_36 = arith.addi %add3A_35, %mul3A_34 : i32
    "tpu.region"() ({
      %run_scoped3A = tpu.sem_alloc : memref<!tpu.dma_semaphore, #tpu.memory_space<semaphore_mem>>
      %dma_start3A_115 = tpu.memref_slice %arg3[%select_n3A, %add3A_36] : memref<4x4096xi32, #tpu.memory_space<hbm>> -> memref<1x128xi32, #tpu.memory_space<hbm>>
      %dma_start3A_116 = tpu.memref_squeeze %dma_start3A_115 : memref<1x128xi32, #tpu.memory_space<hbm>> -> memref<128xi32, #tpu.memory_space<hbm>>
      %dma_start3A_117 = tpu.memref_slice %arg3[%select_n3A, %add3A_36] : memref<4x4096xi32, #tpu.memory_space<hbm>> -> memref<1x128xi32, #tpu.memory_space<hbm>>
      %dma_start3A_118 = tpu.memref_squeeze %dma_start3A_117 : memref<1x128xi32, #tpu.memory_space<hbm>> -> memref<128xi32, #tpu.memory_space<hbm>>
      tpu.enqueue_dma source(%dma_start3A_118 : memref<128xi32, #tpu.memory_space<hbm>>) target(%arg5 : memref<128xi32, #tpu.memory_space<vmem>>) target_semaphore(%run_scoped3A : memref<!tpu.dma_semaphore, #tpu.memory_space<semaphore_mem>>)
      %dma_wait3A_119 = tpu.memref_slice %arg3[%select_n3A, %add3A_36] : memref<4x4096xi32, #tpu.memory_space<hbm>> -> memref<1x128xi32, #tpu.memory_space<hbm>>
      %dma_wait3A_120 = tpu.memref_squeeze %dma_wait3A_119 : memref<1x128xi32, #tpu.memory_space<hbm>> -> memref<128xi32, #tpu.memory_space<hbm>>
      %dma_wait3A_121 = tpu.memref_slice %arg3[%select_n3A, %add3A_36] : memref<4x4096xi32, #tpu.memory_space<hbm>> -> memref<1x128xi32, #tpu.memory_space<hbm>>
      %dma_wait3A_122 = tpu.memref_squeeze %dma_wait3A_121 : memref<1x128xi32, #tpu.memory_space<hbm>> -> memref<128xi32, #tpu.memory_space<hbm>>
      tpu.wait_dma2 semaphore(%run_scoped3A : memref<!tpu.dma_semaphore, #tpu.memory_space<semaphore_mem>>) src(%dma_wait3A_122 : memref<128xi32, #tpu.memory_space<hbm>>) dst(%arg5 : memref<128xi32, #tpu.memory_space<vmem>>)
      tpu.yield
    }) : () -> ()
    %dma_start3A = arith.constant 0 : i32
    %dma_start3A_37 = tpu.memref_slice %arg5[%dma_start3A] : memref<128xi32, #tpu.memory_space<vmem>> -> memref<32xi32, #tpu.memory_space<vmem>>
    %dma_start3A_38 = arith.constant 0 : i32
    %dma_start3A_39 = arith.constant 0 : i32
    %dma_start3A_40 = tpu.memref_slice %arg2[%dma_start3A_38, %dma_start3A_39] : memref<100000x1024xf32, #tpu.memory_space<hbm>> -> memref<100000x1024xf32, #tpu.memory_space<hbm>>
    tpu.enqueue_indirect_dma source(%dma_start3A_40 : memref<100000x1024xf32, #tpu.memory_space<hbm>>) target(%arg6 : memref<32x1024xf32, #tpu.memory_space<vmem>>) offsets(%dma_start3A_37 : memref<32xi32, #tpu.memory_space<vmem>>) semaphore(%arg9 : memref<!tpu.dma_semaphore, #tpu.memory_space<semaphore_mem>>)
    %dma_start3A_41 = arith.constant 32 : i32
    %dma_start3A_42 = tpu.memref_slice %arg5[%dma_start3A_41] : memref<128xi32, #tpu.memory_space<vmem>> -> memref<32xi32, #tpu.memory_space<vmem>>
    %dma_start3A_43 = arith.constant 0 : i32
    %dma_start3A_44 = arith.constant 0 : i32
    %dma_start3A_45 = tpu.memref_slice %arg2[%dma_start3A_43, %dma_start3A_44] : memref<100000x1024xf32, #tpu.memory_space<hbm>> -> memref<100000x1024xf32, #tpu.memory_space<hbm>>
    tpu.enqueue_indirect_dma source(%dma_start3A_45 : memref<100000x1024xf32, #tpu.memory_space<hbm>>) target(%arg7 : memref<32x1024xf32, #tpu.memory_space<vmem>>) offsets(%dma_start3A_42 : memref<32xi32, #tpu.memory_space<vmem>>) semaphore(%arg10 : memref<!tpu.dma_semaphore, #tpu.memory_space<semaphore_mem>>)
    %dma_wait3A = arith.constant 0 : i32
    %dma_wait3A_46 = tpu.memref_slice %arg5[%dma_wait3A] : memref<128xi32, #tpu.memory_space<vmem>> -> memref<32xi32, #tpu.memory_space<vmem>>
    %dma_wait3A_47 = arith.constant 0 : i32
    %dma_wait3A_48 = arith.constant 0 : i32
    %dma_wait3A_49 = tpu.memref_slice %arg2[%dma_wait3A_47, %dma_wait3A_48] : memref<100000x1024xf32, #tpu.memory_space<hbm>> -> memref<100000x1024xf32, #tpu.memory_space<hbm>>
    tpu.wait_indirect_dma semaphore(%arg9 : memref<!tpu.dma_semaphore, #tpu.memory_space<semaphore_mem>>) src(%dma_wait3A_49 : memref<100000x1024xf32, #tpu.memory_space<hbm>>) dst(%arg6 : memref<32x1024xf32, #tpu.memory_space<vmem>>)
    %dma_start3A_50 = arith.constant 64 : i32
    %dma_start3A_51 = tpu.memref_slice %arg5[%dma_start3A_50] : memref<128xi32, #tpu.memory_space<vmem>> -> memref<32xi32, #tpu.memory_space<vmem>>
    %dma_start3A_52 = arith.constant 0 : i32
    %dma_start3A_53 = arith.constant 0 : i32
    %dma_start3A_54 = tpu.memref_slice %arg2[%dma_start3A_52, %dma_start3A_53] : memref<100000x1024xf32, #tpu.memory_space<hbm>> -> memref<100000x1024xf32, #tpu.memory_space<hbm>>
    tpu.enqueue_indirect_dma source(%dma_start3A_54 : memref<100000x1024xf32, #tpu.memory_space<hbm>>) target(%arg8 : memref<32x1024xf32, #tpu.memory_space<vmem>>) offsets(%dma_start3A_51 : memref<32xi32, #tpu.memory_space<vmem>>) semaphore(%arg11 : memref<!tpu.dma_semaphore, #tpu.memory_space<semaphore_mem>>)
    %add3A_55 = arith.constant 0 : i32
    %add3A_56 = arith.addi %mul3A_2, %add3A_55 : i32
    %dma_start3A_57 = arith.constant 0 : i32
    %dma_start3A_58 = tpu.memref_slice %arg4[%add3A_56, %dma_start3A_57] : memref<4096x1024xf32, #tpu.memory_space<hbm>> -> memref<32x1024xf32, #tpu.memory_space<hbm>>
    %dma_start3A_59 = arith.constant 0 : i32
    %dma_start3A_60 = tpu.memref_slice %arg4[%add3A_56, %dma_start3A_59] : memref<4096x1024xf32, #tpu.memory_space<hbm>> -> memref<32x1024xf32, #tpu.memory_space<hbm>>
    tpu.enqueue_dma source(%arg6 : memref<32x1024xf32, #tpu.memory_space<vmem>>) target(%dma_start3A_60 : memref<32x1024xf32, #tpu.memory_space<hbm>>) target_semaphore(%arg12 : memref<!tpu.dma_semaphore, #tpu.memory_space<semaphore_mem>>)
    %dma_wait3A_61 = arith.constant 32 : i32
    %dma_wait3A_62 = tpu.memref_slice %arg5[%dma_wait3A_61] : memref<128xi32, #tpu.memory_space<vmem>> -> memref<32xi32, #tpu.memory_space<vmem>>
    %dma_wait3A_63 = arith.constant 0 : i32
    %dma_wait3A_64 = arith.constant 0 : i32
    %dma_wait3A_65 = tpu.memref_slice %arg2[%dma_wait3A_63, %dma_wait3A_64] : memref<100000x1024xf32, #tpu.memory_space<hbm>> -> memref<100000x1024xf32, #tpu.memory_space<hbm>>
    tpu.wait_indirect_dma semaphore(%arg10 : memref<!tpu.dma_semaphore, #tpu.memory_space<semaphore_mem>>) src(%dma_wait3A_65 : memref<100000x1024xf32, #tpu.memory_space<hbm>>) dst(%arg7 : memref<32x1024xf32, #tpu.memory_space<vmem>>)
    %dma_wait3A_66 = arith.constant 0 : i32
    %dma_wait3A_67 = tpu.memref_slice %arg4[%add3A_56, %dma_wait3A_66] : memref<4096x1024xf32, #tpu.memory_space<hbm>> -> memref<32x1024xf32, #tpu.memory_space<hbm>>
    %dma_wait3A_68 = arith.constant 0 : i32
    %dma_wait3A_69 = tpu.memref_slice %arg4[%add3A_56, %dma_wait3A_68] : memref<4096x1024xf32, #tpu.memory_space<hbm>> -> memref<32x1024xf32, #tpu.memory_space<hbm>>
    tpu.wait_dma2 semaphore(%arg12 : memref<!tpu.dma_semaphore, #tpu.memory_space<semaphore_mem>>) src(%arg6 : memref<32x1024xf32, #tpu.memory_space<vmem>>) dst(%dma_wait3A_69 : memref<32x1024xf32, #tpu.memory_space<hbm>>)
    %dma_start3A_70 = arith.constant 96 : i32
    %dma_start3A_71 = tpu.memref_slice %arg5[%dma_start3A_70] : memref<128xi32, #tpu.memory_space<vmem>> -> memref<32xi32, #tpu.memory_space<vmem>>
    %dma_start3A_72 = arith.constant 0 : i32
    %dma_start3A_73 = arith.constant 0 : i32
    %dma_start3A_74 = tpu.memref_slice %arg2[%dma_start3A_72, %dma_start3A_73] : memref<100000x1024xf32, #tpu.memory_space<hbm>> -> memref<100000x1024xf32, #tpu.memory_space<hbm>>
    tpu.enqueue_indirect_dma source(%dma_start3A_74 : memref<100000x1024xf32, #tpu.memory_space<hbm>>) target(%arg6 : memref<32x1024xf32, #tpu.memory_space<vmem>>) offsets(%dma_start3A_71 : memref<32xi32, #tpu.memory_space<vmem>>) semaphore(%arg9 : memref<!tpu.dma_semaphore, #tpu.memory_space<semaphore_mem>>)
    %add3A_75 = arith.constant 32 : i32
    %add3A_76 = arith.addi %mul3A_2, %add3A_75 : i32
    %dma_start3A_77 = arith.constant 0 : i32
    %dma_start3A_78 = tpu.memref_slice %arg4[%add3A_76, %dma_start3A_77] : memref<4096x1024xf32, #tpu.memory_space<hbm>> -> memref<32x1024xf32, #tpu.memory_space<hbm>>
    %dma_start3A_79 = arith.constant 0 : i32
    %dma_start3A_80 = tpu.memref_slice %arg4[%add3A_76, %dma_start3A_79] : memref<4096x1024xf32, #tpu.memory_space<hbm>> -> memref<32x1024xf32, #tpu.memory_space<hbm>>
    tpu.enqueue_dma source(%arg7 : memref<32x1024xf32, #tpu.memory_space<vmem>>) target(%dma_start3A_80 : memref<32x1024xf32, #tpu.memory_space<hbm>>) target_semaphore(%arg13 : memref<!tpu.dma_semaphore, #tpu.memory_space<semaphore_mem>>)
    %dma_wait3A_81 = arith.constant 64 : i32
    %dma_wait3A_82 = tpu.memref_slice %arg5[%dma_wait3A_81] : memref<128xi32, #tpu.memory_space<vmem>> -> memref<32xi32, #tpu.memory_space<vmem>>
    %dma_wait3A_83 = arith.constant 0 : i32
    %dma_wait3A_84 = arith.constant 0 : i32
    %dma_wait3A_85 = tpu.memref_slice %arg2[%dma_wait3A_83, %dma_wait3A_84] : memref<100000x1024xf32, #tpu.memory_space<hbm>> -> memref<100000x1024xf32, #tpu.memory_space<hbm>>
    tpu.wait_indirect_dma semaphore(%arg11 : memref<!tpu.dma_semaphore, #tpu.memory_space<semaphore_mem>>) src(%dma_wait3A_85 : memref<100000x1024xf32, #tpu.memory_space<hbm>>) dst(%arg8 : memref<32x1024xf32, #tpu.memory_space<vmem>>)
    %add3A_86 = arith.constant 64 : i32
    %add3A_87 = arith.addi %mul3A_2, %add3A_86 : i32
    %dma_start3A_88 = arith.constant 0 : i32
    %dma_start3A_89 = tpu.memref_slice %arg4[%add3A_87, %dma_start3A_88] : memref<4096x1024xf32, #tpu.memory_space<hbm>> -> memref<32x1024xf32, #tpu.memory_space<hbm>>
    %dma_start3A_90 = arith.constant 0 : i32
    %dma_start3A_91 = tpu.memref_slice %arg4[%add3A_87, %dma_start3A_90] : memref<4096x1024xf32, #tpu.memory_space<hbm>> -> memref<32x1024xf32, #tpu.memory_space<hbm>>
    tpu.enqueue_dma source(%arg8 : memref<32x1024xf32, #tpu.memory_space<vmem>>) target(%dma_start3A_91 : memref<32x1024xf32, #tpu.memory_space<hbm>>) target_semaphore(%arg14 : memref<!tpu.dma_semaphore, #tpu.memory_space<semaphore_mem>>)
    %dma_wait3A_92 = arith.constant 96 : i32
    %dma_wait3A_93 = tpu.memref_slice %arg5[%dma_wait3A_92] : memref<128xi32, #tpu.memory_space<vmem>> -> memref<32xi32, #tpu.memory_space<vmem>>
    %dma_wait3A_94 = arith.constant 0 : i32
    %dma_wait3A_95 = arith.constant 0 : i32
    %dma_wait3A_96 = tpu.memref_slice %arg2[%dma_wait3A_94, %dma_wait3A_95] : memref<100000x1024xf32, #tpu.memory_space<hbm>> -> memref<100000x1024xf32, #tpu.memory_space<hbm>>
    tpu.wait_indirect_dma semaphore(%arg9 : memref<!tpu.dma_semaphore, #tpu.memory_space<semaphore_mem>>) src(%dma_wait3A_96 : memref<100000x1024xf32, #tpu.memory_space<hbm>>) dst(%arg6 : memref<32x1024xf32, #tpu.memory_space<vmem>>)
    %add3A_97 = arith.constant 96 : i32
    %add3A_98 = arith.addi %mul3A_2, %add3A_97 : i32
    %dma_start3A_99 = arith.constant 0 : i32
    %dma_start3A_100 = tpu.memref_slice %arg4[%add3A_98, %dma_start3A_99] : memref<4096x1024xf32, #tpu.memory_space<hbm>> -> memref<32x1024xf32, #tpu.memory_space<hbm>>
    %dma_start3A_101 = arith.constant 0 : i32
    %dma_start3A_102 = tpu.memref_slice %arg4[%add3A_98, %dma_start3A_101] : memref<4096x1024xf32, #tpu.memory_space<hbm>> -> memref<32x1024xf32, #tpu.memory_space<hbm>>
    tpu.enqueue_dma source(%arg6 : memref<32x1024xf32, #tpu.memory_space<vmem>>) target(%dma_start3A_102 : memref<32x1024xf32, #tpu.memory_space<hbm>>) target_semaphore(%arg12 : memref<!tpu.dma_semaphore, #tpu.memory_space<semaphore_mem>>)
    %dma_wait3A_103 = arith.constant 0 : i32
    %dma_wait3A_104 = tpu.memref_slice %arg4[%add3A_76, %dma_wait3A_103] : memref<4096x1024xf32, #tpu.memory_space<hbm>> -> memref<32x1024xf32, #tpu.memory_space<hbm>>
    %dma_wait3A_105 = arith.constant 0 : i32
    %dma_wait3A_106 = tpu.memref_slice %arg4[%add3A_76, %dma_wait3A_105] : memref<4096x1024xf32, #tpu.memory_space<hbm>> -> memref<32x1024xf32, #tpu.memory_space<hbm>>
    tpu.wait_dma2 semaphore(%arg13 : memref<!tpu.dma_semaphore, #tpu.memory_space<semaphore_mem>>) src(%arg7 : memref<32x1024xf32, #tpu.memory_space<vmem>>) dst(%dma_wait3A_106 : memref<32x1024xf32, #tpu.memory_space<hbm>>)
    %dma_wait3A_107 = arith.constant 0 : i32
    %dma_wait3A_108 = tpu.memref_slice %arg4[%add3A_87, %dma_wait3A_107] : memref<4096x1024xf32, #tpu.memory_space<hbm>> -> memref<32x1024xf32, #tpu.memory_space<hbm>>
    %dma_wait3A_109 = arith.constant 0 : i32
    %dma_wait3A_110 = tpu.memref_slice %arg4[%add3A_87, %dma_wait3A_109] : memref<4096x1024xf32, #tpu.memory_space<hbm>> -> memref<32x1024xf32, #tpu.memory_space<hbm>>
    tpu.wait_dma2 semaphore(%arg14 : memref<!tpu.dma_semaphore, #tpu.memory_space<semaphore_mem>>) src(%arg8 : memref<32x1024xf32, #tpu.memory_space<vmem>>) dst(%dma_wait3A_110 : memref<32x1024xf32, #tpu.memory_space<hbm>>)
    %dma_wait3A_111 = arith.constant 0 : i32
    %dma_wait3A_112 = tpu.memref_slice %arg4[%add3A_98, %dma_wait3A_111] : memref<4096x1024xf32, #tpu.memory_space<hbm>> -> memref<32x1024xf32, #tpu.memory_space<hbm>>
    %dma_wait3A_113 = arith.constant 0 : i32
    %dma_wait3A_114 = tpu.memref_slice %arg4[%add3A_98, %dma_wait3A_113] : memref<4096x1024xf32, #tpu.memory_space<hbm>> -> memref<32x1024xf32, #tpu.memory_space<hbm>>
    tpu.wait_dma2 semaphore(%arg12 : memref<!tpu.dma_semaphore, #tpu.memory_space<semaphore_mem>>) src(%arg6 : memref<32x1024xf32, #tpu.memory_space<vmem>>) dst(%dma_wait3A_114 : memref<32x1024xf32, #tpu.memory_space<hbm>>)
    return
  }
}

#map = affine_map<(d0, d1) -> (0, 0)>
module attributes {stable_mosaic.version = 14 : i64} {
  func.func @_sc_gather(%arg0: i32, %arg1: i32, %arg2: memref<100000x1024xf32, #tpu.memory_space<hbm>>, %arg3: memref<4x4096xi32, #tpu.memory_space<hbm>>, %arg4: memref<4096x1024xf32, #tpu.memory_space<hbm>>, %arg5: memref<128xi32, #tpu.memory_space<vmem>>, %arg6: memref<32x1024xf32, #tpu.memory_space<vmem>>, %arg7: memref<32x1024xf32, #tpu.memory_space<vmem>>, %arg8: memref<32x1024xf32, #tpu.memory_space<vmem>>, %arg9: memref<!tpu.dma_semaphore, #tpu.memory_space<semaphore_mem>>, %arg10: memref<!tpu.dma_semaphore, #tpu.memory_space<semaphore_mem>>, %arg11: memref<!tpu.dma_semaphore, #tpu.memory_space<semaphore_mem>>, %arg12: memref<!tpu.dma_semaphore, #tpu.memory_space<semaphore_mem>>, %arg13: memref<!tpu.dma_semaphore, #tpu.memory_space<semaphore_mem>>, %arg14: memref<!tpu.dma_semaphore, #tpu.memory_space<semaphore_mem>>) attributes {dimension_semantics = [#tpu.dimension_semantics<core_parallel>, #tpu.dimension_semantics<subcore_parallel>], iteration_bounds = array<i64: 2, 16>, scalar_prefetch = 0 : i64, scratch_operands = 10 : i64, tpu.core_type = #tpu.core_type<sc_vector_subcore>, window_params = [{transform_indices = #map}, {transform_indices = #map}, {transform_indices = #map}]} {
    %mul3A = arith.constant 2 : i32
    %mul3A_0 = arith.muli %arg1, %mul3A : i32
    %add3A = arith.addi %mul3A_0, %arg0 : i32
    %mul3A_1 = arith.constant 128 : i32
    %mul3A_2 = arith.muli %add3A, %mul3A_1 : i32
    %jit3A = arith.constant 8 : i32
    %div3A = arith.divsi %add3A, %jit3A : i32
    %sign3A = arith.constant 0 : i32
    %sign3A_3 = arith.cmpi sgt, %add3A, %sign3A : i32
    %sign3A_4 = arith.extui %sign3A_3 : i1 to i32
    %sign3A_5 = arith.constant 0 : i32
    %sign3A_6 = arith.cmpi slt, %add3A, %sign3A_5 : i32
    %sign3A_7 = arith.extui %sign3A_6 : i1 to i32
    %sign3A_8 = arith.subi %sign3A_4, %sign3A_7 : i32
    %sign3A_9 = arith.constant 0 : i32
    %sign3A_10 = arith.cmpi sgt, %jit3A, %sign3A_9 : i32
    %sign3A_11 = arith.extui %sign3A_10 : i1 to i32
    %sign3A_12 = arith.constant 0 : i32
    %sign3A_13 = arith.cmpi slt, %jit3A, %sign3A_12 : i32
    %sign3A_14 = arith.extui %sign3A_13 : i1 to i32
    %sign3A_15 = arith.subi %sign3A_11, %sign3A_14 : i32
    %ne3A = arith.cmpi ne, %sign3A_8, %sign3A_15 : i32
    %rem3A = arith.remsi %add3A, %jit3A : i32
    %ne3A_16 = arith.constant 0 : i32
    %ne3A_17 = arith.cmpi ne, %rem3A, %ne3A_16 : i32
    %and3A = arith.andi %ne3A, %ne3A_17 : i1
    %sub3A = arith.constant 1 : i32
    %sub3A_18 = arith.subi %div3A, %sub3A : i32
    %select_n3A = arith.select %and3A, %sub3A_18, %div3A : i32
    %jit3A_19 = arith.constant 8 : i32
    %eq3A = arith.constant 0 : i32
    %eq3A_20 = arith.cmpi eq, %jit3A_19, %eq3A : i32
    %jit3A_21 = arith.constant 1 : i32
    %select_n3A_22 = arith.select %eq3A_20, %jit3A_21, %jit3A_19 : i32
    %rem3A_23 = arith.remsi %add3A, %select_n3A_22 : i32
    %ne3A_24 = arith.constant 0 : i32
    %ne3A_25 = arith.cmpi ne, %rem3A_23, %ne3A_24 : i32
    %lt3A = arith.constant 0 : i32
    %lt3A_26 = arith.cmpi slt, %rem3A_23, %lt3A : i32
    %lt3A_27 = arith.constant 0 : i32
    %lt3A_28 = arith.cmpi slt, %select_n3A_22, %lt3A_27 : i32
    %ne3A_29 = arith.xori %lt3A_26, %lt3A_28 : i1
    %and3A_30 = arith.andi %ne3A_29, %ne3A_25 : i1
    %add3A_31 = arith.addi %rem3A_23, %select_n3A_22 : i32
    %select_n3A_32 = arith.select %and3A_30, %add3A_31, %rem3A_23 : i32
    %mul3A_33 = arith.constant 128 : i32
    %mul3A_34 = arith.muli %select_n3A_32, %mul3A_33 : i32
    %add3A_35 = arith.constant 3072 : i32
    %add3A_36 = arith.addi %add3A_35, %mul3A_34 : i32
    "tpu.region"() ({
      %run_scoped3A = tpu.sem_alloc : memref<!tpu.dma_semaphore, #tpu.memory_space<semaphore_mem>>
      %dma_start3A_115 = tpu.memref_slice %arg3[%select_n3A, %add3A_36] : memref<4x4096xi32, #tpu.memory_space<hbm>> -> memref<1x128xi32, #tpu.memory_space<hbm>>
      %dma_start3A_116 = tpu.memref_squeeze %dma_start3A_115 : memref<1x128xi32, #tpu.memory_space<hbm>> -> memref<128xi32, #tpu.memory_space<hbm>>
      %dma_start3A_117 = tpu.memref_slice %arg3[%select_n3A, %add3A_36] : memref<4x4096xi32, #tpu.memory_space<hbm>> -> memref<1x128xi32, #tpu.memory_space<hbm>>
      %dma_start3A_118 = tpu.memref_squeeze %dma_start3A_117 : memref<1x128xi32, #tpu.memory_space<hbm>> -> memref<128xi32, #tpu.memory_space<hbm>>
      tpu.enqueue_dma source(%dma_start3A_118 : memref<128xi32, #tpu.memory_space<hbm>>) target(%arg5 : memref<128xi32, #tpu.memory_space<vmem>>) target_semaphore(%run_scoped3A : memref<!tpu.dma_semaphore, #tpu.memory_space<semaphore_mem>>)
      %dma_wait3A_119 = tpu.memref_slice %arg3[%select_n3A, %add3A_36] : memref<4x4096xi32, #tpu.memory_space<hbm>> -> memref<1x128xi32, #tpu.memory_space<hbm>>
      %dma_wait3A_120 = tpu.memref_squeeze %dma_wait3A_119 : memref<1x128xi32, #tpu.memory_space<hbm>> -> memref<128xi32, #tpu.memory_space<hbm>>
      %dma_wait3A_121 = tpu.memref_slice %arg3[%select_n3A, %add3A_36] : memref<4x4096xi32, #tpu.memory_space<hbm>> -> memref<1x128xi32, #tpu.memory_space<hbm>>
      %dma_wait3A_122 = tpu.memref_squeeze %dma_wait3A_121 : memref<1x128xi32, #tpu.memory_space<hbm>> -> memref<128xi32, #tpu.memory_space<hbm>>
      tpu.wait_dma2 semaphore(%run_scoped3A : memref<!tpu.dma_semaphore, #tpu.memory_space<semaphore_mem>>) src(%dma_wait3A_122 : memref<128xi32, #tpu.memory_space<hbm>>) dst(%arg5 : memref<128xi32, #tpu.memory_space<vmem>>)
      tpu.yield
    }) : () -> ()
    %dma_start3A = arith.constant 0 : i32
    %dma_start3A_37 = tpu.memref_slice %arg5[%dma_start3A] : memref<128xi32, #tpu.memory_space<vmem>> -> memref<32xi32, #tpu.memory_space<vmem>>
    %dma_start3A_38 = arith.constant 0 : i32
    %dma_start3A_39 = arith.constant 0 : i32
    %dma_start3A_40 = tpu.memref_slice %arg2[%dma_start3A_38, %dma_start3A_39] : memref<100000x1024xf32, #tpu.memory_space<hbm>> -> memref<100000x1024xf32, #tpu.memory_space<hbm>>
    tpu.enqueue_indirect_dma source(%dma_start3A_40 : memref<100000x1024xf32, #tpu.memory_space<hbm>>) target(%arg6 : memref<32x1024xf32, #tpu.memory_space<vmem>>) offsets(%dma_start3A_37 : memref<32xi32, #tpu.memory_space<vmem>>) semaphore(%arg9 : memref<!tpu.dma_semaphore, #tpu.memory_space<semaphore_mem>>)
    %dma_start3A_41 = arith.constant 32 : i32
    %dma_start3A_42 = tpu.memref_slice %arg5[%dma_start3A_41] : memref<128xi32, #tpu.memory_space<vmem>> -> memref<32xi32, #tpu.memory_space<vmem>>
    %dma_start3A_43 = arith.constant 0 : i32
    %dma_start3A_44 = arith.constant 0 : i32
    %dma_start3A_45 = tpu.memref_slice %arg2[%dma_start3A_43, %dma_start3A_44] : memref<100000x1024xf32, #tpu.memory_space<hbm>> -> memref<100000x1024xf32, #tpu.memory_space<hbm>>
    tpu.enqueue_indirect_dma source(%dma_start3A_45 : memref<100000x1024xf32, #tpu.memory_space<hbm>>) target(%arg7 : memref<32x1024xf32, #tpu.memory_space<vmem>>) offsets(%dma_start3A_42 : memref<32xi32, #tpu.memory_space<vmem>>) semaphore(%arg10 : memref<!tpu.dma_semaphore, #tpu.memory_space<semaphore_mem>>)
    %dma_wait3A = arith.constant 0 : i32
    %dma_wait3A_46 = tpu.memref_slice %arg5[%dma_wait3A] : memref<128xi32, #tpu.memory_space<vmem>> -> memref<32xi32, #tpu.memory_space<vmem>>
    %dma_wait3A_47 = arith.constant 0 : i32
    %dma_wait3A_48 = arith.constant 0 : i32
    %dma_wait3A_49 = tpu.memref_slice %arg2[%dma_wait3A_47, %dma_wait3A_48] : memref<100000x1024xf32, #tpu.memory_space<hbm>> -> memref<100000x1024xf32, #tpu.memory_space<hbm>>
    tpu.wait_indirect_dma semaphore(%arg9 : memref<!tpu.dma_semaphore, #tpu.memory_space<semaphore_mem>>) src(%dma_wait3A_49 : memref<100000x1024xf32, #tpu.memory_space<hbm>>) dst(%arg6 : memref<32x1024xf32, #tpu.memory_space<vmem>>)
    %dma_start3A_50 = arith.constant 64 : i32
    %dma_start3A_51 = tpu.memref_slice %arg5[%dma_start3A_50] : memref<128xi32, #tpu.memory_space<vmem>> -> memref<32xi32, #tpu.memory_space<vmem>>
    %dma_start3A_52 = arith.constant 0 : i32
    %dma_start3A_53 = arith.constant 0 : i32
    %dma_start3A_54 = tpu.memref_slice %arg2[%dma_start3A_52, %dma_start3A_53] : memref<100000x1024xf32, #tpu.memory_space<hbm>> -> memref<100000x1024xf32, #tpu.memory_space<hbm>>
    tpu.enqueue_indirect_dma source(%dma_start3A_54 : memref<100000x1024xf32, #tpu.memory_space<hbm>>) target(%arg8 : memref<32x1024xf32, #tpu.memory_space<vmem>>) offsets(%dma_start3A_51 : memref<32xi32, #tpu.memory_space<vmem>>) semaphore(%arg11 : memref<!tpu.dma_semaphore, #tpu.memory_space<semaphore_mem>>)
    %add3A_55 = arith.constant 0 : i32
    %add3A_56 = arith.addi %mul3A_2, %add3A_55 : i32
    %dma_start3A_57 = arith.constant 0 : i32
    %dma_start3A_58 = tpu.memref_slice %arg4[%add3A_56, %dma_start3A_57] : memref<4096x1024xf32, #tpu.memory_space<hbm>> -> memref<32x1024xf32, #tpu.memory_space<hbm>>
    %dma_start3A_59 = arith.constant 0 : i32
    %dma_start3A_60 = tpu.memref_slice %arg4[%add3A_56, %dma_start3A_59] : memref<4096x1024xf32, #tpu.memory_space<hbm>> -> memref<32x1024xf32, #tpu.memory_space<hbm>>
    tpu.enqueue_dma source(%arg6 : memref<32x1024xf32, #tpu.memory_space<vmem>>) target(%dma_start3A_60 : memref<32x1024xf32, #tpu.memory_space<hbm>>) target_semaphore(%arg12 : memref<!tpu.dma_semaphore, #tpu.memory_space<semaphore_mem>>)
    %dma_wait3A_61 = arith.constant 32 : i32
    %dma_wait3A_62 = tpu.memref_slice %arg5[%dma_wait3A_61] : memref<128xi32, #tpu.memory_space<vmem>> -> memref<32xi32, #tpu.memory_space<vmem>>
    %dma_wait3A_63 = arith.constant 0 : i32
    %dma_wait3A_64 = arith.constant 0 : i32
    %dma_wait3A_65 = tpu.memref_slice %arg2[%dma_wait3A_63, %dma_wait3A_64] : memref<100000x1024xf32, #tpu.memory_space<hbm>> -> memref<100000x1024xf32, #tpu.memory_space<hbm>>
    tpu.wait_indirect_dma semaphore(%arg10 : memref<!tpu.dma_semaphore, #tpu.memory_space<semaphore_mem>>) src(%dma_wait3A_65 : memref<100000x1024xf32, #tpu.memory_space<hbm>>) dst(%arg7 : memref<32x1024xf32, #tpu.memory_space<vmem>>)
    %dma_wait3A_66 = arith.constant 0 : i32
    %dma_wait3A_67 = tpu.memref_slice %arg4[%add3A_56, %dma_wait3A_66] : memref<4096x1024xf32, #tpu.memory_space<hbm>> -> memref<32x1024xf32, #tpu.memory_space<hbm>>
    %dma_wait3A_68 = arith.constant 0 : i32
    %dma_wait3A_69 = tpu.memref_slice %arg4[%add3A_56, %dma_wait3A_68] : memref<4096x1024xf32, #tpu.memory_space<hbm>> -> memref<32x1024xf32, #tpu.memory_space<hbm>>
    tpu.wait_dma2 semaphore(%arg12 : memref<!tpu.dma_semaphore, #tpu.memory_space<semaphore_mem>>) src(%arg6 : memref<32x1024xf32, #tpu.memory_space<vmem>>) dst(%dma_wait3A_69 : memref<32x1024xf32, #tpu.memory_space<hbm>>)
    %dma_start3A_70 = arith.constant 96 : i32
    %dma_start3A_71 = tpu.memref_slice %arg5[%dma_start3A_70] : memref<128xi32, #tpu.memory_space<vmem>> -> memref<32xi32, #tpu.memory_space<vmem>>
    %dma_start3A_72 = arith.constant 0 : i32
    %dma_start3A_73 = arith.constant 0 : i32
    %dma_start3A_74 = tpu.memref_slice %arg2[%dma_start3A_72, %dma_start3A_73] : memref<100000x1024xf32, #tpu.memory_space<hbm>> -> memref<100000x1024xf32, #tpu.memory_space<hbm>>
    tpu.enqueue_indirect_dma source(%dma_start3A_74 : memref<100000x1024xf32, #tpu.memory_space<hbm>>) target(%arg6 : memref<32x1024xf32, #tpu.memory_space<vmem>>) offsets(%dma_start3A_71 : memref<32xi32, #tpu.memory_space<vmem>>) semaphore(%arg9 : memref<!tpu.dma_semaphore, #tpu.memory_space<semaphore_mem>>)
    %add3A_75 = arith.constant 32 : i32
    %add3A_76 = arith.addi %mul3A_2, %add3A_75 : i32
    %dma_start3A_77 = arith.constant 0 : i32
    %dma_start3A_78 = tpu.memref_slice %arg4[%add3A_76, %dma_start3A_77] : memref<4096x1024xf32, #tpu.memory_space<hbm>> -> memref<32x1024xf32, #tpu.memory_space<hbm>>
    %dma_start3A_79 = arith.constant 0 : i32
    %dma_start3A_80 = tpu.memref_slice %arg4[%add3A_76, %dma_start3A_79] : memref<4096x1024xf32, #tpu.memory_space<hbm>> -> memref<32x1024xf32, #tpu.memory_space<hbm>>
    tpu.enqueue_dma source(%arg7 : memref<32x1024xf32, #tpu.memory_space<vmem>>) target(%dma_start3A_80 : memref<32x1024xf32, #tpu.memory_space<hbm>>) target_semaphore(%arg13 : memref<!tpu.dma_semaphore, #tpu.memory_space<semaphore_mem>>)
    %dma_wait3A_81 = arith.constant 64 : i32
    %dma_wait3A_82 = tpu.memref_slice %arg5[%dma_wait3A_81] : memref<128xi32, #tpu.memory_space<vmem>> -> memref<32xi32, #tpu.memory_space<vmem>>
    %dma_wait3A_83 = arith.constant 0 : i32
    %dma_wait3A_84 = arith.constant 0 : i32
    %dma_wait3A_85 = tpu.memref_slice %arg2[%dma_wait3A_83, %dma_wait3A_84] : memref<100000x1024xf32, #tpu.memory_space<hbm>> -> memref<100000x1024xf32, #tpu.memory_space<hbm>>
    tpu.wait_indirect_dma semaphore(%arg11 : memref<!tpu.dma_semaphore, #tpu.memory_space<semaphore_mem>>) src(%dma_wait3A_85 : memref<100000x1024xf32, #tpu.memory_space<hbm>>) dst(%arg8 : memref<32x1024xf32, #tpu.memory_space<vmem>>)
    %add3A_86 = arith.constant 64 : i32
    %add3A_87 = arith.addi %mul3A_2, %add3A_86 : i32
    %dma_start3A_88 = arith.constant 0 : i32
    %dma_start3A_89 = tpu.memref_slice %arg4[%add3A_87, %dma_start3A_88] : memref<4096x1024xf32, #tpu.memory_space<hbm>> -> memref<32x1024xf32, #tpu.memory_space<hbm>>
    %dma_start3A_90 = arith.constant 0 : i32
    %dma_start3A_91 = tpu.memref_slice %arg4[%add3A_87, %dma_start3A_90] : memref<4096x1024xf32, #tpu.memory_space<hbm>> -> memref<32x1024xf32, #tpu.memory_space<hbm>>
    tpu.enqueue_dma source(%arg8 : memref<32x1024xf32, #tpu.memory_space<vmem>>) target(%dma_start3A_91 : memref<32x1024xf32, #tpu.memory_space<hbm>>) target_semaphore(%arg14 : memref<!tpu.dma_semaphore, #tpu.memory_space<semaphore_mem>>)
    %dma_wait3A_92 = arith.constant 96 : i32
    %dma_wait3A_93 = tpu.memref_slice %arg5[%dma_wait3A_92] : memref<128xi32, #tpu.memory_space<vmem>> -> memref<32xi32, #tpu.memory_space<vmem>>
    %dma_wait3A_94 = arith.constant 0 : i32
    %dma_wait3A_95 = arith.constant 0 : i32
    %dma_wait3A_96 = tpu.memref_slice %arg2[%dma_wait3A_94, %dma_wait3A_95] : memref<100000x1024xf32, #tpu.memory_space<hbm>> -> memref<100000x1024xf32, #tpu.memory_space<hbm>>
    tpu.wait_indirect_dma semaphore(%arg9 : memref<!tpu.dma_semaphore, #tpu.memory_space<semaphore_mem>>) src(%dma_wait3A_96 : memref<100000x1024xf32, #tpu.memory_space<hbm>>) dst(%arg6 : memref<32x1024xf32, #tpu.memory_space<vmem>>)
    %add3A_97 = arith.constant 96 : i32
    %add3A_98 = arith.addi %mul3A_2, %add3A_97 : i32
    %dma_start3A_99 = arith.constant 0 : i32
    %dma_start3A_100 = tpu.memref_slice %arg4[%add3A_98, %dma_start3A_99] : memref<4096x1024xf32, #tpu.memory_space<hbm>> -> memref<32x1024xf32, #tpu.memory_space<hbm>>
    %dma_start3A_101 = arith.constant 0 : i32
    %dma_start3A_102 = tpu.memref_slice %arg4[%add3A_98, %dma_start3A_101] : memref<4096x1024xf32, #tpu.memory_space<hbm>> -> memref<32x1024xf32, #tpu.memory_space<hbm>>
    tpu.enqueue_dma source(%arg6 : memref<32x1024xf32, #tpu.memory_space<vmem>>) target(%dma_start3A_102 : memref<32x1024xf32, #tpu.memory_space<hbm>>) target_semaphore(%arg12 : memref<!tpu.dma_semaphore, #tpu.memory_space<semaphore_mem>>)
    %dma_wait3A_103 = arith.constant 0 : i32
    %dma_wait3A_104 = tpu.memref_slice %arg4[%add3A_76, %dma_wait3A_103] : memref<4096x1024xf32, #tpu.memory_space<hbm>> -> memref<32x1024xf32, #tpu.memory_space<hbm>>
    %dma_wait3A_105 = arith.constant 0 : i32
    %dma_wait3A_106 = tpu.memref_slice %arg4[%add3A_76, %dma_wait3A_105] : memref<4096x1024xf32, #tpu.memory_space<hbm>> -> memref<32x1024xf32, #tpu.memory_space<hbm>>
    tpu.wait_dma2 semaphore(%arg13 : memref<!tpu.dma_semaphore, #tpu.memory_space<semaphore_mem>>) src(%arg7 : memref<32x1024xf32, #tpu.memory_space<vmem>>) dst(%dma_wait3A_106 : memref<32x1024xf32, #tpu.memory_space<hbm>>)
    %dma_wait3A_107 = arith.constant 0 : i32
    %dma_wait3A_108 = tpu.memref_slice %arg4[%add3A_87, %dma_wait3A_107] : memref<4096x1024xf32, #tpu.memory_space<hbm>> -> memref<32x1024xf32, #tpu.memory_space<hbm>>
    %dma_wait3A_109 = arith.constant 0 : i32
    %dma_wait3A_110 = tpu.memref_slice %arg4[%add3A_87, %dma_wait3A_109] : memref<4096x1024xf32, #tpu.memory_space<hbm>> -> memref<32x1024xf32, #tpu.memory_space<hbm>>
    tpu.wait_dma2 semaphore(%arg14 : memref<!tpu.dma_semaphore, #tpu.memory_space<semaphore_mem>>) src(%arg8 : memref<32x1024xf32, #tpu.memory_space<vmem>>) dst(%dma_wait3A_110 : memref<32x1024xf32, #tpu.memory_space<hbm>>)
    %dma_wait3A_111 = arith.constant 0 : i32
    %dma_wait3A_112 = tpu.memref_slice %arg4[%add3A_98, %dma_wait3A_111] : memref<4096x1024xf32, #tpu.memory_space<hbm>> -> memref<32x1024xf32, #tpu.memory_space<hbm>>
    %dma_wait3A_113 = arith.constant 0 : i32
    %dma_wait3A_114 = tpu.memref_slice %arg4[%add3A_98, %dma_wait3A_113] : memref<4096x1024xf32, #tpu.memory_space<hbm>> -> memref<32x1024xf32, #tpu.memory_space<hbm>>
    tpu.wait_dma2 semaphore(%arg12 : memref<!tpu.dma_semaphore, #tpu.memory_space<semaphore_mem>>) src(%arg6 : memref<32x1024xf32, #tpu.memory_space<vmem>>) dst(%dma_wait3A_114 : memref<32x1024xf32, #tpu.memory_space<hbm>>)
    return
  }
}

#map = affine_map<(d0, d1) -> (0, 0)>
module attributes {stable_mosaic.version = 14 : i64} {
  func.func @_sc_gather(%arg0: i32, %arg1: i32, %arg2: memref<100000x1024xf32, #tpu.memory_space<hbm>>, %arg3: memref<4x4096xi32, #tpu.memory_space<hbm>>, %arg4: memref<4096x1024xf32, #tpu.memory_space<hbm>>, %arg5: memref<128xi32, #tpu.memory_space<vmem>>, %arg6: memref<32x1024xf32, #tpu.memory_space<vmem>>, %arg7: memref<32x1024xf32, #tpu.memory_space<vmem>>, %arg8: memref<32x1024xf32, #tpu.memory_space<vmem>>, %arg9: memref<!tpu.dma_semaphore, #tpu.memory_space<semaphore_mem>>, %arg10: memref<!tpu.dma_semaphore, #tpu.memory_space<semaphore_mem>>, %arg11: memref<!tpu.dma_semaphore, #tpu.memory_space<semaphore_mem>>, %arg12: memref<!tpu.dma_semaphore, #tpu.memory_space<semaphore_mem>>, %arg13: memref<!tpu.dma_semaphore, #tpu.memory_space<semaphore_mem>>, %arg14: memref<!tpu.dma_semaphore, #tpu.memory_space<semaphore_mem>>) attributes {dimension_semantics = [#tpu.dimension_semantics<core_parallel>, #tpu.dimension_semantics<subcore_parallel>], iteration_bounds = array<i64: 2, 16>, scalar_prefetch = 0 : i64, scratch_operands = 10 : i64, tpu.core_type = #tpu.core_type<sc_vector_subcore>, window_params = [{transform_indices = #map}, {transform_indices = #map}, {transform_indices = #map}]} {
    %mul3A = arith.constant 2 : i32
    %mul3A_0 = arith.muli %arg1, %mul3A : i32
    %add3A = arith.addi %mul3A_0, %arg0 : i32
    %mul3A_1 = arith.constant 128 : i32
    %mul3A_2 = arith.muli %add3A, %mul3A_1 : i32
    %jit3A = arith.constant 8 : i32
    %div3A = arith.divsi %add3A, %jit3A : i32
    %sign3A = arith.constant 0 : i32
    %sign3A_3 = arith.cmpi sgt, %add3A, %sign3A : i32
    %sign3A_4 = arith.extui %sign3A_3 : i1 to i32
    %sign3A_5 = arith.constant 0 : i32
    %sign3A_6 = arith.cmpi slt, %add3A, %sign3A_5 : i32
    %sign3A_7 = arith.extui %sign3A_6 : i1 to i32
    %sign3A_8 = arith.subi %sign3A_4, %sign3A_7 : i32
    %sign3A_9 = arith.constant 0 : i32
    %sign3A_10 = arith.cmpi sgt, %jit3A, %sign3A_9 : i32
    %sign3A_11 = arith.extui %sign3A_10 : i1 to i32
    %sign3A_12 = arith.constant 0 : i32
    %sign3A_13 = arith.cmpi slt, %jit3A, %sign3A_12 : i32
    %sign3A_14 = arith.extui %sign3A_13 : i1 to i32
    %sign3A_15 = arith.subi %sign3A_11, %sign3A_14 : i32
    %ne3A = arith.cmpi ne, %sign3A_8, %sign3A_15 : i32
    %rem3A = arith.remsi %add3A, %jit3A : i32
    %ne3A_16 = arith.constant 0 : i32
    %ne3A_17 = arith.cmpi ne, %rem3A, %ne3A_16 : i32
    %and3A = arith.andi %ne3A, %ne3A_17 : i1
    %sub3A = arith.constant 1 : i32
    %sub3A_18 = arith.subi %div3A, %sub3A : i32
    %select_n3A = arith.select %and3A, %sub3A_18, %div3A : i32
    %jit3A_19 = arith.constant 8 : i32
    %eq3A = arith.constant 0 : i32
    %eq3A_20 = arith.cmpi eq, %jit3A_19, %eq3A : i32
    %jit3A_21 = arith.constant 1 : i32
    %select_n3A_22 = arith.select %eq3A_20, %jit3A_21, %jit3A_19 : i32
    %rem3A_23 = arith.remsi %add3A, %select_n3A_22 : i32
    %ne3A_24 = arith.constant 0 : i32
    %ne3A_25 = arith.cmpi ne, %rem3A_23, %ne3A_24 : i32
    %lt3A = arith.constant 0 : i32
    %lt3A_26 = arith.cmpi slt, %rem3A_23, %lt3A : i32
    %lt3A_27 = arith.constant 0 : i32
    %lt3A_28 = arith.cmpi slt, %select_n3A_22, %lt3A_27 : i32
    %ne3A_29 = arith.xori %lt3A_26, %lt3A_28 : i1
    %and3A_30 = arith.andi %ne3A_29, %ne3A_25 : i1
    %add3A_31 = arith.addi %rem3A_23, %select_n3A_22 : i32
    %select_n3A_32 = arith.select %and3A_30, %add3A_31, %rem3A_23 : i32
    %mul3A_33 = arith.constant 128 : i32
    %mul3A_34 = arith.muli %select_n3A_32, %mul3A_33 : i32
    %add3A_35 = arith.constant 1024 : i32
    %add3A_36 = arith.addi %add3A_35, %mul3A_34 : i32
    "tpu.region"() ({
      %run_scoped3A = tpu.sem_alloc : memref<!tpu.dma_semaphore, #tpu.memory_space<semaphore_mem>>
      %dma_start3A_115 = tpu.memref_slice %arg3[%select_n3A, %add3A_36] : memref<4x4096xi32, #tpu.memory_space<hbm>> -> memref<1x128xi32, #tpu.memory_space<hbm>>
      %dma_start3A_116 = tpu.memref_squeeze %dma_start3A_115 : memref<1x128xi32, #tpu.memory_space<hbm>> -> memref<128xi32, #tpu.memory_space<hbm>>
      %dma_start3A_117 = tpu.memref_slice %arg3[%select_n3A, %add3A_36] : memref<4x4096xi32, #tpu.memory_space<hbm>> -> memref<1x128xi32, #tpu.memory_space<hbm>>
      %dma_start3A_118 = tpu.memref_squeeze %dma_start3A_117 : memref<1x128xi32, #tpu.memory_space<hbm>> -> memref<128xi32, #tpu.memory_space<hbm>>
      tpu.enqueue_dma source(%dma_start3A_118 : memref<128xi32, #tpu.memory_space<hbm>>) target(%arg5 : memref<128xi32, #tpu.memory_space<vmem>>) target_semaphore(%run_scoped3A : memref<!tpu.dma_semaphore, #tpu.memory_space<semaphore_mem>>)
      %dma_wait3A_119 = tpu.memref_slice %arg3[%select_n3A, %add3A_36] : memref<4x4096xi32, #tpu.memory_space<hbm>> -> memref<1x128xi32, #tpu.memory_space<hbm>>
      %dma_wait3A_120 = tpu.memref_squeeze %dma_wait3A_119 : memref<1x128xi32, #tpu.memory_space<hbm>> -> memref<128xi32, #tpu.memory_space<hbm>>
      %dma_wait3A_121 = tpu.memref_slice %arg3[%select_n3A, %add3A_36] : memref<4x4096xi32, #tpu.memory_space<hbm>> -> memref<1x128xi32, #tpu.memory_space<hbm>>
      %dma_wait3A_122 = tpu.memref_squeeze %dma_wait3A_121 : memref<1x128xi32, #tpu.memory_space<hbm>> -> memref<128xi32, #tpu.memory_space<hbm>>
      tpu.wait_dma2 semaphore(%run_scoped3A : memref<!tpu.dma_semaphore, #tpu.memory_space<semaphore_mem>>) src(%dma_wait3A_122 : memref<128xi32, #tpu.memory_space<hbm>>) dst(%arg5 : memref<128xi32, #tpu.memory_space<vmem>>)
      tpu.yield
    }) : () -> ()
    %dma_start3A = arith.constant 0 : i32
    %dma_start3A_37 = tpu.memref_slice %arg5[%dma_start3A] : memref<128xi32, #tpu.memory_space<vmem>> -> memref<32xi32, #tpu.memory_space<vmem>>
    %dma_start3A_38 = arith.constant 0 : i32
    %dma_start3A_39 = arith.constant 0 : i32
    %dma_start3A_40 = tpu.memref_slice %arg2[%dma_start3A_38, %dma_start3A_39] : memref<100000x1024xf32, #tpu.memory_space<hbm>> -> memref<100000x1024xf32, #tpu.memory_space<hbm>>
    tpu.enqueue_indirect_dma source(%dma_start3A_40 : memref<100000x1024xf32, #tpu.memory_space<hbm>>) target(%arg6 : memref<32x1024xf32, #tpu.memory_space<vmem>>) offsets(%dma_start3A_37 : memref<32xi32, #tpu.memory_space<vmem>>) semaphore(%arg9 : memref<!tpu.dma_semaphore, #tpu.memory_space<semaphore_mem>>)
    %dma_start3A_41 = arith.constant 32 : i32
    %dma_start3A_42 = tpu.memref_slice %arg5[%dma_start3A_41] : memref<128xi32, #tpu.memory_space<vmem>> -> memref<32xi32, #tpu.memory_space<vmem>>
    %dma_start3A_43 = arith.constant 0 : i32
    %dma_start3A_44 = arith.constant 0 : i32
    %dma_start3A_45 = tpu.memref_slice %arg2[%dma_start3A_43, %dma_start3A_44] : memref<100000x1024xf32, #tpu.memory_space<hbm>> -> memref<100000x1024xf32, #tpu.memory_space<hbm>>
    tpu.enqueue_indirect_dma source(%dma_start3A_45 : memref<100000x1024xf32, #tpu.memory_space<hbm>>) target(%arg7 : memref<32x1024xf32, #tpu.memory_space<vmem>>) offsets(%dma_start3A_42 : memref<32xi32, #tpu.memory_space<vmem>>) semaphore(%arg10 : memref<!tpu.dma_semaphore, #tpu.memory_space<semaphore_mem>>)
    %dma_wait3A = arith.constant 0 : i32
    %dma_wait3A_46 = tpu.memref_slice %arg5[%dma_wait3A] : memref<128xi32, #tpu.memory_space<vmem>> -> memref<32xi32, #tpu.memory_space<vmem>>
    %dma_wait3A_47 = arith.constant 0 : i32
    %dma_wait3A_48 = arith.constant 0 : i32
    %dma_wait3A_49 = tpu.memref_slice %arg2[%dma_wait3A_47, %dma_wait3A_48] : memref<100000x1024xf32, #tpu.memory_space<hbm>> -> memref<100000x1024xf32, #tpu.memory_space<hbm>>
    tpu.wait_indirect_dma semaphore(%arg9 : memref<!tpu.dma_semaphore, #tpu.memory_space<semaphore_mem>>) src(%dma_wait3A_49 : memref<100000x1024xf32, #tpu.memory_space<hbm>>) dst(%arg6 : memref<32x1024xf32, #tpu.memory_space<vmem>>)
    %dma_start3A_50 = arith.constant 64 : i32
    %dma_start3A_51 = tpu.memref_slice %arg5[%dma_start3A_50] : memref<128xi32, #tpu.memory_space<vmem>> -> memref<32xi32, #tpu.memory_space<vmem>>
    %dma_start3A_52 = arith.constant 0 : i32
    %dma_start3A_53 = arith.constant 0 : i32
    %dma_start3A_54 = tpu.memref_slice %arg2[%dma_start3A_52, %dma_start3A_53] : memref<100000x1024xf32, #tpu.memory_space<hbm>> -> memref<100000x1024xf32, #tpu.memory_space<hbm>>
    tpu.enqueue_indirect_dma source(%dma_start3A_54 : memref<100000x1024xf32, #tpu.memory_space<hbm>>) target(%arg8 : memref<32x1024xf32, #tpu.memory_space<vmem>>) offsets(%dma_start3A_51 : memref<32xi32, #tpu.memory_space<vmem>>) semaphore(%arg11 : memref<!tpu.dma_semaphore, #tpu.memory_space<semaphore_mem>>)
    %add3A_55 = arith.constant 0 : i32
    %add3A_56 = arith.addi %mul3A_2, %add3A_55 : i32
    %dma_start3A_57 = arith.constant 0 : i32
    %dma_start3A_58 = tpu.memref_slice %arg4[%add3A_56, %dma_start3A_57] : memref<4096x1024xf32, #tpu.memory_space<hbm>> -> memref<32x1024xf32, #tpu.memory_space<hbm>>
    %dma_start3A_59 = arith.constant 0 : i32
    %dma_start3A_60 = tpu.memref_slice %arg4[%add3A_56, %dma_start3A_59] : memref<4096x1024xf32, #tpu.memory_space<hbm>> -> memref<32x1024xf32, #tpu.memory_space<hbm>>
    tpu.enqueue_dma source(%arg6 : memref<32x1024xf32, #tpu.memory_space<vmem>>) target(%dma_start3A_60 : memref<32x1024xf32, #tpu.memory_space<hbm>>) target_semaphore(%arg12 : memref<!tpu.dma_semaphore, #tpu.memory_space<semaphore_mem>>)
    %dma_wait3A_61 = arith.constant 32 : i32
    %dma_wait3A_62 = tpu.memref_slice %arg5[%dma_wait3A_61] : memref<128xi32, #tpu.memory_space<vmem>> -> memref<32xi32, #tpu.memory_space<vmem>>
    %dma_wait3A_63 = arith.constant 0 : i32
    %dma_wait3A_64 = arith.constant 0 : i32
    %dma_wait3A_65 = tpu.memref_slice %arg2[%dma_wait3A_63, %dma_wait3A_64] : memref<100000x1024xf32, #tpu.memory_space<hbm>> -> memref<100000x1024xf32, #tpu.memory_space<hbm>>
    tpu.wait_indirect_dma semaphore(%arg10 : memref<!tpu.dma_semaphore, #tpu.memory_space<semaphore_mem>>) src(%dma_wait3A_65 : memref<100000x1024xf32, #tpu.memory_space<hbm>>) dst(%arg7 : memref<32x1024xf32, #tpu.memory_space<vmem>>)
    %dma_wait3A_66 = arith.constant 0 : i32
    %dma_wait3A_67 = tpu.memref_slice %arg4[%add3A_56, %dma_wait3A_66] : memref<4096x1024xf32, #tpu.memory_space<hbm>> -> memref<32x1024xf32, #tpu.memory_space<hbm>>
    %dma_wait3A_68 = arith.constant 0 : i32
    %dma_wait3A_69 = tpu.memref_slice %arg4[%add3A_56, %dma_wait3A_68] : memref<4096x1024xf32, #tpu.memory_space<hbm>> -> memref<32x1024xf32, #tpu.memory_space<hbm>>
    tpu.wait_dma2 semaphore(%arg12 : memref<!tpu.dma_semaphore, #tpu.memory_space<semaphore_mem>>) src(%arg6 : memref<32x1024xf32, #tpu.memory_space<vmem>>) dst(%dma_wait3A_69 : memref<32x1024xf32, #tpu.memory_space<hbm>>)
    %dma_start3A_70 = arith.constant 96 : i32
    %dma_start3A_71 = tpu.memref_slice %arg5[%dma_start3A_70] : memref<128xi32, #tpu.memory_space<vmem>> -> memref<32xi32, #tpu.memory_space<vmem>>
    %dma_start3A_72 = arith.constant 0 : i32
    %dma_start3A_73 = arith.constant 0 : i32
    %dma_start3A_74 = tpu.memref_slice %arg2[%dma_start3A_72, %dma_start3A_73] : memref<100000x1024xf32, #tpu.memory_space<hbm>> -> memref<100000x1024xf32, #tpu.memory_space<hbm>>
    tpu.enqueue_indirect_dma source(%dma_start3A_74 : memref<100000x1024xf32, #tpu.memory_space<hbm>>) target(%arg6 : memref<32x1024xf32, #tpu.memory_space<vmem>>) offsets(%dma_start3A_71 : memref<32xi32, #tpu.memory_space<vmem>>) semaphore(%arg9 : memref<!tpu.dma_semaphore, #tpu.memory_space<semaphore_mem>>)
    %add3A_75 = arith.constant 32 : i32
    %add3A_76 = arith.addi %mul3A_2, %add3A_75 : i32
    %dma_start3A_77 = arith.constant 0 : i32
    %dma_start3A_78 = tpu.memref_slice %arg4[%add3A_76, %dma_start3A_77] : memref<4096x1024xf32, #tpu.memory_space<hbm>> -> memref<32x1024xf32, #tpu.memory_space<hbm>>
    %dma_start3A_79 = arith.constant 0 : i32
    %dma_start3A_80 = tpu.memref_slice %arg4[%add3A_76, %dma_start3A_79] : memref<4096x1024xf32, #tpu.memory_space<hbm>> -> memref<32x1024xf32, #tpu.memory_space<hbm>>
    tpu.enqueue_dma source(%arg7 : memref<32x1024xf32, #tpu.memory_space<vmem>>) target(%dma_start3A_80 : memref<32x1024xf32, #tpu.memory_space<hbm>>) target_semaphore(%arg13 : memref<!tpu.dma_semaphore, #tpu.memory_space<semaphore_mem>>)
    %dma_wait3A_81 = arith.constant 64 : i32
    %dma_wait3A_82 = tpu.memref_slice %arg5[%dma_wait3A_81] : memref<128xi32, #tpu.memory_space<vmem>> -> memref<32xi32, #tpu.memory_space<vmem>>
    %dma_wait3A_83 = arith.constant 0 : i32
    %dma_wait3A_84 = arith.constant 0 : i32
    %dma_wait3A_85 = tpu.memref_slice %arg2[%dma_wait3A_83, %dma_wait3A_84] : memref<100000x1024xf32, #tpu.memory_space<hbm>> -> memref<100000x1024xf32, #tpu.memory_space<hbm>>
    tpu.wait_indirect_dma semaphore(%arg11 : memref<!tpu.dma_semaphore, #tpu.memory_space<semaphore_mem>>) src(%dma_wait3A_85 : memref<100000x1024xf32, #tpu.memory_space<hbm>>) dst(%arg8 : memref<32x1024xf32, #tpu.memory_space<vmem>>)
    %add3A_86 = arith.constant 64 : i32
    %add3A_87 = arith.addi %mul3A_2, %add3A_86 : i32
    %dma_start3A_88 = arith.constant 0 : i32
    %dma_start3A_89 = tpu.memref_slice %arg4[%add3A_87, %dma_start3A_88] : memref<4096x1024xf32, #tpu.memory_space<hbm>> -> memref<32x1024xf32, #tpu.memory_space<hbm>>
    %dma_start3A_90 = arith.constant 0 : i32
    %dma_start3A_91 = tpu.memref_slice %arg4[%add3A_87, %dma_start3A_90] : memref<4096x1024xf32, #tpu.memory_space<hbm>> -> memref<32x1024xf32, #tpu.memory_space<hbm>>
    tpu.enqueue_dma source(%arg8 : memref<32x1024xf32, #tpu.memory_space<vmem>>) target(%dma_start3A_91 : memref<32x1024xf32, #tpu.memory_space<hbm>>) target_semaphore(%arg14 : memref<!tpu.dma_semaphore, #tpu.memory_space<semaphore_mem>>)
    %dma_wait3A_92 = arith.constant 96 : i32
    %dma_wait3A_93 = tpu.memref_slice %arg5[%dma_wait3A_92] : memref<128xi32, #tpu.memory_space<vmem>> -> memref<32xi32, #tpu.memory_space<vmem>>
    %dma_wait3A_94 = arith.constant 0 : i32
    %dma_wait3A_95 = arith.constant 0 : i32
    %dma_wait3A_96 = tpu.memref_slice %arg2[%dma_wait3A_94, %dma_wait3A_95] : memref<100000x1024xf32, #tpu.memory_space<hbm>> -> memref<100000x1024xf32, #tpu.memory_space<hbm>>
    tpu.wait_indirect_dma semaphore(%arg9 : memref<!tpu.dma_semaphore, #tpu.memory_space<semaphore_mem>>) src(%dma_wait3A_96 : memref<100000x1024xf32, #tpu.memory_space<hbm>>) dst(%arg6 : memref<32x1024xf32, #tpu.memory_space<vmem>>)
    %add3A_97 = arith.constant 96 : i32
    %add3A_98 = arith.addi %mul3A_2, %add3A_97 : i32
    %dma_start3A_99 = arith.constant 0 : i32
    %dma_start3A_100 = tpu.memref_slice %arg4[%add3A_98, %dma_start3A_99] : memref<4096x1024xf32, #tpu.memory_space<hbm>> -> memref<32x1024xf32, #tpu.memory_space<hbm>>
    %dma_start3A_101 = arith.constant 0 : i32
    %dma_start3A_102 = tpu.memref_slice %arg4[%add3A_98, %dma_start3A_101] : memref<4096x1024xf32, #tpu.memory_space<hbm>> -> memref<32x1024xf32, #tpu.memory_space<hbm>>
    tpu.enqueue_dma source(%arg6 : memref<32x1024xf32, #tpu.memory_space<vmem>>) target(%dma_start3A_102 : memref<32x1024xf32, #tpu.memory_space<hbm>>) target_semaphore(%arg12 : memref<!tpu.dma_semaphore, #tpu.memory_space<semaphore_mem>>)
    %dma_wait3A_103 = arith.constant 0 : i32
    %dma_wait3A_104 = tpu.memref_slice %arg4[%add3A_76, %dma_wait3A_103] : memref<4096x1024xf32, #tpu.memory_space<hbm>> -> memref<32x1024xf32, #tpu.memory_space<hbm>>
    %dma_wait3A_105 = arith.constant 0 : i32
    %dma_wait3A_106 = tpu.memref_slice %arg4[%add3A_76, %dma_wait3A_105] : memref<4096x1024xf32, #tpu.memory_space<hbm>> -> memref<32x1024xf32, #tpu.memory_space<hbm>>
    tpu.wait_dma2 semaphore(%arg13 : memref<!tpu.dma_semaphore, #tpu.memory_space<semaphore_mem>>) src(%arg7 : memref<32x1024xf32, #tpu.memory_space<vmem>>) dst(%dma_wait3A_106 : memref<32x1024xf32, #tpu.memory_space<hbm>>)
    %dma_wait3A_107 = arith.constant 0 : i32
    %dma_wait3A_108 = tpu.memref_slice %arg4[%add3A_87, %dma_wait3A_107] : memref<4096x1024xf32, #tpu.memory_space<hbm>> -> memref<32x1024xf32, #tpu.memory_space<hbm>>
    %dma_wait3A_109 = arith.constant 0 : i32
    %dma_wait3A_110 = tpu.memref_slice %arg4[%add3A_87, %dma_wait3A_109] : memref<4096x1024xf32, #tpu.memory_space<hbm>> -> memref<32x1024xf32, #tpu.memory_space<hbm>>
    tpu.wait_dma2 semaphore(%arg14 : memref<!tpu.dma_semaphore, #tpu.memory_space<semaphore_mem>>) src(%arg8 : memref<32x1024xf32, #tpu.memory_space<vmem>>) dst(%dma_wait3A_110 : memref<32x1024xf32, #tpu.memory_space<hbm>>)
    %dma_wait3A_111 = arith.constant 0 : i32
    %dma_wait3A_112 = tpu.memref_slice %arg4[%add3A_98, %dma_wait3A_111] : memref<4096x1024xf32, #tpu.memory_space<hbm>> -> memref<32x1024xf32, #tpu.memory_space<hbm>>
    %dma_wait3A_113 = arith.constant 0 : i32
    %dma_wait3A_114 = tpu.memref_slice %arg4[%add3A_98, %dma_wait3A_113] : memref<4096x1024xf32, #tpu.memory_space<hbm>> -> memref<32x1024xf32, #tpu.memory_space<hbm>>
    tpu.wait_dma2 semaphore(%arg12 : memref<!tpu.dma_semaphore, #tpu.memory_space<semaphore_mem>>) src(%arg6 : memref<32x1024xf32, #tpu.memory_space<vmem>>) dst(%dma_wait3A_114 : memref<32x1024xf32, #tpu.memory_space<hbm>>)
    return
  }
}

#map = affine_map<(d0, d1) -> (0, 0)>
module attributes {stable_mosaic.version = 14 : i64} {
  func.func @_sc_gather(%arg0: i32, %arg1: i32, %arg2: memref<100000x1024xf32, #tpu.memory_space<hbm>>, %arg3: memref<4x4096xi32, #tpu.memory_space<hbm>>, %arg4: memref<4096x1024xf32, #tpu.memory_space<hbm>>, %arg5: memref<128xi32, #tpu.memory_space<vmem>>, %arg6: memref<32x1024xf32, #tpu.memory_space<vmem>>, %arg7: memref<32x1024xf32, #tpu.memory_space<vmem>>, %arg8: memref<32x1024xf32, #tpu.memory_space<vmem>>, %arg9: memref<!tpu.dma_semaphore, #tpu.memory_space<semaphore_mem>>, %arg10: memref<!tpu.dma_semaphore, #tpu.memory_space<semaphore_mem>>, %arg11: memref<!tpu.dma_semaphore, #tpu.memory_space<semaphore_mem>>, %arg12: memref<!tpu.dma_semaphore, #tpu.memory_space<semaphore_mem>>, %arg13: memref<!tpu.dma_semaphore, #tpu.memory_space<semaphore_mem>>, %arg14: memref<!tpu.dma_semaphore, #tpu.memory_space<semaphore_mem>>) attributes {dimension_semantics = [#tpu.dimension_semantics<core_parallel>, #tpu.dimension_semantics<subcore_parallel>], iteration_bounds = array<i64: 2, 16>, scalar_prefetch = 0 : i64, scratch_operands = 10 : i64, tpu.core_type = #tpu.core_type<sc_vector_subcore>, window_params = [{transform_indices = #map}, {transform_indices = #map}, {transform_indices = #map}]} {
    %mul3A = arith.constant 2 : i32
    %mul3A_0 = arith.muli %arg1, %mul3A : i32
    %add3A = arith.addi %mul3A_0, %arg0 : i32
    %mul3A_1 = arith.constant 128 : i32
    %mul3A_2 = arith.muli %add3A, %mul3A_1 : i32
    %jit3A = arith.constant 8 : i32
    %div3A = arith.divsi %add3A, %jit3A : i32
    %sign3A = arith.constant 0 : i32
    %sign3A_3 = arith.cmpi sgt, %add3A, %sign3A : i32
    %sign3A_4 = arith.extui %sign3A_3 : i1 to i32
    %sign3A_5 = arith.constant 0 : i32
    %sign3A_6 = arith.cmpi slt, %add3A, %sign3A_5 : i32
    %sign3A_7 = arith.extui %sign3A_6 : i1 to i32
    %sign3A_8 = arith.subi %sign3A_4, %sign3A_7 : i32
    %sign3A_9 = arith.constant 0 : i32
    %sign3A_10 = arith.cmpi sgt, %jit3A, %sign3A_9 : i32
    %sign3A_11 = arith.extui %sign3A_10 : i1 to i32
    %sign3A_12 = arith.constant 0 : i32
    %sign3A_13 = arith.cmpi slt, %jit3A, %sign3A_12 : i32
    %sign3A_14 = arith.extui %sign3A_13 : i1 to i32
    %sign3A_15 = arith.subi %sign3A_11, %sign3A_14 : i32
    %ne3A = arith.cmpi ne, %sign3A_8, %sign3A_15 : i32
    %rem3A = arith.remsi %add3A, %jit3A : i32
    %ne3A_16 = arith.constant 0 : i32
    %ne3A_17 = arith.cmpi ne, %rem3A, %ne3A_16 : i32
    %and3A = arith.andi %ne3A, %ne3A_17 : i1
    %sub3A = arith.constant 1 : i32
    %sub3A_18 = arith.subi %div3A, %sub3A : i32
    %select_n3A = arith.select %and3A, %sub3A_18, %div3A : i32
    %jit3A_19 = arith.constant 8 : i32
    %eq3A = arith.constant 0 : i32
    %eq3A_20 = arith.cmpi eq, %jit3A_19, %eq3A : i32
    %jit3A_21 = arith.constant 1 : i32
    %select_n3A_22 = arith.select %eq3A_20, %jit3A_21, %jit3A_19 : i32
    %rem3A_23 = arith.remsi %add3A, %select_n3A_22 : i32
    %ne3A_24 = arith.constant 0 : i32
    %ne3A_25 = arith.cmpi ne, %rem3A_23, %ne3A_24 : i32
    %lt3A = arith.constant 0 : i32
    %lt3A_26 = arith.cmpi slt, %rem3A_23, %lt3A : i32
    %lt3A_27 = arith.constant 0 : i32
    %lt3A_28 = arith.cmpi slt, %select_n3A_22, %lt3A_27 : i32
    %ne3A_29 = arith.xori %lt3A_26, %lt3A_28 : i1
    %and3A_30 = arith.andi %ne3A_29, %ne3A_25 : i1
    %add3A_31 = arith.addi %rem3A_23, %select_n3A_22 : i32
    %select_n3A_32 = arith.select %and3A_30, %add3A_31, %rem3A_23 : i32
    %mul3A_33 = arith.constant 128 : i32
    %mul3A_34 = arith.muli %select_n3A_32, %mul3A_33 : i32
    %add3A_35 = arith.constant 2048 : i32
    %add3A_36 = arith.addi %add3A_35, %mul3A_34 : i32
    "tpu.region"() ({
      %run_scoped3A = tpu.sem_alloc : memref<!tpu.dma_semaphore, #tpu.memory_space<semaphore_mem>>
      %dma_start3A_115 = tpu.memref_slice %arg3[%select_n3A, %add3A_36] : memref<4x4096xi32, #tpu.memory_space<hbm>> -> memref<1x128xi32, #tpu.memory_space<hbm>>
      %dma_start3A_116 = tpu.memref_squeeze %dma_start3A_115 : memref<1x128xi32, #tpu.memory_space<hbm>> -> memref<128xi32, #tpu.memory_space<hbm>>
      %dma_start3A_117 = tpu.memref_slice %arg3[%select_n3A, %add3A_36] : memref<4x4096xi32, #tpu.memory_space<hbm>> -> memref<1x128xi32, #tpu.memory_space<hbm>>
      %dma_start3A_118 = tpu.memref_squeeze %dma_start3A_117 : memref<1x128xi32, #tpu.memory_space<hbm>> -> memref<128xi32, #tpu.memory_space<hbm>>
      tpu.enqueue_dma source(%dma_start3A_118 : memref<128xi32, #tpu.memory_space<hbm>>) target(%arg5 : memref<128xi32, #tpu.memory_space<vmem>>) target_semaphore(%run_scoped3A : memref<!tpu.dma_semaphore, #tpu.memory_space<semaphore_mem>>)
      %dma_wait3A_119 = tpu.memref_slice %arg3[%select_n3A, %add3A_36] : memref<4x4096xi32, #tpu.memory_space<hbm>> -> memref<1x128xi32, #tpu.memory_space<hbm>>
      %dma_wait3A_120 = tpu.memref_squeeze %dma_wait3A_119 : memref<1x128xi32, #tpu.memory_space<hbm>> -> memref<128xi32, #tpu.memory_space<hbm>>
      %dma_wait3A_121 = tpu.memref_slice %arg3[%select_n3A, %add3A_36] : memref<4x4096xi32, #tpu.memory_space<hbm>> -> memref<1x128xi32, #tpu.memory_space<hbm>>
      %dma_wait3A_122 = tpu.memref_squeeze %dma_wait3A_121 : memref<1x128xi32, #tpu.memory_space<hbm>> -> memref<128xi32, #tpu.memory_space<hbm>>
      tpu.wait_dma2 semaphore(%run_scoped3A : memref<!tpu.dma_semaphore, #tpu.memory_space<semaphore_mem>>) src(%dma_wait3A_122 : memref<128xi32, #tpu.memory_space<hbm>>) dst(%arg5 : memref<128xi32, #tpu.memory_space<vmem>>)
      tpu.yield
    }) : () -> ()
    %dma_start3A = arith.constant 0 : i32
    %dma_start3A_37 = tpu.memref_slice %arg5[%dma_start3A] : memref<128xi32, #tpu.memory_space<vmem>> -> memref<32xi32, #tpu.memory_space<vmem>>
    %dma_start3A_38 = arith.constant 0 : i32
    %dma_start3A_39 = arith.constant 0 : i32
    %dma_start3A_40 = tpu.memref_slice %arg2[%dma_start3A_38, %dma_start3A_39] : memref<100000x1024xf32, #tpu.memory_space<hbm>> -> memref<100000x1024xf32, #tpu.memory_space<hbm>>
    tpu.enqueue_indirect_dma source(%dma_start3A_40 : memref<100000x1024xf32, #tpu.memory_space<hbm>>) target(%arg6 : memref<32x1024xf32, #tpu.memory_space<vmem>>) offsets(%dma_start3A_37 : memref<32xi32, #tpu.memory_space<vmem>>) semaphore(%arg9 : memref<!tpu.dma_semaphore, #tpu.memory_space<semaphore_mem>>)
    %dma_start3A_41 = arith.constant 32 : i32
    %dma_start3A_42 = tpu.memref_slice %arg5[%dma_start3A_41] : memref<128xi32, #tpu.memory_space<vmem>> -> memref<32xi32, #tpu.memory_space<vmem>>
    %dma_start3A_43 = arith.constant 0 : i32
    %dma_start3A_44 = arith.constant 0 : i32
    %dma_start3A_45 = tpu.memref_slice %arg2[%dma_start3A_43, %dma_start3A_44] : memref<100000x1024xf32, #tpu.memory_space<hbm>> -> memref<100000x1024xf32, #tpu.memory_space<hbm>>
    tpu.enqueue_indirect_dma source(%dma_start3A_45 : memref<100000x1024xf32, #tpu.memory_space<hbm>>) target(%arg7 : memref<32x1024xf32, #tpu.memory_space<vmem>>) offsets(%dma_start3A_42 : memref<32xi32, #tpu.memory_space<vmem>>) semaphore(%arg10 : memref<!tpu.dma_semaphore, #tpu.memory_space<semaphore_mem>>)
    %dma_wait3A = arith.constant 0 : i32
    %dma_wait3A_46 = tpu.memref_slice %arg5[%dma_wait3A] : memref<128xi32, #tpu.memory_space<vmem>> -> memref<32xi32, #tpu.memory_space<vmem>>
    %dma_wait3A_47 = arith.constant 0 : i32
    %dma_wait3A_48 = arith.constant 0 : i32
    %dma_wait3A_49 = tpu.memref_slice %arg2[%dma_wait3A_47, %dma_wait3A_48] : memref<100000x1024xf32, #tpu.memory_space<hbm>> -> memref<100000x1024xf32, #tpu.memory_space<hbm>>
    tpu.wait_indirect_dma semaphore(%arg9 : memref<!tpu.dma_semaphore, #tpu.memory_space<semaphore_mem>>) src(%dma_wait3A_49 : memref<100000x1024xf32, #tpu.memory_space<hbm>>) dst(%arg6 : memref<32x1024xf32, #tpu.memory_space<vmem>>)
    %dma_start3A_50 = arith.constant 64 : i32
    %dma_start3A_51 = tpu.memref_slice %arg5[%dma_start3A_50] : memref<128xi32, #tpu.memory_space<vmem>> -> memref<32xi32, #tpu.memory_space<vmem>>
    %dma_start3A_52 = arith.constant 0 : i32
    %dma_start3A_53 = arith.constant 0 : i32
    %dma_start3A_54 = tpu.memref_slice %arg2[%dma_start3A_52, %dma_start3A_53] : memref<100000x1024xf32, #tpu.memory_space<hbm>> -> memref<100000x1024xf32, #tpu.memory_space<hbm>>
    tpu.enqueue_indirect_dma source(%dma_start3A_54 : memref<100000x1024xf32, #tpu.memory_space<hbm>>) target(%arg8 : memref<32x1024xf32, #tpu.memory_space<vmem>>) offsets(%dma_start3A_51 : memref<32xi32, #tpu.memory_space<vmem>>) semaphore(%arg11 : memref<!tpu.dma_semaphore, #tpu.memory_space<semaphore_mem>>)
    %add3A_55 = arith.constant 0 : i32
    %add3A_56 = arith.addi %mul3A_2, %add3A_55 : i32
    %dma_start3A_57 = arith.constant 0 : i32
    %dma_start3A_58 = tpu.memref_slice %arg4[%add3A_56, %dma_start3A_57] : memref<4096x1024xf32, #tpu.memory_space<hbm>> -> memref<32x1024xf32, #tpu.memory_space<hbm>>
    %dma_start3A_59 = arith.constant 0 : i32
    %dma_start3A_60 = tpu.memref_slice %arg4[%add3A_56, %dma_start3A_59] : memref<4096x1024xf32, #tpu.memory_space<hbm>> -> memref<32x1024xf32, #tpu.memory_space<hbm>>
    tpu.enqueue_dma source(%arg6 : memref<32x1024xf32, #tpu.memory_space<vmem>>) target(%dma_start3A_60 : memref<32x1024xf32, #tpu.memory_space<hbm>>) target_semaphore(%arg12 : memref<!tpu.dma_semaphore, #tpu.memory_space<semaphore_mem>>)
    %dma_wait3A_61 = arith.constant 32 : i32
    %dma_wait3A_62 = tpu.memref_slice %arg5[%dma_wait3A_61] : memref<128xi32, #tpu.memory_space<vmem>> -> memref<32xi32, #tpu.memory_space<vmem>>
    %dma_wait3A_63 = arith.constant 0 : i32
    %dma_wait3A_64 = arith.constant 0 : i32
    %dma_wait3A_65 = tpu.memref_slice %arg2[%dma_wait3A_63, %dma_wait3A_64] : memref<100000x1024xf32, #tpu.memory_space<hbm>> -> memref<100000x1024xf32, #tpu.memory_space<hbm>>
    tpu.wait_indirect_dma semaphore(%arg10 : memref<!tpu.dma_semaphore, #tpu.memory_space<semaphore_mem>>) src(%dma_wait3A_65 : memref<100000x1024xf32, #tpu.memory_space<hbm>>) dst(%arg7 : memref<32x1024xf32, #tpu.memory_space<vmem>>)
    %dma_wait3A_66 = arith.constant 0 : i32
    %dma_wait3A_67 = tpu.memref_slice %arg4[%add3A_56, %dma_wait3A_66] : memref<4096x1024xf32, #tpu.memory_space<hbm>> -> memref<32x1024xf32, #tpu.memory_space<hbm>>
    %dma_wait3A_68 = arith.constant 0 : i32
    %dma_wait3A_69 = tpu.memref_slice %arg4[%add3A_56, %dma_wait3A_68] : memref<4096x1024xf32, #tpu.memory_space<hbm>> -> memref<32x1024xf32, #tpu.memory_space<hbm>>
    tpu.wait_dma2 semaphore(%arg12 : memref<!tpu.dma_semaphore, #tpu.memory_space<semaphore_mem>>) src(%arg6 : memref<32x1024xf32, #tpu.memory_space<vmem>>) dst(%dma_wait3A_69 : memref<32x1024xf32, #tpu.memory_space<hbm>>)
    %dma_start3A_70 = arith.constant 96 : i32
    %dma_start3A_71 = tpu.memref_slice %arg5[%dma_start3A_70] : memref<128xi32, #tpu.memory_space<vmem>> -> memref<32xi32, #tpu.memory_space<vmem>>
    %dma_start3A_72 = arith.constant 0 : i32
    %dma_start3A_73 = arith.constant 0 : i32
    %dma_start3A_74 = tpu.memref_slice %arg2[%dma_start3A_72, %dma_start3A_73] : memref<100000x1024xf32, #tpu.memory_space<hbm>> -> memref<100000x1024xf32, #tpu.memory_space<hbm>>
    tpu.enqueue_indirect_dma source(%dma_start3A_74 : memref<100000x1024xf32, #tpu.memory_space<hbm>>) target(%arg6 : memref<32x1024xf32, #tpu.memory_space<vmem>>) offsets(%dma_start3A_71 : memref<32xi32, #tpu.memory_space<vmem>>) semaphore(%arg9 : memref<!tpu.dma_semaphore, #tpu.memory_space<semaphore_mem>>)
    %add3A_75 = arith.constant 32 : i32
    %add3A_76 = arith.addi %mul3A_2, %add3A_75 : i32
    %dma_start3A_77 = arith.constant 0 : i32
    %dma_start3A_78 = tpu.memref_slice %arg4[%add3A_76, %dma_start3A_77] : memref<4096x1024xf32, #tpu.memory_space<hbm>> -> memref<32x1024xf32, #tpu.memory_space<hbm>>
    %dma_start3A_79 = arith.constant 0 : i32
    %dma_start3A_80 = tpu.memref_slice %arg4[%add3A_76, %dma_start3A_79] : memref<4096x1024xf32, #tpu.memory_space<hbm>> -> memref<32x1024xf32, #tpu.memory_space<hbm>>
    tpu.enqueue_dma source(%arg7 : memref<32x1024xf32, #tpu.memory_space<vmem>>) target(%dma_start3A_80 : memref<32x1024xf32, #tpu.memory_space<hbm>>) target_semaphore(%arg13 : memref<!tpu.dma_semaphore, #tpu.memory_space<semaphore_mem>>)
    %dma_wait3A_81 = arith.constant 64 : i32
    %dma_wait3A_82 = tpu.memref_slice %arg5[%dma_wait3A_81] : memref<128xi32, #tpu.memory_space<vmem>> -> memref<32xi32, #tpu.memory_space<vmem>>
    %dma_wait3A_83 = arith.constant 0 : i32
    %dma_wait3A_84 = arith.constant 0 : i32
    %dma_wait3A_85 = tpu.memref_slice %arg2[%dma_wait3A_83, %dma_wait3A_84] : memref<100000x1024xf32, #tpu.memory_space<hbm>> -> memref<100000x1024xf32, #tpu.memory_space<hbm>>
    tpu.wait_indirect_dma semaphore(%arg11 : memref<!tpu.dma_semaphore, #tpu.memory_space<semaphore_mem>>) src(%dma_wait3A_85 : memref<100000x1024xf32, #tpu.memory_space<hbm>>) dst(%arg8 : memref<32x1024xf32, #tpu.memory_space<vmem>>)
    %add3A_86 = arith.constant 64 : i32
    %add3A_87 = arith.addi %mul3A_2, %add3A_86 : i32
    %dma_start3A_88 = arith.constant 0 : i32
    %dma_start3A_89 = tpu.memref_slice %arg4[%add3A_87, %dma_start3A_88] : memref<4096x1024xf32, #tpu.memory_space<hbm>> -> memref<32x1024xf32, #tpu.memory_space<hbm>>
    %dma_start3A_90 = arith.constant 0 : i32
    %dma_start3A_91 = tpu.memref_slice %arg4[%add3A_87, %dma_start3A_90] : memref<4096x1024xf32, #tpu.memory_space<hbm>> -> memref<32x1024xf32, #tpu.memory_space<hbm>>
    tpu.enqueue_dma source(%arg8 : memref<32x1024xf32, #tpu.memory_space<vmem>>) target(%dma_start3A_91 : memref<32x1024xf32, #tpu.memory_space<hbm>>) target_semaphore(%arg14 : memref<!tpu.dma_semaphore, #tpu.memory_space<semaphore_mem>>)
    %dma_wait3A_92 = arith.constant 96 : i32
    %dma_wait3A_93 = tpu.memref_slice %arg5[%dma_wait3A_92] : memref<128xi32, #tpu.memory_space<vmem>> -> memref<32xi32, #tpu.memory_space<vmem>>
    %dma_wait3A_94 = arith.constant 0 : i32
    %dma_wait3A_95 = arith.constant 0 : i32
    %dma_wait3A_96 = tpu.memref_slice %arg2[%dma_wait3A_94, %dma_wait3A_95] : memref<100000x1024xf32, #tpu.memory_space<hbm>> -> memref<100000x1024xf32, #tpu.memory_space<hbm>>
    tpu.wait_indirect_dma semaphore(%arg9 : memref<!tpu.dma_semaphore, #tpu.memory_space<semaphore_mem>>) src(%dma_wait3A_96 : memref<100000x1024xf32, #tpu.memory_space<hbm>>) dst(%arg6 : memref<32x1024xf32, #tpu.memory_space<vmem>>)
    %add3A_97 = arith.constant 96 : i32
    %add3A_98 = arith.addi %mul3A_2, %add3A_97 : i32
    %dma_start3A_99 = arith.constant 0 : i32
    %dma_start3A_100 = tpu.memref_slice %arg4[%add3A_98, %dma_start3A_99] : memref<4096x1024xf32, #tpu.memory_space<hbm>> -> memref<32x1024xf32, #tpu.memory_space<hbm>>
    %dma_start3A_101 = arith.constant 0 : i32
    %dma_start3A_102 = tpu.memref_slice %arg4[%add3A_98, %dma_start3A_101] : memref<4096x1024xf32, #tpu.memory_space<hbm>> -> memref<32x1024xf32, #tpu.memory_space<hbm>>
    tpu.enqueue_dma source(%arg6 : memref<32x1024xf32, #tpu.memory_space<vmem>>) target(%dma_start3A_102 : memref<32x1024xf32, #tpu.memory_space<hbm>>) target_semaphore(%arg12 : memref<!tpu.dma_semaphore, #tpu.memory_space<semaphore_mem>>)
    %dma_wait3A_103 = arith.constant 0 : i32
    %dma_wait3A_104 = tpu.memref_slice %arg4[%add3A_76, %dma_wait3A_103] : memref<4096x1024xf32, #tpu.memory_space<hbm>> -> memref<32x1024xf32, #tpu.memory_space<hbm>>
    %dma_wait3A_105 = arith.constant 0 : i32
    %dma_wait3A_106 = tpu.memref_slice %arg4[%add3A_76, %dma_wait3A_105] : memref<4096x1024xf32, #tpu.memory_space<hbm>> -> memref<32x1024xf32, #tpu.memory_space<hbm>>
    tpu.wait_dma2 semaphore(%arg13 : memref<!tpu.dma_semaphore, #tpu.memory_space<semaphore_mem>>) src(%arg7 : memref<32x1024xf32, #tpu.memory_space<vmem>>) dst(%dma_wait3A_106 : memref<32x1024xf32, #tpu.memory_space<hbm>>)
    %dma_wait3A_107 = arith.constant 0 : i32
    %dma_wait3A_108 = tpu.memref_slice %arg4[%add3A_87, %dma_wait3A_107] : memref<4096x1024xf32, #tpu.memory_space<hbm>> -> memref<32x1024xf32, #tpu.memory_space<hbm>>
    %dma_wait3A_109 = arith.constant 0 : i32
    %dma_wait3A_110 = tpu.memref_slice %arg4[%add3A_87, %dma_wait3A_109] : memref<4096x1024xf32, #tpu.memory_space<hbm>> -> memref<32x1024xf32, #tpu.memory_space<hbm>>
    tpu.wait_dma2 semaphore(%arg14 : memref<!tpu.dma_semaphore, #tpu.memory_space<semaphore_mem>>) src(%arg8 : memref<32x1024xf32, #tpu.memory_space<vmem>>) dst(%dma_wait3A_110 : memref<32x1024xf32, #tpu.memory_space<hbm>>)
    %dma_wait3A_111 = arith.constant 0 : i32
    %dma_wait3A_112 = tpu.memref_slice %arg4[%add3A_98, %dma_wait3A_111] : memref<4096x1024xf32, #tpu.memory_space<hbm>> -> memref<32x1024xf32, #tpu.memory_space<hbm>>
    %dma_wait3A_113 = arith.constant 0 : i32
    %dma_wait3A_114 = tpu.memref_slice %arg4[%add3A_98, %dma_wait3A_113] : memref<4096x1024xf32, #tpu.memory_space<hbm>> -> memref<32x1024xf32, #tpu.memory_space<hbm>>
    tpu.wait_dma2 semaphore(%arg12 : memref<!tpu.dma_semaphore, #tpu.memory_space<semaphore_mem>>) src(%arg6 : memref<32x1024xf32, #tpu.memory_space<vmem>>) dst(%dma_wait3A_114 : memref<32x1024xf32, #tpu.memory_space<hbm>>)
    return
  }
}

module attributes {stable_mosaic.version = 14 : i64} {
  func.func @_ln_acc_body(%arg0: i32, %arg1: i32, %arg2: memref<16384x1024xf32, #tpu.memory_space<any>>, %arg3: memref<1x1x1024xi32, #tpu.memory_space<vmem>>, %arg4: memref<1024x1024xf32, #tpu.memory_space<vmem>>, %arg5: memref<1024x1024xf32, #tpu.memory_space<vmem>>, %arg6: memref<2x1024xf32, #tpu.memory_space<vmem>>, %arg7: memref<1024xf32, #tpu.memory_space<vmem>>, %arg8: memref<1024xf32, #tpu.memory_space<vmem>>, %arg9: memref<1024x1024xf32, #tpu.memory_space<vmem>>) attributes {dimension_semantics = [#tpu.dimension_semantics<arbitrary>, #tpu.dimension_semantics<arbitrary>], iteration_bounds = array<i64: 1, 4>, scalar_prefetch = 0 : i64, scratch_operands = 0 : i64, tpu.core_type = #tpu.core_type<tc>, window_params = [{}, {transform_indices = @transform_1, window_bounds = array<i64: 1, 1, 1024>}, {transform_indices = @transform_2, window_bounds = array<i64: 1024, 1024>}, {transform_indices = @transform_3, window_bounds = array<i64: 1024, 1024>}, {pipeline_mode = #tpu.pipeline_mode<synchronous>, transform_indices = @transform_4, window_bounds = array<i64: 2, 1024>}, {pipeline_mode = #tpu.pipeline_mode<synchronous>, transform_indices = @transform_5, window_bounds = array<i64: 1024>}, {pipeline_mode = #tpu.pipeline_mode<synchronous>, transform_indices = @transform_6, window_bounds = array<i64: 1024>}, {transform_indices = @transform_7, window_bounds = array<i64: 1024, 1024>}]} {
    %get3A = arith.constant 0 : index
    %get3A_0 = arith.constant 0 : index
    %get3A_1 = vector.load %arg4[%get3A, %get3A_0] : memref<1024x1024xf32, #tpu.memory_space<vmem>>, vector<1024x1024xf32>
    %get3A_2 = arith.constant 0 : index
    %get3A_3 = arith.constant 0 : index
    %get3A_4 = vector.load %arg5[%get3A_2, %get3A_3] : memref<1024x1024xf32, #tpu.memory_space<vmem>>, vector<1024x1024xf32>
    %add3A = arith.addf %get3A_1, %get3A_4 : vector<1024x1024xf32>
    %get3A_5 = arith.constant 0 : index
    %get3A_6 = arith.constant 0 : index
    %get3A_7 = vector.load %arg6[%get3A_5, %get3A_6] : memref<2x1024xf32, #tpu.memory_space<vmem>>, vector<1x1024xf32>
    %add3A_8 = vector.broadcast %get3A_7 : vector<1x1024xf32> to vector<1024x1024xf32>
    %add3A_9 = arith.addf %add3A, %add3A_8 : vector<1024x1024xf32>
    %reduce_sum3A = arith.constant dense<0.000000e+00> : vector<1024xf32>
    %reduce_sum3A_10 = vector.multi_reduction <add>, %add3A_9, %reduce_sum3A [1] : vector<1024x1024xf32> to vector<1024xf32>
    %broadcast_in_dim3A = vector.shape_cast %reduce_sum3A_10 : vector<1024xf32> to vector<1024x1xf32>
    %div3A = arith.constant 1.024000e+03 : f32
    %div3A_11 = vector.broadcast %div3A : f32 to vector<1024x1xf32>
    %div3A_12 = arith.divf %broadcast_in_dim3A, %div3A_11 : vector<1024x1xf32>
    %sub3A = vector.broadcast %div3A_12 : vector<1024x1xf32> to vector<1024x1024xf32>
    %sub3A_13 = arith.subf %add3A_9, %sub3A : vector<1024x1024xf32>
    %mul3A = arith.mulf %sub3A_13, %sub3A_13 : vector<1024x1024xf32>
    %reduce_sum3A_14 = arith.constant dense<0.000000e+00> : vector<1024xf32>
    %reduce_sum3A_15 = vector.multi_reduction <add>, %mul3A, %reduce_sum3A_14 [1] : vector<1024x1024xf32> to vector<1024xf32>
    %broadcast_in_dim3A_16 = vector.shape_cast %reduce_sum3A_15 : vector<1024xf32> to vector<1024x1xf32>
    %div3A_17 = arith.constant 1.024000e+03 : f32
    %div3A_18 = vector.broadcast %div3A_17 : f32 to vector<1024x1xf32>
    %div3A_19 = arith.divf %broadcast_in_dim3A_16, %div3A_18 : vector<1024x1xf32>
    %add3A_20 = arith.constant 9.99999974E-6 : f32
    %add3A_21 = vector.broadcast %add3A_20 : f32 to vector<1024x1xf32>
    %add3A_22 = arith.addf %div3A_19, %add3A_21 : vector<1024x1xf32>
    %rsqrt3A = math.rsqrt %add3A_22 : vector<1024x1xf32>
    %mul3A_23 = vector.broadcast %rsqrt3A : vector<1024x1xf32> to vector<1024x1024xf32>
    %mul3A_24 = arith.mulf %sub3A_13, %mul3A_23 : vector<1024x1024xf32>
    %get3A_25 = arith.constant 0 : index
    %get3A_26 = vector.load %arg7[%get3A_25] : memref<1024xf32, #tpu.memory_space<vmem>>, vector<1024xf32>
    %broadcast_in_dim3A_27 = vector.shape_cast %get3A_26 : vector<1024xf32> to vector<1x1024xf32>
    %mul3A_28 = vector.broadcast %broadcast_in_dim3A_27 : vector<1x1024xf32> to vector<1024x1024xf32>
    %mul3A_29 = arith.mulf %mul3A_24, %mul3A_28 : vector<1024x1024xf32>
    %get3A_30 = arith.constant 0 : index
    %get3A_31 = vector.load %arg8[%get3A_30] : memref<1024xf32, #tpu.memory_space<vmem>>, vector<1024xf32>
    %broadcast_in_dim3A_32 = vector.shape_cast %get3A_31 : vector<1024xf32> to vector<1x1024xf32>
    %add3A_33 = vector.broadcast %broadcast_in_dim3A_32 : vector<1x1024xf32> to vector<1024x1024xf32>
    %add3A_34 = arith.addf %mul3A_29, %add3A_33 : vector<1024x1024xf32>
    %get3A_35 = arith.constant 0 : index
    %get3A_36 = arith.constant 0 : index
    %get3A_37 = arith.constant 0 : index
    %get3A_38 = vector.load %arg3[%get3A_35, %get3A_36, %get3A_37] : memref<1x1x1024xi32, #tpu.memory_space<vmem>>, vector<1x1x1024xi32>
    %get3A_39 = vector.shape_cast %get3A_38 : vector<1x1x1024xi32> to vector<1024xi32>
    %ne3A = arith.constant 0 : i32
    %ne3A_40 = vector.broadcast %ne3A : i32 to vector<1024xi32>
    %ne3A_41 = arith.cmpi ne, %get3A_39, %ne3A_40 : vector<1024xi32>
    %convert_element_type3A = arith.extui %ne3A_41 : vector<1024xi1> to vector<1024xi32>
    %convert_element_type3A_42 = arith.sitofp %convert_element_type3A : vector<1024xi32> to vector<1024xf32>
    %broadcast_in_dim3A_43 = vector.shape_cast %convert_element_type3A_42 : vector<1024xf32> to vector<1024x1xf32>
    %mul3A_44 = vector.broadcast %broadcast_in_dim3A_43 : vector<1024x1xf32> to vector<1024x1024xf32>
    %mul3A_45 = arith.mulf %add3A_34, %mul3A_44 : vector<1024x1024xf32>
    %swap3A = arith.constant 0 : index
    %swap3A_46 = arith.constant 0 : index
    %swap3A_47 = vector.load %arg9[%swap3A, %swap3A_46] : memref<1024x1024xf32, #tpu.memory_space<vmem>>, vector<1024x1024xf32>
    tpu.vector_store %arg9[%swap3A, %swap3A_46], %mul3A_45 {strides = array<i32>} : memref<1024x1024xf32, #tpu.memory_space<vmem>>, vector<1024x1024xf32>,
    return
  }
  func.func @transform_1(%arg0: i32, %arg1: i32) -> (i32, i32, i32) {
    %mul3A = arith.constant 4 : i32
    %mul3A_0 = arith.muli %arg1, %mul3A : i32
    %add3A = arith.constant 2 : i32
    %add3A_1 = arith.addi %mul3A_0, %add3A : i32
    %add3A_2 = arith.addi %add3A_1, %arg0 : i32
    %c0_i32 = arith.constant 0 : i32
    %c0_i32_3 = arith.constant 0 : i32
    %c0_i32_4 = arith.constant 0 : i32
    return %add3A_2, %c0_i32, %c0_i32_3 : i32, i32, i32
  }
  func.func @transform_2(%arg0: i32, %arg1: i32) -> (i32, i32) {
    %mul3A = arith.constant 1 : i32
    %mul3A_0 = arith.muli %arg1, %mul3A : i32
    %add3A = arith.addi %mul3A_0, %arg0 : i32
    %c0_i32 = arith.constant 0 : i32
    %c0_i32_1 = arith.constant 0 : i32
    return %add3A, %c0_i32 : i32, i32
  }
  func.func @transform_3(%arg0: i32, %arg1: i32) -> (i32, i32) {
    %add3A = arith.constant 2 : i32
    %add3A_0 = arith.addi %add3A, %arg0 : i32
    %c0_i32 = arith.constant 0 : i32
    %c0_i32_1 = arith.constant 0 : i32
    return %add3A_0, %c0_i32 : i32, i32
  }
  func.func @transform_4(%arg0: i32, %arg1: i32) -> (i32, i32) {
    %c0_i32 = arith.constant 0 : i32
    %c0_i32_0 = arith.constant 0 : i32
    %c0_i32_1 = arith.constant 0 : i32
    return %c0_i32, %c0_i32_0 : i32, i32
  }
  func.func @transform_5(%arg0: i32, %arg1: i32) -> i32 {
    %c0_i32 = arith.constant 0 : i32
    %c0_i32_0 = arith.constant 0 : i32
    return %c0_i32 : i32
  }
  func.func @transform_6(%arg0: i32, %arg1: i32) -> i32 {
    %c0_i32 = arith.constant 0 : i32
    %c0_i32_0 = arith.constant 0 : i32
    return %c0_i32 : i32
  }
  func.func @transform_7(%arg0: i32, %arg1: i32) -> (i32, i32) {
    %mul3A = arith.constant 4 : i32
    %mul3A_0 = arith.muli %arg1, %mul3A : i32
    %add3A = arith.constant 2 : i32
    %add3A_1 = arith.addi %mul3A_0, %add3A : i32
    %add3A_2 = arith.addi %add3A_1, %arg0 : i32
    %c0_i32 = arith.constant 0 : i32
    %c0_i32_3 = arith.constant 0 : i32
    return %add3A_2, %c0_i32 : i32, i32
  }
}

module attributes {stable_mosaic.version = 14 : i64} {
  func.func @_ln_acc_body(%arg0: i32, %arg1: i32, %arg2: memref<16384x1024xf32, #tpu.memory_space<any>>, %arg3: memref<1x1x1024xi32, #tpu.memory_space<vmem>>, %arg4: memref<1024x1024xf32, #tpu.memory_space<vmem>>, %arg5: memref<1024x1024xf32, #tpu.memory_space<vmem>>, %arg6: memref<2x1024xf32, #tpu.memory_space<vmem>>, %arg7: memref<1024xf32, #tpu.memory_space<vmem>>, %arg8: memref<1024xf32, #tpu.memory_space<vmem>>, %arg9: memref<1024x1024xf32, #tpu.memory_space<vmem>>) attributes {dimension_semantics = [#tpu.dimension_semantics<arbitrary>, #tpu.dimension_semantics<arbitrary>], iteration_bounds = array<i64: 1, 4>, scalar_prefetch = 0 : i64, scratch_operands = 0 : i64, tpu.core_type = #tpu.core_type<tc>, window_params = [{}, {transform_indices = @transform_1, window_bounds = array<i64: 1, 1, 1024>}, {transform_indices = @transform_2, window_bounds = array<i64: 1024, 1024>}, {transform_indices = @transform_3, window_bounds = array<i64: 1024, 1024>}, {pipeline_mode = #tpu.pipeline_mode<synchronous>, transform_indices = @transform_4, window_bounds = array<i64: 2, 1024>}, {pipeline_mode = #tpu.pipeline_mode<synchronous>, transform_indices = @transform_5, window_bounds = array<i64: 1024>}, {pipeline_mode = #tpu.pipeline_mode<synchronous>, transform_indices = @transform_6, window_bounds = array<i64: 1024>}, {transform_indices = @transform_7, window_bounds = array<i64: 1024, 1024>}]} {
    %get3A = arith.constant 0 : index
    %get3A_0 = arith.constant 0 : index
    %get3A_1 = vector.load %arg4[%get3A, %get3A_0] : memref<1024x1024xf32, #tpu.memory_space<vmem>>, vector<1024x1024xf32>
    %get3A_2 = arith.constant 0 : index
    %get3A_3 = arith.constant 0 : index
    %get3A_4 = vector.load %arg5[%get3A_2, %get3A_3] : memref<1024x1024xf32, #tpu.memory_space<vmem>>, vector<1024x1024xf32>
    %add3A = arith.addf %get3A_1, %get3A_4 : vector<1024x1024xf32>
    %get3A_5 = arith.constant 0 : index
    %get3A_6 = arith.constant 0 : index
    %get3A_7 = vector.load %arg6[%get3A_5, %get3A_6] : memref<2x1024xf32, #tpu.memory_space<vmem>>, vector<1x1024xf32>
    %add3A_8 = vector.broadcast %get3A_7 : vector<1x1024xf32> to vector<1024x1024xf32>
    %add3A_9 = arith.addf %add3A, %add3A_8 : vector<1024x1024xf32>
    %reduce_sum3A = arith.constant dense<0.000000e+00> : vector<1024xf32>
    %reduce_sum3A_10 = vector.multi_reduction <add>, %add3A_9, %reduce_sum3A [1] : vector<1024x1024xf32> to vector<1024xf32>
    %broadcast_in_dim3A = vector.shape_cast %reduce_sum3A_10 : vector<1024xf32> to vector<1024x1xf32>
    %div3A = arith.constant 1.024000e+03 : f32
    %div3A_11 = vector.broadcast %div3A : f32 to vector<1024x1xf32>
    %div3A_12 = arith.divf %broadcast_in_dim3A, %div3A_11 : vector<1024x1xf32>
    %sub3A = vector.broadcast %div3A_12 : vector<1024x1xf32> to vector<1024x1024xf32>
    %sub3A_13 = arith.subf %add3A_9, %sub3A : vector<1024x1024xf32>
    %mul3A = arith.mulf %sub3A_13, %sub3A_13 : vector<1024x1024xf32>
    %reduce_sum3A_14 = arith.constant dense<0.000000e+00> : vector<1024xf32>
    %reduce_sum3A_15 = vector.multi_reduction <add>, %mul3A, %reduce_sum3A_14 [1] : vector<1024x1024xf32> to vector<1024xf32>
    %broadcast_in_dim3A_16 = vector.shape_cast %reduce_sum3A_15 : vector<1024xf32> to vector<1024x1xf32>
    %div3A_17 = arith.constant 1.024000e+03 : f32
    %div3A_18 = vector.broadcast %div3A_17 : f32 to vector<1024x1xf32>
    %div3A_19 = arith.divf %broadcast_in_dim3A_16, %div3A_18 : vector<1024x1xf32>
    %add3A_20 = arith.constant 9.99999974E-6 : f32
    %add3A_21 = vector.broadcast %add3A_20 : f32 to vector<1024x1xf32>
    %add3A_22 = arith.addf %div3A_19, %add3A_21 : vector<1024x1xf32>
    %rsqrt3A = math.rsqrt %add3A_22 : vector<1024x1xf32>
    %mul3A_23 = vector.broadcast %rsqrt3A : vector<1024x1xf32> to vector<1024x1024xf32>
    %mul3A_24 = arith.mulf %sub3A_13, %mul3A_23 : vector<1024x1024xf32>
    %get3A_25 = arith.constant 0 : index
    %get3A_26 = vector.load %arg7[%get3A_25] : memref<1024xf32, #tpu.memory_space<vmem>>, vector<1024xf32>
    %broadcast_in_dim3A_27 = vector.shape_cast %get3A_26 : vector<1024xf32> to vector<1x1024xf32>
    %mul3A_28 = vector.broadcast %broadcast_in_dim3A_27 : vector<1x1024xf32> to vector<1024x1024xf32>
    %mul3A_29 = arith.mulf %mul3A_24, %mul3A_28 : vector<1024x1024xf32>
    %get3A_30 = arith.constant 0 : index
    %get3A_31 = vector.load %arg8[%get3A_30] : memref<1024xf32, #tpu.memory_space<vmem>>, vector<1024xf32>
    %broadcast_in_dim3A_32 = vector.shape_cast %get3A_31 : vector<1024xf32> to vector<1x1024xf32>
    %add3A_33 = vector.broadcast %broadcast_in_dim3A_32 : vector<1x1024xf32> to vector<1024x1024xf32>
    %add3A_34 = arith.addf %mul3A_29, %add3A_33 : vector<1024x1024xf32>
    %get3A_35 = arith.constant 0 : index
    %get3A_36 = arith.constant 0 : index
    %get3A_37 = arith.constant 0 : index
    %get3A_38 = vector.load %arg3[%get3A_35, %get3A_36, %get3A_37] : memref<1x1x1024xi32, #tpu.memory_space<vmem>>, vector<1x1x1024xi32>
    %get3A_39 = vector.shape_cast %get3A_38 : vector<1x1x1024xi32> to vector<1024xi32>
    %ne3A = arith.constant 0 : i32
    %ne3A_40 = vector.broadcast %ne3A : i32 to vector<1024xi32>
    %ne3A_41 = arith.cmpi ne, %get3A_39, %ne3A_40 : vector<1024xi32>
    %convert_element_type3A = arith.extui %ne3A_41 : vector<1024xi1> to vector<1024xi32>
    %convert_element_type3A_42 = arith.sitofp %convert_element_type3A : vector<1024xi32> to vector<1024xf32>
    %broadcast_in_dim3A_43 = vector.shape_cast %convert_element_type3A_42 : vector<1024xf32> to vector<1024x1xf32>
    %mul3A_44 = vector.broadcast %broadcast_in_dim3A_43 : vector<1024x1xf32> to vector<1024x1024xf32>
    %mul3A_45 = arith.mulf %add3A_34, %mul3A_44 : vector<1024x1024xf32>
    %swap3A = arith.constant 0 : index
    %swap3A_46 = arith.constant 0 : index
    %swap3A_47 = vector.load %arg9[%swap3A, %swap3A_46] : memref<1024x1024xf32, #tpu.memory_space<vmem>>, vector<1024x1024xf32>
    tpu.vector_store %arg9[%swap3A, %swap3A_46], %mul3A_45 {strides = array<i32>} : memref<1024x1024xf32, #tpu.memory_space<vmem>>, vector<1024x1024xf32>,
    return
  }
  func.func @transform_1(%arg0: i32, %arg1: i32) -> (i32, i32, i32) {
    %mul3A = arith.constant 4 : i32
    %mul3A_0 = arith.muli %arg1, %mul3A : i32
    %add3A = arith.constant 1 : i32
    %add3A_1 = arith.addi %mul3A_0, %add3A : i32
    %add3A_2 = arith.addi %add3A_1, %arg0 : i32
    %c0_i32 = arith.constant 0 : i32
    %c0_i32_3 = arith.constant 0 : i32
    %c0_i32_4 = arith.constant 0 : i32
    return %add3A_2, %c0_i32, %c0_i32_3 : i32, i32, i32
  }
  func.func @transform_2(%arg0: i32, %arg1: i32) -> (i32, i32) {
    %mul3A = arith.constant 1 : i32
    %mul3A_0 = arith.muli %arg1, %mul3A : i32
    %add3A = arith.addi %mul3A_0, %arg0 : i32
    %c0_i32 = arith.constant 0 : i32
    %c0_i32_1 = arith.constant 0 : i32
    return %add3A, %c0_i32 : i32, i32
  }
  func.func @transform_3(%arg0: i32, %arg1: i32) -> (i32, i32) {
    %add3A = arith.constant 1 : i32
    %add3A_0 = arith.addi %add3A, %arg0 : i32
    %c0_i32 = arith.constant 0 : i32
    %c0_i32_1 = arith.constant 0 : i32
    return %add3A_0, %c0_i32 : i32, i32
  }
  func.func @transform_4(%arg0: i32, %arg1: i32) -> (i32, i32) {
    %c0_i32 = arith.constant 0 : i32
    %c0_i32_0 = arith.constant 0 : i32
    %c0_i32_1 = arith.constant 0 : i32
    return %c0_i32, %c0_i32_0 : i32, i32
  }
  func.func @transform_5(%arg0: i32, %arg1: i32) -> i32 {
    %c0_i32 = arith.constant 0 : i32
    %c0_i32_0 = arith.constant 0 : i32
    return %c0_i32 : i32
  }
  func.func @transform_6(%arg0: i32, %arg1: i32) -> i32 {
    %c0_i32 = arith.constant 0 : i32
    %c0_i32_0 = arith.constant 0 : i32
    return %c0_i32 : i32
  }
  func.func @transform_7(%arg0: i32, %arg1: i32) -> (i32, i32) {
    %mul3A = arith.constant 4 : i32
    %mul3A_0 = arith.muli %arg1, %mul3A : i32
    %add3A = arith.constant 1 : i32
    %add3A_1 = arith.addi %mul3A_0, %add3A : i32
    %add3A_2 = arith.addi %add3A_1, %arg0 : i32
    %c0_i32 = arith.constant 0 : i32
    %c0_i32_3 = arith.constant 0 : i32
    return %add3A_2, %c0_i32 : i32, i32
  }
}

module attributes {stable_mosaic.version = 14 : i64} {
  func.func @_ln_body(%arg0: i32, %arg1: i32, %arg2: memref<1x1x1024xi32, #tpu.memory_space<vmem>>, %arg3: memref<1024x1024xf32, #tpu.memory_space<vmem>>, %arg4: memref<1024x1024xf32, #tpu.memory_space<vmem>>, %arg5: memref<2x1024xf32, #tpu.memory_space<vmem>>, %arg6: memref<1024xf32, #tpu.memory_space<vmem>>, %arg7: memref<1024xf32, #tpu.memory_space<vmem>>, %arg8: memref<1024x1024xf32, #tpu.memory_space<vmem>>) attributes {dimension_semantics = [#tpu.dimension_semantics<arbitrary>, #tpu.dimension_semantics<arbitrary>], iteration_bounds = array<i64: 1, 4>, scalar_prefetch = 0 : i64, scratch_operands = 0 : i64, tpu.core_type = #tpu.core_type<tc>, window_params = [{transform_indices = @transform_0, window_bounds = array<i64: 1, 1, 1024>}, {transform_indices = @transform_1, window_bounds = array<i64: 1024, 1024>}, {transform_indices = @transform_2, window_bounds = array<i64: 1024, 1024>}, {pipeline_mode = #tpu.pipeline_mode<synchronous>, transform_indices = @transform_3, window_bounds = array<i64: 2, 1024>}, {pipeline_mode = #tpu.pipeline_mode<synchronous>, transform_indices = @transform_4, window_bounds = array<i64: 1024>}, {pipeline_mode = #tpu.pipeline_mode<synchronous>, transform_indices = @transform_5, window_bounds = array<i64: 1024>}, {transform_indices = @transform_6, window_bounds = array<i64: 1024, 1024>}]} {
    %get3A = arith.constant 0 : index
    %get3A_0 = arith.constant 0 : index
    %get3A_1 = vector.load %arg3[%get3A, %get3A_0] : memref<1024x1024xf32, #tpu.memory_space<vmem>>, vector<1024x1024xf32>
    %get3A_2 = arith.constant 0 : index
    %get3A_3 = arith.constant 0 : index
    %get3A_4 = vector.load %arg4[%get3A_2, %get3A_3] : memref<1024x1024xf32, #tpu.memory_space<vmem>>, vector<1024x1024xf32>
    %add3A = arith.addf %get3A_1, %get3A_4 : vector<1024x1024xf32>
    %get3A_5 = arith.constant 0 : index
    %get3A_6 = arith.constant 0 : index
    %get3A_7 = vector.load %arg5[%get3A_5, %get3A_6] : memref<2x1024xf32, #tpu.memory_space<vmem>>, vector<1x1024xf32>
    %add3A_8 = vector.broadcast %get3A_7 : vector<1x1024xf32> to vector<1024x1024xf32>
    %add3A_9 = arith.addf %add3A, %add3A_8 : vector<1024x1024xf32>
    %reduce_sum3A = arith.constant dense<0.000000e+00> : vector<1024xf32>
    %reduce_sum3A_10 = vector.multi_reduction <add>, %add3A_9, %reduce_sum3A [1] : vector<1024x1024xf32> to vector<1024xf32>
    %broadcast_in_dim3A = vector.shape_cast %reduce_sum3A_10 : vector<1024xf32> to vector<1024x1xf32>
    %div3A = arith.constant 1.024000e+03 : f32
    %div3A_11 = vector.broadcast %div3A : f32 to vector<1024x1xf32>
    %div3A_12 = arith.divf %broadcast_in_dim3A, %div3A_11 : vector<1024x1xf32>
    %sub3A = vector.broadcast %div3A_12 : vector<1024x1xf32> to vector<1024x1024xf32>
    %sub3A_13 = arith.subf %add3A_9, %sub3A : vector<1024x1024xf32>
    %mul3A = arith.mulf %sub3A_13, %sub3A_13 : vector<1024x1024xf32>
    %reduce_sum3A_14 = arith.constant dense<0.000000e+00> : vector<1024xf32>
    %reduce_sum3A_15 = vector.multi_reduction <add>, %mul3A, %reduce_sum3A_14 [1] : vector<1024x1024xf32> to vector<1024xf32>
    %broadcast_in_dim3A_16 = vector.shape_cast %reduce_sum3A_15 : vector<1024xf32> to vector<1024x1xf32>
    %div3A_17 = arith.constant 1.024000e+03 : f32
    %div3A_18 = vector.broadcast %div3A_17 : f32 to vector<1024x1xf32>
    %div3A_19 = arith.divf %broadcast_in_dim3A_16, %div3A_18 : vector<1024x1xf32>
    %add3A_20 = arith.constant 9.99999974E-6 : f32
    %add3A_21 = vector.broadcast %add3A_20 : f32 to vector<1024x1xf32>
    %add3A_22 = arith.addf %div3A_19, %add3A_21 : vector<1024x1xf32>
    %rsqrt3A = math.rsqrt %add3A_22 : vector<1024x1xf32>
    %mul3A_23 = vector.broadcast %rsqrt3A : vector<1024x1xf32> to vector<1024x1024xf32>
    %mul3A_24 = arith.mulf %sub3A_13, %mul3A_23 : vector<1024x1024xf32>
    %get3A_25 = arith.constant 0 : index
    %get3A_26 = vector.load %arg6[%get3A_25] : memref<1024xf32, #tpu.memory_space<vmem>>, vector<1024xf32>
    %broadcast_in_dim3A_27 = vector.shape_cast %get3A_26 : vector<1024xf32> to vector<1x1024xf32>
    %mul3A_28 = vector.broadcast %broadcast_in_dim3A_27 : vector<1x1024xf32> to vector<1024x1024xf32>
    %mul3A_29 = arith.mulf %mul3A_24, %mul3A_28 : vector<1024x1024xf32>
    %get3A_30 = arith.constant 0 : index
    %get3A_31 = vector.load %arg7[%get3A_30] : memref<1024xf32, #tpu.memory_space<vmem>>, vector<1024xf32>
    %broadcast_in_dim3A_32 = vector.shape_cast %get3A_31 : vector<1024xf32> to vector<1x1024xf32>
    %add3A_33 = vector.broadcast %broadcast_in_dim3A_32 : vector<1x1024xf32> to vector<1024x1024xf32>
    %add3A_34 = arith.addf %mul3A_29, %add3A_33 : vector<1024x1024xf32>
    %get3A_35 = arith.constant 0 : index
    %get3A_36 = arith.constant 0 : index
    %get3A_37 = arith.constant 0 : index
    %get3A_38 = vector.load %arg2[%get3A_35, %get3A_36, %get3A_37] : memref<1x1x1024xi32, #tpu.memory_space<vmem>>, vector<1x1x1024xi32>
    %get3A_39 = vector.shape_cast %get3A_38 : vector<1x1x1024xi32> to vector<1024xi32>
    %ne3A = arith.constant 0 : i32
    %ne3A_40 = vector.broadcast %ne3A : i32 to vector<1024xi32>
    %ne3A_41 = arith.cmpi ne, %get3A_39, %ne3A_40 : vector<1024xi32>
    %convert_element_type3A = arith.extui %ne3A_41 : vector<1024xi1> to vector<1024xi32>
    %convert_element_type3A_42 = arith.sitofp %convert_element_type3A : vector<1024xi32> to vector<1024xf32>
    %broadcast_in_dim3A_43 = vector.shape_cast %convert_element_type3A_42 : vector<1024xf32> to vector<1024x1xf32>
    %mul3A_44 = vector.broadcast %broadcast_in_dim3A_43 : vector<1024x1xf32> to vector<1024x1024xf32>
    %mul3A_45 = arith.mulf %add3A_34, %mul3A_44 : vector<1024x1024xf32>
    %swap3A = arith.constant 0 : index
    %swap3A_46 = arith.constant 0 : index
    %swap3A_47 = vector.load %arg8[%swap3A, %swap3A_46] : memref<1024x1024xf32, #tpu.memory_space<vmem>>, vector<1024x1024xf32>
    tpu.vector_store %arg8[%swap3A, %swap3A_46], %mul3A_45 {strides = array<i32>} : memref<1024x1024xf32, #tpu.memory_space<vmem>>, vector<1024x1024xf32>,
    return
  }
  func.func @transform_0(%arg0: i32, %arg1: i32) -> (i32, i32, i32) {
    %mul3A = arith.constant 4 : i32
    %mul3A_0 = arith.muli %arg1, %mul3A : i32
    %add3A = arith.constant 0 : i32
    %add3A_1 = arith.addi %mul3A_0, %add3A : i32
    %add3A_2 = arith.addi %add3A_1, %arg0 : i32
    %c0_i32 = arith.constant 0 : i32
    %c0_i32_3 = arith.constant 0 : i32
    %c0_i32_4 = arith.constant 0 : i32
    return %add3A_2, %c0_i32, %c0_i32_3 : i32, i32, i32
  }
  func.func @transform_1(%arg0: i32, %arg1: i32) -> (i32, i32) {
    %mul3A = arith.constant 1 : i32
    %mul3A_0 = arith.muli %arg1, %mul3A : i32
    %add3A = arith.addi %mul3A_0, %arg0 : i32
    %c0_i32 = arith.constant 0 : i32
    %c0_i32_1 = arith.constant 0 : i32
    return %add3A, %c0_i32 : i32, i32
  }
  func.func @transform_2(%arg0: i32, %arg1: i32) -> (i32, i32) {
    %add3A = arith.constant 0 : i32
    %add3A_0 = arith.addi %add3A, %arg0 : i32
    %c0_i32 = arith.constant 0 : i32
    %c0_i32_1 = arith.constant 0 : i32
    return %add3A_0, %c0_i32 : i32, i32
  }
  func.func @transform_3(%arg0: i32, %arg1: i32) -> (i32, i32) {
    %c0_i32 = arith.constant 0 : i32
    %c0_i32_0 = arith.constant 0 : i32
    %c0_i32_1 = arith.constant 0 : i32
    return %c0_i32, %c0_i32_0 : i32, i32
  }
  func.func @transform_4(%arg0: i32, %arg1: i32) -> i32 {
    %c0_i32 = arith.constant 0 : i32
    %c0_i32_0 = arith.constant 0 : i32
    return %c0_i32 : i32
  }
  func.func @transform_5(%arg0: i32, %arg1: i32) -> i32 {
    %c0_i32 = arith.constant 0 : i32
    %c0_i32_0 = arith.constant 0 : i32
    return %c0_i32 : i32
  }
  func.func @transform_6(%arg0: i32, %arg1: i32) -> (i32, i32) {
    %mul3A = arith.constant 4 : i32
    %mul3A_0 = arith.muli %arg1, %mul3A : i32
    %add3A = arith.constant 0 : i32
    %add3A_1 = arith.addi %mul3A_0, %add3A : i32
    %add3A_2 = arith.addi %add3A_1, %arg0 : i32
    %c0_i32 = arith.constant 0 : i32
    %c0_i32_3 = arith.constant 0 : i32
    return %add3A_2, %c0_i32 : i32, i32
  }
}

module attributes {stable_mosaic.version = 14 : i64} {
  func.func @_ln_acc_body(%arg0: i32, %arg1: i32, %arg2: memref<16384x1024xf32, #tpu.memory_space<any>>, %arg3: memref<1x1x1024xi32, #tpu.memory_space<vmem>>, %arg4: memref<1024x1024xf32, #tpu.memory_space<vmem>>, %arg5: memref<1024x1024xf32, #tpu.memory_space<vmem>>, %arg6: memref<2x1024xf32, #tpu.memory_space<vmem>>, %arg7: memref<1024xf32, #tpu.memory_space<vmem>>, %arg8: memref<1024xf32, #tpu.memory_space<vmem>>, %arg9: memref<1024x1024xf32, #tpu.memory_space<vmem>>) attributes {dimension_semantics = [#tpu.dimension_semantics<arbitrary>, #tpu.dimension_semantics<arbitrary>], iteration_bounds = array<i64: 1, 4>, scalar_prefetch = 0 : i64, scratch_operands = 0 : i64, tpu.core_type = #tpu.core_type<tc>, window_params = [{}, {transform_indices = @transform_1, window_bounds = array<i64: 1, 1, 1024>}, {transform_indices = @transform_2, window_bounds = array<i64: 1024, 1024>}, {transform_indices = @transform_3, window_bounds = array<i64: 1024, 1024>}, {pipeline_mode = #tpu.pipeline_mode<synchronous>, transform_indices = @transform_4, window_bounds = array<i64: 2, 1024>}, {pipeline_mode = #tpu.pipeline_mode<synchronous>, transform_indices = @transform_5, window_bounds = array<i64: 1024>}, {pipeline_mode = #tpu.pipeline_mode<synchronous>, transform_indices = @transform_6, window_bounds = array<i64: 1024>}, {transform_indices = @transform_7, window_bounds = array<i64: 1024, 1024>}]} {
    %get3A = arith.constant 0 : index
    %get3A_0 = arith.constant 0 : index
    %get3A_1 = vector.load %arg4[%get3A, %get3A_0] : memref<1024x1024xf32, #tpu.memory_space<vmem>>, vector<1024x1024xf32>
    %get3A_2 = arith.constant 0 : index
    %get3A_3 = arith.constant 0 : index
    %get3A_4 = vector.load %arg5[%get3A_2, %get3A_3] : memref<1024x1024xf32, #tpu.memory_space<vmem>>, vector<1024x1024xf32>
    %add3A = arith.addf %get3A_1, %get3A_4 : vector<1024x1024xf32>
    %get3A_5 = arith.constant 0 : index
    %get3A_6 = arith.constant 0 : index
    %get3A_7 = vector.load %arg6[%get3A_5, %get3A_6] : memref<2x1024xf32, #tpu.memory_space<vmem>>, vector<1x1024xf32>
    %add3A_8 = vector.broadcast %get3A_7 : vector<1x1024xf32> to vector<1024x1024xf32>
    %add3A_9 = arith.addf %add3A, %add3A_8 : vector<1024x1024xf32>
    %reduce_sum3A = arith.constant dense<0.000000e+00> : vector<1024xf32>
    %reduce_sum3A_10 = vector.multi_reduction <add>, %add3A_9, %reduce_sum3A [1] : vector<1024x1024xf32> to vector<1024xf32>
    %broadcast_in_dim3A = vector.shape_cast %reduce_sum3A_10 : vector<1024xf32> to vector<1024x1xf32>
    %div3A = arith.constant 1.024000e+03 : f32
    %div3A_11 = vector.broadcast %div3A : f32 to vector<1024x1xf32>
    %div3A_12 = arith.divf %broadcast_in_dim3A, %div3A_11 : vector<1024x1xf32>
    %sub3A = vector.broadcast %div3A_12 : vector<1024x1xf32> to vector<1024x1024xf32>
    %sub3A_13 = arith.subf %add3A_9, %sub3A : vector<1024x1024xf32>
    %mul3A = arith.mulf %sub3A_13, %sub3A_13 : vector<1024x1024xf32>
    %reduce_sum3A_14 = arith.constant dense<0.000000e+00> : vector<1024xf32>
    %reduce_sum3A_15 = vector.multi_reduction <add>, %mul3A, %reduce_sum3A_14 [1] : vector<1024x1024xf32> to vector<1024xf32>
    %broadcast_in_dim3A_16 = vector.shape_cast %reduce_sum3A_15 : vector<1024xf32> to vector<1024x1xf32>
    %div3A_17 = arith.constant 1.024000e+03 : f32
    %div3A_18 = vector.broadcast %div3A_17 : f32 to vector<1024x1xf32>
    %div3A_19 = arith.divf %broadcast_in_dim3A_16, %div3A_18 : vector<1024x1xf32>
    %add3A_20 = arith.constant 9.99999974E-6 : f32
    %add3A_21 = vector.broadcast %add3A_20 : f32 to vector<1024x1xf32>
    %add3A_22 = arith.addf %div3A_19, %add3A_21 : vector<1024x1xf32>
    %rsqrt3A = math.rsqrt %add3A_22 : vector<1024x1xf32>
    %mul3A_23 = vector.broadcast %rsqrt3A : vector<1024x1xf32> to vector<1024x1024xf32>
    %mul3A_24 = arith.mulf %sub3A_13, %mul3A_23 : vector<1024x1024xf32>
    %get3A_25 = arith.constant 0 : index
    %get3A_26 = vector.load %arg7[%get3A_25] : memref<1024xf32, #tpu.memory_space<vmem>>, vector<1024xf32>
    %broadcast_in_dim3A_27 = vector.shape_cast %get3A_26 : vector<1024xf32> to vector<1x1024xf32>
    %mul3A_28 = vector.broadcast %broadcast_in_dim3A_27 : vector<1x1024xf32> to vector<1024x1024xf32>
    %mul3A_29 = arith.mulf %mul3A_24, %mul3A_28 : vector<1024x1024xf32>
    %get3A_30 = arith.constant 0 : index
    %get3A_31 = vector.load %arg8[%get3A_30] : memref<1024xf32, #tpu.memory_space<vmem>>, vector<1024xf32>
    %broadcast_in_dim3A_32 = vector.shape_cast %get3A_31 : vector<1024xf32> to vector<1x1024xf32>
    %add3A_33 = vector.broadcast %broadcast_in_dim3A_32 : vector<1x1024xf32> to vector<1024x1024xf32>
    %add3A_34 = arith.addf %mul3A_29, %add3A_33 : vector<1024x1024xf32>
    %get3A_35 = arith.constant 0 : index
    %get3A_36 = arith.constant 0 : index
    %get3A_37 = arith.constant 0 : index
    %get3A_38 = vector.load %arg3[%get3A_35, %get3A_36, %get3A_37] : memref<1x1x1024xi32, #tpu.memory_space<vmem>>, vector<1x1x1024xi32>
    %get3A_39 = vector.shape_cast %get3A_38 : vector<1x1x1024xi32> to vector<1024xi32>
    %ne3A = arith.constant 0 : i32
    %ne3A_40 = vector.broadcast %ne3A : i32 to vector<1024xi32>
    %ne3A_41 = arith.cmpi ne, %get3A_39, %ne3A_40 : vector<1024xi32>
    %convert_element_type3A = arith.extui %ne3A_41 : vector<1024xi1> to vector<1024xi32>
    %convert_element_type3A_42 = arith.sitofp %convert_element_type3A : vector<1024xi32> to vector<1024xf32>
    %broadcast_in_dim3A_43 = vector.shape_cast %convert_element_type3A_42 : vector<1024xf32> to vector<1024x1xf32>
    %mul3A_44 = vector.broadcast %broadcast_in_dim3A_43 : vector<1024x1xf32> to vector<1024x1024xf32>
    %mul3A_45 = arith.mulf %add3A_34, %mul3A_44 : vector<1024x1024xf32>
    %swap3A = arith.constant 0 : index
    %swap3A_46 = arith.constant 0 : index
    %swap3A_47 = vector.load %arg9[%swap3A, %swap3A_46] : memref<1024x1024xf32, #tpu.memory_space<vmem>>, vector<1024x1024xf32>
    tpu.vector_store %arg9[%swap3A, %swap3A_46], %mul3A_45 {strides = array<i32>} : memref<1024x1024xf32, #tpu.memory_space<vmem>>, vector<1024x1024xf32>,
    return
  }
  func.func @transform_1(%arg0: i32, %arg1: i32) -> (i32, i32, i32) {
    %mul3A = arith.constant 4 : i32
    %mul3A_0 = arith.muli %arg1, %mul3A : i32
    %add3A = arith.constant 3 : i32
    %add3A_1 = arith.addi %mul3A_0, %add3A : i32
    %add3A_2 = arith.addi %add3A_1, %arg0 : i32
    %c0_i32 = arith.constant 0 : i32
    %c0_i32_3 = arith.constant 0 : i32
    %c0_i32_4 = arith.constant 0 : i32
    return %add3A_2, %c0_i32, %c0_i32_3 : i32, i32, i32
  }
  func.func @transform_2(%arg0: i32, %arg1: i32) -> (i32, i32) {
    %mul3A = arith.constant 1 : i32
    %mul3A_0 = arith.muli %arg1, %mul3A : i32
    %add3A = arith.addi %mul3A_0, %arg0 : i32
    %c0_i32 = arith.constant 0 : i32
    %c0_i32_1 = arith.constant 0 : i32
    return %add3A, %c0_i32 : i32, i32
  }
  func.func @transform_3(%arg0: i32, %arg1: i32) -> (i32, i32) {
    %add3A = arith.constant 3 : i32
    %add3A_0 = arith.addi %add3A, %arg0 : i32
    %c0_i32 = arith.constant 0 : i32
    %c0_i32_1 = arith.constant 0 : i32
    return %add3A_0, %c0_i32 : i32, i32
  }
  func.func @transform_4(%arg0: i32, %arg1: i32) -> (i32, i32) {
    %c0_i32 = arith.constant 0 : i32
    %c0_i32_0 = arith.constant 0 : i32
    %c0_i32_1 = arith.constant 0 : i32
    return %c0_i32, %c0_i32_0 : i32, i32
  }
  func.func @transform_5(%arg0: i32, %arg1: i32) -> i32 {
    %c0_i32 = arith.constant 0 : i32
    %c0_i32_0 = arith.constant 0 : i32
    return %c0_i32 : i32
  }
  func.func @transform_6(%arg0: i32, %arg1: i32) -> i32 {
    %c0_i32 = arith.constant 0 : i32
    %c0_i32_0 = arith.constant 0 : i32
    return %c0_i32 : i32
  }
  func.func @transform_7(%arg0: i32, %arg1: i32) -> (i32, i32) {
    %mul3A = arith.constant 4 : i32
    %mul3A_0 = arith.muli %arg1, %mul3A : i32
    %add3A = arith.constant 3 : i32
    %add3A_1 = arith.addi %mul3A_0, %add3A : i32
    %add3A_2 = arith.addi %add3A_1, %arg0 : i32
    %c0_i32 = arith.constant 0 : i32
    %c0_i32_3 = arith.constant 0 : i32
    return %add3A_2, %c0_i32 : i32, i32
  }
}

</mosaic_0001>

<sc_bundles>
// kernel: kernel.10.cloned.1.call-start
scs
__scs_entry_jumppad:
0x0: {  	(pc) =	sbr.rel $0x88, $3  }
0x1: {  	(tag) =	ssettag $0x0;
	lr =	simm.s32 $0x1  }
0x2: {  	[smem:$0x3F9B] =	sst lr;
	_ =	strace $0xD0000000  }
0x3: {  	_ = 	snop  }
0x4: {  	_ = 	snop  }
0x5: {  	_ = 	snop  }
0x6: {  	_ = 	snop  }
0x7: {  	_ = 	snop  }
__scs_overlays_trampoline_lowered:
0x8: {  	[smem:$0x3FAA] =	sst s0  }
0x9: {  	[smem:$0x3FAB] =	sst s1  }
0xa: {  	[smem:$0x3FAC] =	sst s2  }
0xb: {  	[smem:$0x3FAD] =	sst s3  }
0xc: {  	[smem:$0x3FAE] =	sst s4  }
0xd: {  	[smem:$0x3FAF] =	sst s5  }
0xe: {  	[smem:$0x3FB0] =	sst s6  }
0xf: {  	[smem:$0x3FB1] =	sst s7  }
0x10: {  	[smem:$0x3FB2] =	sst s8  }
0x11: {  	[smem:$0x3FB3] =	sst s9;
	s0 =	simm.s32 @!p0 $0x0  }
0x12: {  	s1 =	sld [smem:$0x3F99];
	s0 =	simm.s32 @p0 $0x1  }
0x13: {  	[smem:$0x3FB4] =	sst s0;
	s0 =	simm.s32 @!p1 $0x0  }
0x14: {  	s2 =	sld [smem:$0x3F98];
	s0 =	simm.s32 @p1 $0x1  }
0x15: {  	[smem:$0x3FB5] =	sst s0;
	s0 =	simm.s32 @!p2 $0x0  }
0x16: {  	s3 =	sld [smem:$0x3FDB];
	s0 =	simm.s32 @p2 $0x1  }
0x17: {  	s4 =	simm.s32 $0x1BF5;
	[smem:$0x3FB7] =	sst s0  }
0x18: {  	s0 =	sld [smem:$0x3F9A];
	_ =	swait.ge [sflag:s4], $0x0  }
0x19: {  	s7 =	sld [smem:$0x3F9B]  }
0x1a: {  	s8 =	sadd.s32 $0xFFFFE003, lr  }
0x1b: {  	s9 =	sadd.s32 $0xFFFFFEF7, lr;
	s5 =	simm.s32 $0xFFFFFFFF;
	p2 =	slt.u32 s8, $0xFFFFF086  }
0x1c: {  	p1 =	slt.u32 s9, $0xF7A;
	s5 =	simm.s32 @!p2 $0x0  }
0x1d: {  	s5 =	simm.s32 @p1 $0x1;
	p0 =	seq.s32 s7, s2  }
0x1e: {  	s7 =	smul.u32 @!p0 $0xF7A, s2;
	p2 =	seq.s32 @!p0 s5, $0x0  }
0x1f: {  	s9 =	smul.u32 $0xF7A, s1;
	s8 =	simm.s32 @!p0 $0x1BF5;
	p2 =	por !p2, p0  }
0x20: {  	[sflag:s8] =	ssyncset.s32 @!p0 $0xFFFFF086;
	s6 =	sadd.s32 @!p0 s3, s7;
	s7 =	simm.s32 @!p0 $0x108  }
0x21: {  	s3 =	sadd.s32 s3, s9;
	s6 =	sadd.s32 @!p0 $0x88, s6;
	s7 =	simm.s32 @p2 $0x1082  }
0x22: {  	[simem:s7], [sflag:s8] =	dma.local @!p0 [hbm:s6], $0xF7A  }
0x23: {  	s9 =	sor.u32 $0xD0000000, s2;
	s6 =	simm.s32 $0x108;
	_ =	swait.ge @!p0 [sflag:s8], $0x0  }
0x24: {  	s3 =	sadd.s32 $0x88, s3;
	s6 =	simm.s32 @!p1 $0x1082;
	[sflag:s4] =	ssyncset.s32 $0xFFFFF086  }
0x25: {  	[simem:s6], [sflag:s4] =	dma.local [hbm:s3], $0xF7A  }
0x26: {  	[smem:$0x3F9B] =	sst s1;
	(tag) =	ssettag s2;
	_ =	strace s9  }
0x27: {  	s1 =	sld [smem:$0x3FAB]  }
0x28: {  	s2 =	sld [smem:$0x3FAC]  }
0x29: {  	s4 =	sld [smem:$0x3FAE]  }
0x2a: {  	p0 =	seq.s32 s5, $0x0;
	s5 =	sld [smem:$0x3FAF]  }
0x2b: {  	s6 =	sld [smem:$0x3FB0]  }
0x2c: {  	s7 =	sld [smem:$0x3FB1]  }
0x2d: {  	s3 =	simm.s32 $0x108;
	s8 =	sld [smem:$0x3FB2]  }
0x2e: {  	s3 =	simm.s32 @!p0 $0x1082;
	s9 =	sld [smem:$0x3FB3]  }
0x2f: {  	lr =	sadd.s32 s0, s3;
	s0 =	sld [smem:$0x3FAA]  }
0x30: {  	s3 =	sld [smem:$0x3FAD]  }
0x31: {  	[smem:$0x3FB6] =	sst s10  }
0x32: {  	s10 =	sld [smem:$0x3FB4];
	_ =	sdelay $0x3  }
0x33: {  	p0 =	seq.s32 s10, $0x1;
	s10 =	sld [smem:$0x3FB6];
	_ =	sdelay $0x3  }
0x34: {  	[smem:$0x3FB6] =	sst s10  }
0x35: {  	s10 =	sld [smem:$0x3FB5];
	_ =	sdelay $0x3  }
0x36: {  	p1 =	seq.s32 s10, $0x1;
	s10 =	sld [smem:$0x3FB6];
	_ =	sdelay $0x3  }
0x37: {  	[smem:$0x3FB6] =	sst s10  }
0x38: {  	s10 =	sld [smem:$0x3FB7]  }
0x39: {  	_ = 	snop;
	(pc) =	sbr.ind lr, $3  }
0x3a: {  	_ = 	snop  }
0x3b: {  	_ = 	snop  }
0x3c: {  	p2 =	seq.s32 s10, $0x1;
	s10 =	sld [smem:$0x3FB6]  }
0x3d: {  	_ =	shalt  }
0x3e: {  	_ =	shalt  }
0x3f: {  	_ =	shalt  }
0x40: {  	_ =	shalt  }
0x41: {  	_ =	shalt  }
0x42: {  	_ =	shalt  }
0x43: {  	_ =	shalt  }
0x44: {  	_ =	shalt  }
0x45: {  	_ =	shalt  }
0x46: {  	_ =	shalt  }
0x47: {  	_ =	shalt  }
0x48: {  	_ =	shalt  }
0x49: {  	_ =	shalt  }
0x4a: {  	_ =	shalt  }
0x4b: {  	_ =	shalt  }
0x4c: {  	_ =	shalt  }
0x4d: {  	_ =	shalt  }
0x4e: {  	_ =	shalt  }
0x4f: {  	_ =	shalt  }
0x50: {  	_ =	shalt  }
0x51: {  	_ =	shalt  }
0x52: {  	_ =	shalt  }
0x53: {  	_ =	shalt  }
0x54: {  	_ =	shalt  }
0x55: {  	_ =	shalt  }
0x56: {  	_ =	shalt  }
0x57: {  	_ =	shalt  }
0x58: {  	_ =	shalt  }
0x59: {  	_ =	shalt  }
0x5a: {  	_ =	shalt  }
0x5b: {  	_ =	shalt  }
0x5c: {  	_ =	shalt  }
0x5d: {  	_ =	shalt  }
0x5e: {  	_ =	shalt  }
0x5f: {  	_ =	shalt  }
0x60: {  	_ =	shalt  }
0x61: {  	_ =	shalt  }
0x62: {  	_ =	shalt  }
0x63: {  	_ =	shalt  }
0x64: {  	_ =	shalt  }
0x65: {  	_ =	shalt  }
0x66: {  	_ =	shalt  }
0x67: {  	_ =	shalt  }
0x68: {  	_ =	shalt  }
0x69: {  	_ =	shalt  }
0x6a: {  	_ =	shalt  }
0x6b: {  	_ =	shalt  }
0x6c: {  	_ =	shalt  }
0x6d: {  	_ =	shalt  }
0x6e: {  	_ =	shalt  }
0x6f: {  	_ =	shalt  }
0x70: {  	_ =	shalt  }
0x71: {  	_ =	shalt  }
0x72: {  	_ =	shalt  }
0x73: {  	_ =	shalt  }
0x74: {  	_ =	shalt  }
0x75: {  	_ =	shalt  }
0x76: {  	_ =	shalt  }
0x77: {  	_ =	shalt  }
0x78: {  	_ =	shalt  }
0x79: {  	_ =	shalt  }
0x7a: {  	_ =	shalt  }
0x7b: {  	_ =	shalt  }
0x7c: {  	_ =	shalt  }
0x7d: {  	_ =	shalt  }
0x7e: {  	_ =	shalt  }
0x7f: {  	_ =	shalt  }
0x80: {  	_ =	shalt  }
0x81: {  	_ =	shalt  }
0x82: {  	_ =	shalt  }
0x83: {  	_ =	shalt  }
0x84: {  	_ =	shalt  }
0x85: {  	_ =	shalt  }
0x86: {  	_ =	shalt  }
0x87: {  	_ =	shalt  }
.Lfunc_end0:
.L_simem_size_0:
called_computation_lowered:
.L_overlay_start_0:
0x88: {  	s2 =	sld [smem:$0x3FD9]  }
0x89: {  	s3 =	sld [smem:$0x3FFE];
	_ =	sdelay $0x1  }
0x8a: {  	s1 =	srdreg.scid  }
0x8b: {  	s0 =	sand.u32 $0x1, s1  }
0x8c: {  	s18 =	sshll.u32 s0, $0xA;
	s2 =	sadd.s32 s3, s2  }
0x8d: {  	s2 =	sadd.s32 s2, s18  }
0x8e: {  	[smem:$0x3FC2] =	sst s2  }
0x8f: {  	_ = 	snop  }
0x90: {  	s2 =	sld [smem:$0x3FC9]  }
0x91: {  	s19 =	sld [smem:$0x3FC8]  }
0x92: {  	s4 =	sld [smem:$0x3FD0];
	(tm) =	ssettm $0x1  }
0x93: {  	s5 =	sld [smem:$0x3FFB];
	_ =	sdelay $0x3  }
0x94: {  	_ =	strace s5  }
0x95: {  	s5 =	sld [smem:$0x3FFC];
	_ =	sdelay $0x3  }
0x96: {  	_ =	strace s5  }
0x97: {  	s5 =	sld [smem:$0x3FFD];
	_ =	sdelay $0x3  }
0x98: {  	_ =	strace s5  }
0x99: {  	_ =	strace $0x8FFFFFFF  }
0x9a: {  	s20 =	sld [smem:$0x3FDB];
	_ =	sdelay $0x1  }
0x9b: {  	s6 =	simm.s32 $_scs_section_size  }
0x9c: {  	s7 =	simm.s32 $_size__tile_overlayer_lowered;
	s8 =	simm.s32 $_tile_overlayer_lowered  }
0x9d: {  	s23 =	simm.s32 $0x1BFF;
	s22 =	sshll.u32 s8, $0x1;
	s5 =	sadd.s32 s6, s20  }
0x9e: {  	s9 =	simm.s32 $0x0;
	s21 =	sshll.u32 s7, $0x1;
	s7 =	sadd.s32 s22, s5  }
0x9f: {  	[timem:s9], [sflag:s23] =	dma.local [hbm:s7], s21  }
0xa0: {  	_ =	swait.ge [sflag:s23], s21  }
0xa1: {  	s6 =	ssub.s32 $0x0, s21;
	[sflag:s23] =	ssyncset.done $0x0  }
0xa2: {  	[sflag:s23] =	ssyncadd.s32 s6;
	_ =	sdelay $0x1  }
0xa3: {  	s24 =	simm.s32 $0x1B8B  }
0xa4: {  	_ =	swait.ge [sflag:s24], $0x1  }
0xa5: {  	[sflag:s24] =	ssyncset.done $0x0  }
0xa6: {  	s25 =	simm.s32 $0x1B8E;
	[sflag:s24] =	ssyncadd.s32 $0xFFFFFFFF  }
0xa7: {  	s26 =	simm.s32 $execute0_lowered;
	[smem:$0x3FD2] =	sst s25  }
0xa8: {  	s6 =	sshll.u32 s26, $0x1;
	_ =	strace $0x80000046;
	[dreg:$0x1] =	wrdreg $0xFFFFFFFF  }
0xa9: {  	s28 =	simm.s32 $_size_execute0_lowered;
	s5 =	sadd.s32 s5, s6;
	[dreg:$0x0] =	wrdreg $0x0  }
0xaa: {  	s6 =	sshll.u32 s28, $0x1;
	[dreg:$0x2] =	wrdreg s5  }
0xab: {  	[dreg:$0x3] =	wrdreg s6  }
0xac: {  	[dreg:$0x4] =	wrdreg $0xC0  }
0xad: {  	_ =	task [dreg:s9], $0x5FFFF  }
0xae: {  	[dreg:$0x1] =	wrdreg $0xFFFFFFFF  }
0xaf: {  	[dreg:$0x0] =	wrdreg $0x60  }
0xb0: {  	[dreg:$0x2] =	wrdreg s19  }
0xb1: {  	[dreg:$0x3] =	wrdreg s2  }
0xb2: {  	[dreg:$0x4] =	wrdreg s4  }
0xb3: {  	[dreg:$0x5] =	wrdreg $0x9  }
0xb4: {  	_ =	task.clear_ibuf [dreg:s9], $0x6FFFF;
	_ =	strace $0x90000046  }
0xb5: {  	s29 =	simm.s32 $0x9;
	_ =	strace $0x80000048  }
0xb6: {  	_ =	swait.ge [sflag:s29], $0x1  }
0xb7: {  	[sflag:s29] =	ssyncadd.s32 $0xFFFFFFFF  }
0xb8: {  	_ =	strace $0x90000048  }
0xb9: {  	_ =	sfence  }
0xba: {  	s30 =	sld [smem:$0x0];
	_ =	sdelay $0x2  }
0xbb: {  	s31 =	sshll.u32 s1, $0xD;
	s1 =	sshrl.u32 s1, $0x2  }
0xbc: {  	s3 =	sand.u32 $0x4000, s31;
	s1 =	sadd.s32 s1, s30  }
0xbd: {  	s0 =	sor.u32 s3, s0;
	s1 =	sshll.u32 s1, $0x11  }
0xbe: {  	s0 =	sor.u32 s1, s0  }
0xbf: {  	s0 =	sadd.s32 $0x8F2B, s0  }
0xc0: {  	[sflag:s0] =	ssyncadd.remote.s32 $0x1  }
0xc1: {  	_ =	sfence.sel $0xFFFF  }
0xc2: {  	[dreg:$0x0] =	wrdreg $0xFFFFFFFF;
	(pc) =	sbr.abs _section_cstart, $3  }
0xc3: {  	[dreg:$0x1] =	wrdreg $0xFFFFFFFF  }
0xc4: {  	_ =	task.clear_ibuf [dreg:s9], $0x2FFFF;
	_ =	strace $0x9FFFFFFF  }
0xc5: {  	(tm) =	ssettm $0x7FFFFFFF  }
tec
execute0_lowered:
.L_overlay_start_1:
0x0: {  	(tag) =	ssettag $0x1  }
0x1: {  	s2 =	rddreg [dreg:$0x0]  }
0x2: {  	s0 =	rddreg [dreg:$0x1];
	s3 =	srdreg.scid  }
0x3: {  	s1 =	rddreg [dreg:$0x2];
	s4 =	sand.u32 $0x1, s3;
	s3 =	simm.s32 $0x0  }
0x4: {  	s19 =	simm.s32 $0x8880;
	[smem:$0x7FF] =	sst s3  }
0x5: {  	s20 =	simm.s32 $0x9080;
	_ =	strace $0x80000047;
	[dreg:$0x8] =	wrdreg s19  }
0x6: {  	s21 =	simm.s32 $0x9880;
	[dreg:$0x9] =	wrdreg s20  }
0x7: {  	s22 =	simm.s32 $0xA080;
	[dreg:$0xa] =	wrdreg s21  }
0x8: {  	s23 =	simm.s32 $0xA880;
	[dreg:$0xb] =	wrdreg s22  }
0x9: {  	s6 =	stileid.u32;
	s24 =	simm.s32 $0xB080;
	[dreg:$0xc] =	wrdreg s23  }
0xa: {  	s25 =	simm.s32 $0xB880;
	s26 =	simm.s32 $0xC080;
	[dreg:$0xd] =	wrdreg s24  }
0xb: {  	s8 =	simm.s32 $0xE080;
	s9 =	simm.s32 $0xE880;
	[dreg:$0xe] =	wrdreg s25  }
0xc: {  	s10 =	simm.s32 $0xF080;
	s11 =	simm.s32 $0xF880;
	[dreg:$0xf] =	wrdreg s26  }
0xd: {  	s12 =	simm.s32 $0x10880;
	s13 =	simm.s32 $0x11080;
	[dreg:$0x13] =	wrdreg s8  }
0xe: {  	s14 =	simm.s32 $0x11880;
	s15 =	simm.s32 $0x12080;
	[dreg:$0x14] =	wrdreg s9  }
0xf: {  	s28 =	simm.s32 $0x1;
	s31 =	simm.s32 $0x4;
	[dreg:$0x15] =	wrdreg s10  }
0x10: {  	s29 =	simm.s32 $0x7880;
	s30 =	simm.s32 $0x10080;
	[dreg:$0x16] =	wrdreg s11  }
0x11: {  	s5 =	sshll.u32 s6, $0x1;
	s6 =	sshll.u32 s6, $0x2;
	[dreg:$0x17] =	wrdreg s12  }
0x12: {  	s5 =	sor.u32 s4, s5;
	s6 =	sand.u32 $0x30, s6;
	[dreg:$0x18] =	wrdreg s13  }
0x13: {  	s7 =	sshll.u32 s5, $0x6;
	s0 =	sadd.s32 s0, s6;
	[dreg:$0x19] =	wrdreg s14  }
0x14: {  	s5 =	sshll.u32 s5, $0xE;
	s6 =	simm.s32 $0xD080;
	[dreg:$0x1a] =	wrdreg s15  }
0x15: {  	s10 =	simm.s32 $0x80;
	s19 =	simm.s32 $0x14080;
	[dreg:$0x11] =	wrdreg s6  }
0x16: {  	s20 =	simm.s32 $0x14880;
	s21 =	simm.s32 $0x15080;
	[dreg:$0x1e] =	wrdreg s19  }
0x17: {  	s22 =	simm.s32 $0x15880;
	s23 =	simm.s32 $0x16080;
	[dreg:$0x1f] =	wrdreg s20  }
0x18: {  	s24 =	simm.s32 $0x16880;
	s25 =	simm.s32 $0x17080;
	[smem:$0x7F8] =	sst s21  }
0x19: {  	s26 =	simm.s32 $0x17880;
	s13 =	simm.s32 $0x880;
	[smem:$0x7F9] =	sst s22  }
0x1a: {  	s14 =	simm.s32 $0x1080;
	s15 =	simm.s32 $0x1880;
	[smem:$0x7FA] =	sst s23  }
0x1b: {  	s7 =	sand.u32 $0x1C0, s7;
	s1 =	sadd.s32 s1, s5;
	[smem:$0x7FB] =	sst s24  }
0x1c: {  	s5 =	ssub.s32 $0x2, s4;
	s6 =	sadd.s32 $0x200, s2;
	[smem:$0x7FC] =	sst s25  }
0x1d: {  	[smem:$0x7FD] =	sst s26;
	s19 =	simm.s32 $0x3880;
	s20 =	simm.s32 $0x4080  }
0x1e: {  	s21 =	simm.s32 $0x4880;
	s0 =	sadd.s32 s7, s0;
	[smem:$0x7F7] =	sst s1  }
0x1f: {  	s22 =	simm.s32 $0x5080;
	s16 =	sadd.s32 $0x1000, s1;
	[dreg:$0x4] =	wrdreg s0  }
0x20: {  	s23 =	simm.s32 $0x5880;
	s17 =	sadd.s32 $0x2000, s1;
	[dreg:$0x5] =	wrdreg s16  }
0x21: {  	s24 =	simm.s32 $0x6080;
	s18 =	sadd.s32 $0x3000, s1;
	[dreg:$0x6] =	wrdreg s17  }
0x22: {  	s25 =	simm.s32 $0x6880;
	s1 =	simm.s32 $0xC880;
	[dreg:$0x7] =	wrdreg s18  }
0x23: {  	s4 =	sshrl.u32 s5, $0x1;
	s7 =	simm.s32 $0xD880;
	[dreg:$0x10] =	wrdreg s1  }
0x24: {  	s26 =	simm.s32 $0x7080;
	s1 =	ssub.s32 s5, s4;
	[dreg:$0x12] =	wrdreg s7  }
0x25: {  	s5 =	sadd.s32 $0x100, s2;
	s7 =	sadd.s32 $0x300, s2;
	s16 =	simm.s32 $0x12880  }
0x26: {  	s17 =	simm.s32 $0x13080;
	s18 =	simm.s32 $0x13880;
	[dreg:$0x1b] =	wrdreg s16  }
0x27: {  	v2 =	vlaneseq.u32;
	s0 =	simm.s32 $0x3;
	s4 =	simm.s32 $0x6;
	[dreg:$0x1c] =	wrdreg s17  }
0x28: {  	vm0 =	vmmov $0xffff;
	v1 =	vshrl.u32 v2, $0x3;
	s8 =	smax.u32 s1, $0x1;
	[dreg:$0x1d] =	wrdreg s18;
	s1 =	simm.s32 $0x5  }
0x29: {  	v0 =	vand.u32 $0x7, v2;
	v2 =	vor.u32 $0x8, v2;
	v1 =	vmul.u32 $0x8, v1;
	s16 =	simm.s32 $0x2080;
	s17 =	simm.s32 $0x2880;
	s18 =	simm.s32 $0x3080  }
.LBB2_1:
0x2a: {  	s11 =	rddreg [dreg:$0x4];
	s9 =	simm.s32 $0x7  }
0x2b: {  	[tilespmem:s3], [sflag:$0x7] =	stream.linear.gather [hbm4b:s11+s3], $0x80, $0x38;
	[tilespmem:$0x18080] =	vst v63  }
0x2c: {  	_ =	swait.ge [sflag:s9], $0x80  }
0x2d: {  	[sflag:s9] =	ssyncset.done $0x0  }
0x2e: {  	[sflag:s9] =	ssyncadd.s32 $0xFFFFFF80  }
0x2f: {  	v3 =	vld [tilespmem:$0x0];
	_ =	sdelay $0x4  }
0x30: {  	v4 =	vshll.u32 v3, $0x3  }
0x31: {  	v3 =	vand.u32 $0x7, v3;
	v4 =	vand.u32 $0xFFFFFFC0, v4  }
0x32: {  	v3 =	vor.u32 v3, v4  }
0x33: {  	v4 =	vperm.xlane v3, v0;
	_ =	sdelay $0x1  }
0x34: {  	v4 =	vadd.s32 v1, v4;
	_ =	sdelay $0x4  }
0x35: {  	[tilespmem:s10], [sflag:$0x1] =	stream.indirect_vreg.gather [hbm4b:s2+s3], $0x80, v4, vm0, $0xb8;
	[tilespmem:$0x18080] =	vst v63  }
0x36: {  	v3 =	vperm.xlane v3, v2  }
0x37: {  	[tilespmem:s13], [sflag:$0x1] =	stream.indirect_vreg.gather [hbm4b:s5+s3], $0x80, v4, vm0, $0xb8;
	[tilespmem:$0x18080] =	vst v63  }
0x38: {  	v3 =	vadd.s32 v1, v3  }
0x39: {  	[tilespmem:s14], [sflag:$0x1] =	stream.indirect_vreg.gather [hbm4b:s6+s3], $0x80, v4, vm0, $0xb8;
	[tilespmem:$0x18080] =	vst v63  }
0x3a: {  	_ = 	snop  }
0x3b: {  	[tilespmem:s15], [sflag:$0x1] =	stream.indirect_vreg.gather [hbm4b:s7+s3], $0x80, v4, vm0, $0xb8;
	[tilespmem:$0x18080] =	vst v63  }
0x3c: {  	_ = 	snop  }
0x3d: {  	[tilespmem:s16], [sflag:$0x1] =	stream.indirect_vreg.gather [hbm4b:s2+s3], $0x80, v3, vm0, $0xb8;
	[tilespmem:$0x18080] =	vst v63  }
0x3e: {  	_ = 	snop  }
0x3f: {  	[tilespmem:s17], [sflag:$0x1] =	stream.indirect_vreg.gather [hbm4b:s5+s3], $0x80, v3, vm0, $0xb8;
	[tilespmem:$0x18080] =	vst v63  }
0x40: {  	_ = 	snop  }
0x41: {  	[tilespmem:s18], [sflag:$0x1] =	stream.indirect_vreg.gather [hbm4b:s6+s3], $0x80, v3, vm0, $0xb8;
	[tilespmem:$0x18080] =	vst v63  }
0x42: {  	_ = 	snop  }
0x43: {  	[tilespmem:s19], [sflag:$0x1] =	stream.indirect_vreg.gather [hbm4b:s7+s3], $0x80, v3, vm0, $0xb8;
	[tilespmem:$0x18080] =	vst v63  }
0x44: {  	v3 =	vld [tilespmem:$0x10];
	_ =	sdelay $0x4  }
0x45: {  	v57 =	vshll.u32 v3, $0x3  }
0x46: {  	v3 =	vand.u32 $0x7, v3;
	v4 =	vand.u32 $0xFFFFFFC0, v57  }
0x47: {  	v3 =	vor.u32 v3, v4  }
0x48: {  	v4 =	vperm.xlane v3, v0;
	_ =	sdelay $0x1  }
0x49: {  	v4 =	vadd.s32 v1, v4;
	_ =	sdelay $0x4  }
0x4a: {  	[tilespmem:s20], [sflag:$0x1] =	stream.indirect_vreg.gather [hbm4b:s2+s3], $0x80, v4, vm0, $0xb8;
	[tilespmem:$0x18080] =	vst v63  }
0x4b: {  	v3 =	vperm.xlane v3, v2  }
0x4c: {  	[tilespmem:s21], [sflag:$0x1] =	stream.indirect_vreg.gather [hbm4b:s5+s3], $0x80, v4, vm0, $0xb8;
	[tilespmem:$0x18080] =	vst v63  }
0x4d: {  	v3 =	vadd.s32 v1, v3  }
0x4e: {  	[tilespmem:s22], [sflag:$0x1] =	stream.indirect_vreg.gather [hbm4b:s6+s3], $0x80, v4, vm0, $0xb8;
	[tilespmem:$0x18080] =	vst v63  }
0x4f: {  	_ = 	snop  }
0x50: {  	[tilespmem:s23], [sflag:$0x1] =	stream.indirect_vreg.gather [hbm4b:s7+s3], $0x80, v4, vm0, $0xb8;
	[tilespmem:$0x18080] =	vst v63  }
0x51: {  	_ = 	snop  }
0x52: {  	[tilespmem:s24], [sflag:$0x1] =	stream.indirect_vreg.gather [hbm4b:s2+s3], $0x80, v3, vm0, $0xb8;
	[tilespmem:$0x18080] =	vst v63  }
0x53: {  	_ = 	snop  }
0x54: {  	[tilespmem:s25], [sflag:$0x1] =	stream.indirect_vreg.gather [hbm4b:s5+s3], $0x80, v3, vm0, $0xb8;
	[tilespmem:$0x18080] =	vst v63  }
0x55: {  	_ = 	snop  }
0x56: {  	[tilespmem:s26], [sflag:$0x1] =	stream.indirect_vreg.gather [hbm4b:s6+s3], $0x80, v3, vm0, $0xb8;
	[tilespmem:$0x18080] =	vst v63  }
0x57: {  	_ = 	snop  }
0x58: {  	[tilespmem:s29], [sflag:$0x1] =	stream.indirect_vreg.gather [hbm4b:s7+s3], $0x80, v3, vm0, $0xb8;
	[tilespmem:$0x18080] =	vst v63  }
0x59: {  	v3 =	vld [tilespmem:$0x20];
	_ =	sdelay $0x4  }
0x5a: {  	v58 =	vshll.u32 v3, $0x3  }
0x5b: {  	v3 =	vand.u32 $0x7, v3;
	v4 =	vand.u32 $0xFFFFFFC0, v58  }
0x5c: {  	v3 =	vor.u32 v3, v4  }
0x5d: {  	v4 =	vperm.xlane v3, v0;
	_ =	sdelay $0x1  }
0x5e: {  	v4 =	vadd.s32 v1, v4;
	_ =	sdelay $0x3  }
0x5f: {  	s9 =	simm.s32 $0x8080  }
0x60: {  	[tilespmem:s9], [sflag:$0x2] =	stream.indirect_vreg.gather [hbm4b:s2+s3], $0x80, v4, vm0, $0xb8;
	[tilespmem:$0x18080] =	vst v63  }
0x61: {  	s11 =	rddreg [dreg:$0x8];
	v3 =	vperm.xlane v3, v2  }
0x62: {  	[tilespmem:s11], [sflag:$0x2] =	stream.indirect_vreg.gather [hbm4b:s5+s3], $0x80, v4, vm0, $0xb8;
	[tilespmem:$0x18080] =	vst v63  }
0x63: {  	s12 =	rddreg [dreg:$0x9];
	v3 =	vadd.s32 v1, v3  }
0x64: {  	[tilespmem:s12], [sflag:$0x2] =	stream.indirect_vreg.gather [hbm4b:s6+s3], $0x80, v4, vm0, $0xb8;
	[tilespmem:$0x18080] =	vst v63  }
0x65: {  	s11 =	rddreg [dreg:$0xa]  }
0x66: {  	[tilespmem:s11], [sflag:$0x2] =	stream.indirect_vreg.gather [hbm4b:s7+s3], $0x80, v4, vm0, $0xb8;
	[tilespmem:$0x18080] =	vst v63  }
0x67: {  	s12 =	rddreg [dreg:$0xb]  }
0x68: {  	[tilespmem:s12], [sflag:$0x2] =	stream.indirect_vreg.gather [hbm4b:s2+s3], $0x80, v3, vm0, $0xb8;
	[tilespmem:$0x18080] =	vst v63  }
0x69: {  	s11 =	rddreg [dreg:$0xc]  }
0x6a: {  	[tilespmem:s11], [sflag:$0x2] =	stream.indirect_vreg.gather [hbm4b:s5+s3], $0x80, v3, vm0, $0xb8;
	[tilespmem:$0x18080] =	vst v63  }
0x6b: {  	s12 =	rddreg [dreg:$0xd]  }
0x6c: {  	[tilespmem:s12], [sflag:$0x2] =	stream.indirect_vreg.gather [hbm4b:s6+s3], $0x80, v3, vm0, $0xb8;
	[tilespmem:$0x18080] =	vst v63  }
0x6d: {  	s11 =	rddreg [dreg:$0xe]  }
0x6e: {  	[tilespmem:s11], [sflag:$0x2] =	stream.indirect_vreg.gather [hbm4b:s7+s3], $0x80, v3, vm0, $0xb8;
	[tilespmem:$0x18080] =	vst v63  }
0x6f: {  	v3 =	vld [tilespmem:$0x30];
	_ =	sdelay $0x4  }
0x70: {  	v59 =	vshll.u32 v3, $0x3  }
0x71: {  	v3 =	vand.u32 $0x7, v3;
	v4 =	vand.u32 $0xFFFFFFC0, v59  }
0x72: {  	v3 =	vor.u32 v3, v4  }
0x73: {  	v4 =	vperm.xlane v3, v0;
	_ =	sdelay $0x1  }
0x74: {  	v4 =	vadd.s32 v1, v4;
	_ =	sdelay $0x3  }
0x75: {  	s11 =	rddreg [dreg:$0xf]  }
0x76: {  	[tilespmem:s11], [sflag:$0x2] =	stream.indirect_vreg.gather [hbm4b:s2+s3], $0x80, v4, vm0, $0xb8;
	[tilespmem:$0x18080] =	vst v63  }
0x77: {  	s12 =	rddreg [dreg:$0x10];
	v3 =	vperm.xlane v3, v2  }
0x78: {  	[tilespmem:s12], [sflag:$0x2] =	stream.indirect_vreg.gather [hbm4b:s5+s3], $0x80, v4, vm0, $0xb8;
	[tilespmem:$0x18080] =	vst v63  }
0x79: {  	v3 =	vadd.s32 v1, v3;
	s11 =	rddreg [dreg:$0x11]  }
0x7a: {  	[tilespmem:s11], [sflag:$0x2] =	stream.indirect_vreg.gather [hbm4b:s6+s3], $0x80, v4, vm0, $0xb8;
	[tilespmem:$0x18080] =	vst v63  }
0x7b: {  	s12 =	rddreg [dreg:$0x12]  }
0x7c: {  	[tilespmem:s12], [sflag:$0x2] =	stream.indirect_vreg.gather [hbm4b:s7+s3], $0x80, v4, vm0, $0xb8;
	[tilespmem:$0x18080] =	vst v63  }
0x7d: {  	s11 =	rddreg [dreg:$0x13]  }
0x7e: {  	[tilespmem:s11], [sflag:$0x2] =	stream.indirect_vreg.gather [hbm4b:s2+s3], $0x80, v3, vm0, $0xb8;
	[tilespmem:$0x18080] =	vst v63  }
0x7f: {  	s12 =	rddreg [dreg:$0x14]  }
0x80: {  	[tilespmem:s12], [sflag:$0x2] =	stream.indirect_vreg.gather [hbm4b:s5+s3], $0x80, v3, vm0, $0xb8;
	[tilespmem:$0x18080] =	vst v63  }
0x81: {  	s11 =	rddreg [dreg:$0x15]  }
0x82: {  	[tilespmem:s11], [sflag:$0x2] =	stream.indirect_vreg.gather [hbm4b:s6+s3], $0x80, v3, vm0, $0xb8;
	[tilespmem:$0x18080] =	vst v63  }
0x83: {  	s12 =	rddreg [dreg:$0x16]  }
0x84: {  	[tilespmem:s12], [sflag:$0x2] =	stream.indirect_vreg.gather [hbm4b:s7+s3], $0x80, v3, vm0, $0xb8;
	[tilespmem:$0x18080] =	vst v63  }
0x85: {  	_ =	swait.ge [sflag:s28], $0x8000  }
0x86: {  	[sflag:s28] =	ssyncset.done $0x0  }
0x87: {  	[sflag:s28] =	ssyncadd.s32 $0xFFFF8000  }
0x88: {  	v3 =	vld [tilespmem:$0x40];
	_ =	sdelay $0x4  }
0x89: {  	v60 =	vshll.u32 v3, $0x3  }
0x8a: {  	v3 =	vand.u32 $0x7, v3;
	v4 =	vand.u32 $0xFFFFFFC0, v60  }
0x8b: {  	v3 =	vor.u32 v3, v4  }
0x8c: {  	v4 =	vperm.xlane v3, v0;
	_ =	sdelay $0x1  }
0x8d: {  	v4 =	vadd.s32 v1, v4;
	_ =	sdelay $0x4  }
0x8e: {  	[tilespmem:s30], [sflag:$0x3] =	stream.indirect_vreg.gather [hbm4b:s2+s3], $0x80, v4, vm0, $0xb8;
	[tilespmem:$0x18080] =	vst v63  }
0x8f: {  	s11 =	rddreg [dreg:$0x17];
	v3 =	vperm.xlane v3, v2  }
0x90: {  	[tilespmem:s11], [sflag:$0x3] =	stream.indirect_vreg.gather [hbm4b:s5+s3], $0x80, v4, vm0, $0xb8;
	[tilespmem:$0x18080] =	vst v63  }
0x91: {  	s12 =	rddreg [dreg:$0x18];
	v3 =	vadd.s32 v1, v3  }
0x92: {  	[tilespmem:s12], [sflag:$0x3] =	stream.indirect_vreg.gather [hbm4b:s6+s3], $0x80, v4, vm0, $0xb8;
	[tilespmem:$0x18080] =	vst v63  }
0x93: {  	s11 =	rddreg [dreg:$0x19]  }
0x94: {  	[tilespmem:s11], [sflag:$0x3] =	stream.indirect_vreg.gather [hbm4b:s7+s3], $0x80, v4, vm0, $0xb8;
	[tilespmem:$0x18080] =	vst v63  }
0x95: {  	s12 =	rddreg [dreg:$0x1a]  }
0x96: {  	[tilespmem:s12], [sflag:$0x3] =	stream.indirect_vreg.gather [hbm4b:s2+s3], $0x80, v3, vm0, $0xb8;
	[tilespmem:$0x18080] =	vst v63  }
0x97: {  	s11 =	rddreg [dreg:$0x1b]  }
0x98: {  	[tilespmem:s11], [sflag:$0x3] =	stream.indirect_vreg.gather [hbm4b:s5+s3], $0x80, v3, vm0, $0xb8;
	[tilespmem:$0x18080] =	vst v63  }
0x99: {  	s12 =	rddreg [dreg:$0x1c]  }
0x9a: {  	[tilespmem:s12], [sflag:$0x3] =	stream.indirect_vreg.gather [hbm4b:s6+s3], $0x80, v3, vm0, $0xb8;
	[tilespmem:$0x18080] =	vst v63  }
0x9b: {  	s11 =	rddreg [dreg:$0x1d]  }
0x9c: {  	[tilespmem:s11], [sflag:$0x3] =	stream.indirect_vreg.gather [hbm4b:s7+s3], $0x80, v3, vm0, $0xb8;
	[tilespmem:$0x18080] =	vst v63  }
0x9d: {  	v3 =	vld [tilespmem:$0x50];
	_ =	sdelay $0x4  }
0x9e: {  	v61 =	vshll.u32 v3, $0x3  }
0x9f: {  	v3 =	vand.u32 $0x7, v3;
	v4 =	vand.u32 $0xFFFFFFC0, v61  }
0xa0: {  	v3 =	vor.u32 v3, v4  }
0xa1: {  	v4 =	vperm.xlane v3, v0;
	_ =	sdelay $0x1  }
0xa2: {  	v4 =	vadd.s32 v1, v4;
	_ =	sdelay $0x2  }
0xa3: {  	s12 =	rddreg [dreg:$0x1f]  }
0xa4: {  	s11 =	rddreg [dreg:$0x1e]  }
0xa5: {  	[tilespmem:s11], [sflag:$0x3] =	stream.indirect_vreg.gather [hbm4b:s2+s3], $0x80, v4, vm0, $0xb8;
	[tilespmem:$0x18080] =	vst v63  }
0xa6: {  	v3 =	vperm.xlane v3, v2;
	s11 =	sld [smem:$0x7F8]  }
0xa7: {  	[tilespmem:s12], [sflag:$0x3] =	stream.indirect_vreg.gather [hbm4b:s5+s3], $0x80, v4, vm0, $0xb8;
	[tilespmem:$0x18080] =	vst v63  }
0xa8: {  	v3 =	vadd.s32 v1, v3;
	s12 =	sld [smem:$0x7F9]  }
0xa9: {  	[tilespmem:s11], [sflag:$0x3] =	stream.indirect_vreg.gather [hbm4b:s6+s3], $0x80, v4, vm0, $0xb8;
	[tilespmem:$0x18080] =	vst v63  }
0xaa: {  	s11 =	sld [smem:$0x7FA]  }
0xab: {  	[tilespmem:s12], [sflag:$0x3] =	stream.indirect_vreg.gather [hbm4b:s7+s3], $0x80, v4, vm0, $0xb8;
	[tilespmem:$0x18080] =	vst v63  }
0xac: {  	s12 =	sld [smem:$0x7FB]  }
0xad: {  	[tilespmem:s11], [sflag:$0x3] =	stream.indirect_vreg.gather [hbm4b:s2+s3], $0x80, v3, vm0, $0xb8;
	[tilespmem:$0x18080] =	vst v63  }
0xae: {  	s11 =	sld [smem:$0x7FC]  }
0xaf: {  	[tilespmem:s12], [sflag:$0x3] =	stream.indirect_vreg.gather [hbm4b:s5+s3], $0x80, v3, vm0, $0xb8;
	[tilespmem:$0x18080] =	vst v63  }
0xb0: {  	s12 =	sld [smem:$0x7FD]  }
0xb1: {  	[tilespmem:s11], [sflag:$0x3] =	stream.indirect_vreg.gather [hbm4b:s6+s3], $0x80, v3, vm0, $0xb8;
	[tilespmem:$0x18080] =	vst v63  }
0xb2: {  	_ = 	snop  }
0xb3: {  	[tilespmem:s12], [sflag:$0x3] =	stream.indirect_vreg.gather [hbm4b:s7+s3], $0x80, v3, vm0, $0xb8;
	[tilespmem:$0x18080] =	vst v63  }
0xb4: {  	s12 =	sld [smem:$0x7F7];
	_ =	sdelay $0x2  }
0xb5: {  	[hbm4b:s12+s3] =	stream.linear.scatter [tilespmem:s10], [sflag:$0x4], $0x8000, $0x38;
	[tilespmem:$0x18080] =	vst v63  }
0xb6: {  	s12 =	simm.s32 $0x2  }
0xb7: {  	_ =	swait.ge [sflag:s12], $0x8000  }
0xb8: {  	[sflag:s12] =	ssyncset.done $0x0  }
0xb9: {  	[sflag:s12] =	ssyncadd.s32 $0xFFFF8000  }
0xba: {  	_ =	swait.ge [sflag:s31], $0x8000  }
0xbb: {  	[sflag:s31] =	ssyncset.done $0x0  }
0xbc: {  	[sflag:s31] =	ssyncadd.s32 $0xFFFF8000  }
0xbd: {  	v3 =	vld [tilespmem:$0x60];
	_ =	sdelay $0x4  }
0xbe: {  	v62 =	vshll.u32 v3, $0x3  }
0xbf: {  	v3 =	vand.u32 $0x7, v3;
	v4 =	vand.u32 $0xFFFFFFC0, v62  }
0xc0: {  	v3 =	vor.u32 v3, v4  }
0xc1: {  	v4 =	vperm.xlane v3, v0;
	_ =	sdelay $0x1  }
0xc2: {  	v4 =	vadd.s32 v1, v4;
	_ =	sdelay $0x4  }
0xc3: {  	[tilespmem:s10], [sflag:$0x1] =	stream.indirect_vreg.gather [hbm4b:s2+s3], $0x80, v4, vm0, $0xb8;
	[tilespmem:$0x18080] =	vst v63  }
0xc4: {  	v3 =	vperm.xlane v3, v2  }
0xc5: {  	[tilespmem:s13], [sflag:$0x1] =	stream.indirect_vreg.gather [hbm4b:s5+s3], $0x80, v4, vm0, $0xb8;
	[tilespmem:$0x18080] =	vst v63  }
0xc6: {  	v3 =	vadd.s32 v1, v3  }
0xc7: {  	[tilespmem:s14], [sflag:$0x1] =	stream.indirect_vreg.gather [hbm4b:s6+s3], $0x80, v4, vm0, $0xb8;
	[tilespmem:$0x18080] =	vst v63  }
0xc8: {  	_ = 	snop  }
0xc9: {  	[tilespmem:s15], [sflag:$0x1] =	stream.indirect_vreg.gather [hbm4b:s7+s3], $0x80, v4, vm0, $0xb8;
	[tilespmem:$0x18080] =	vst v63  }
0xca: {  	_ = 	snop  }
0xcb: {  	[tilespmem:s16], [sflag:$0x1] =	stream.indirect_vreg.gather [hbm4b:s2+s3], $0x80, v3, vm0, $0xb8;
	[tilespmem:$0x18080] =	vst v63  }
0xcc: {  	_ = 	snop  }
0xcd: {  	[tilespmem:s17], [sflag:$0x1] =	stream.indirect_vreg.gather [hbm4b:s5+s3], $0x80, v3, vm0, $0xb8;
	[tilespmem:$0x18080] =	vst v63  }
0xce: {  	_ = 	snop  }
0xcf: {  	[tilespmem:s18], [sflag:$0x1] =	stream.indirect_vreg.gather [hbm4b:s6+s3], $0x80, v3, vm0, $0xb8;
	[tilespmem:$0x18080] =	vst v63  }
0xd0: {  	_ = 	snop  }
0xd1: {  	[tilespmem:s19], [sflag:$0x1] =	stream.indirect_vreg.gather [hbm4b:s7+s3], $0x80, v3, vm0, $0xb8;
	[tilespmem:$0x18080] =	vst v63  }
0xd2: {  	v3 =	vld [tilespmem:$0x70];
	_ =	sdelay $0x4  }
0xd3: {  	v63 =	vshll.u32 v3, $0x3  }
0xd4: {  	v3 =	vand.u32 $0x7, v3;
	v4 =	vand.u32 $0xFFFFFFC0, v63  }
0xd5: {  	v3 =	vor.u32 v3, v4  }
0xd6: {  	v4 =	vperm.xlane v3, v0;
	_ =	sdelay $0x1  }
0xd7: {  	v4 =	vadd.s32 v1, v4;
	_ =	sdelay $0x4  }
0xd8: {  	[tilespmem:s20], [sflag:$0x1] =	stream.indirect_vreg.gather [hbm4b:s2+s3], $0x80, v4, vm0, $0xb8;
	[tilespmem:$0x18080] =	vst v63  }
0xd9: {  	v3 =	vperm.xlane v3, v2  }
0xda: {  	[tilespmem:s21], [sflag:$0x1] =	stream.indirect_vreg.gather [hbm4b:s5+s3], $0x80, v4, vm0, $0xb8;
	[tilespmem:$0x18080] =	vst v63  }
0xdb: {  	v3 =	vadd.s32 v1, v3  }
0xdc: {  	[tilespmem:s22], [sflag:$0x1] =	stream.indirect_vreg.gather [hbm4b:s6+s3], $0x80, v4, vm0, $0xb8;
	[tilespmem:$0x18080] =	vst v63  }
0xdd: {  	_ = 	snop  }
0xde: {  	[tilespmem:s23], [sflag:$0x1] =	stream.indirect_vreg.gather [hbm4b:s7+s3], $0x80, v4, vm0, $0xb8;
	[tilespmem:$0x18080] =	vst v63  }
0xdf: {  	_ = 	snop  }
0xe0: {  	[tilespmem:s24], [sflag:$0x1] =	stream.indirect_vreg.gather [hbm4b:s2+s3], $0x80, v3, vm0, $0xb8;
	[tilespmem:$0x18080] =	vst v63  }
0xe1: {  	_ = 	snop  }
0xe2: {  	[tilespmem:s25], [sflag:$0x1] =	stream.indirect_vreg.gather [hbm4b:s5+s3], $0x80, v3, vm0, $0xb8;
	[tilespmem:$0x18080] =	vst v63  }
0xe3: {  	_ = 	snop  }
0xe4: {  	[tilespmem:s26], [sflag:$0x1] =	stream.indirect_vreg.gather [hbm4b:s6+s3], $0x80, v3, vm0, $0xb8;
	[tilespmem:$0x18080] =	vst v63  }
0xe5: {  	_ = 	snop  }
0xe6: {  	[tilespmem:s29], [sflag:$0x1] =	stream.indirect_vreg.gather [hbm4b:s7+s3], $0x80, v3, vm0, $0xb8;
	[tilespmem:$0x18080] =	vst v63  }
0xe7: {  	s12 =	rddreg [dreg:$0x5]  }
0xe8: {  	[hbm4b:s12+s3] =	stream.linear.scatter [tilespmem:s9], [sflag:$0x5], $0x8000, $0x38;
	[tilespmem:$0x18080] =	vst v63  }
0xe9: {  	_ =	swait.ge [sflag:s0], $0x8000  }
0xea: {  	[sflag:s0] =	ssyncset.done $0x0  }
0xeb: {  	s9 =	rddreg [dreg:$0x6];
	[sflag:s0] =	ssyncadd.s32 $0xFFFF8000  }
0xec: {  	[hbm4b:s9+s3] =	stream.linear.scatter [tilespmem:s30], [sflag:$0x6], $0x8000, $0x38;
	[tilespmem:$0x18080] =	vst v63  }
0xed: {  	_ =	swait.ge [sflag:s28], $0x8000  }
0xee: {  	[sflag:s28] =	ssyncset.done $0x0  }
0xef: {  	s12 =	rddreg [dreg:$0x7];
	[sflag:s28] =	ssyncadd.s32 $0xFFFF8000  }
0xf0: {  	[hbm4b:s12+s3] =	stream.linear.scatter [tilespmem:s10], [sflag:$0x4], $0x8000, $0x38;
	[tilespmem:$0x18080] =	vst v63  }
0xf1: {  	_ =	swait.ge [sflag:s1], $0x8000  }
0xf2: {  	[sflag:s1] =	ssyncset.done $0x0  }
0xf3: {  	[sflag:s1] =	ssyncadd.s32 $0xFFFF8000  }
0xf4: {  	p0 =	sne.s32 s8, $0x1;
	_ =	swait.ge [sflag:s4], $0x8000  }
.Ltmp0:
0xf5: {  	[sflag:s4] =	ssyncset.done $0x0;
	(pc) =	sbr.rel @p0 .LBB2_1-.Ltmp0, $4  }
0xf6: {  	[sflag:s4] =	ssyncadd.s32 $0xFFFF8000  }
0xf7: {  	_ =	swait.ge [sflag:s31], $0x8000  }
0xf8: {  	[sflag:s31] =	ssyncset.done $0x0  }
0xf9: {  	s8 =	sadd.s32 $0xFFFFFFFF, s8;
	[sflag:s31] =	ssyncadd.s32 $0xFFFF8000  }
0xfa: {  	_ =	sfence.sel $0x180000  }
0xfb: {  	[bflag:$0x0] =	sbarrier.arrive $0xFFFF  }
0xfc: {  	_ =	strace $0x90000047  }
0xfd: {  	s0 =	stileid.u32;
	[bflag:$0x2] =	sbarrier.arrive $0xFFFF  }
0xfe: {  	p0 =	sne.s32 s0, $0x0;
	s0 =	rddreg [dreg:$0x3]  }
0xff: {  	s0 =	sadd.s32 @!p0 $0x100000, s0  }
0x100: {  	[sflag:s0] =	ssyncadd.tile.s32 @!p0 $0x1;
	_ =	shalt  }
.Lfunc_end2:
_tile_overlayer_lowered:
.L_overlay_start_2:
0x101: {  	(tag) =	ssettag $0x2  }
0x102: {  	s0 =	rddreg [dreg:$0x0];
	s2 =	stileid.u32  }
0x103: {  	s1 =	rddreg [dreg:$0x1];
	p0 =	sne.s32 s2, $0x0  }
0x104: {  	s3 =	rddreg [dreg:$0x2];
	[bflag:$0x3] =	sbarrier.arrive $0xFFFF;
	s2 =	simm.s32 @!p0 $0x1C07  }
0x105: {  	[timem:s3], [sflag:s2] =	dma.local @!p0 [hbm:s0], s1  }
0x106: {  	s0 =	simm.s32 @!p0 $0x7  }
0x107: {  	_ =	swait.ge @!p0 [sflag:s0], s1  }
0x108: {  	s1 =	ssub.s32 @!p0 $0x0, s1;
	[sflag:s0] =	ssyncset.done @!p0 $0x0  }
0x109: {  	[sflag:s0] =	ssyncadd.s32 @!p0 s1  }
0x10a: {  	[bflag:$0x3] =	sbarrier.arrive $0xFFFF  }
0x10b: {  	_ =	shalt  }

// kernel: kernel.13.cloned.1.call-start
scs
__scs_entry_jumppad:
0x0: {  	(pc) =	sbr.rel $0x88, $3  }
0x1: {  	(tag) =	ssettag $0x0;
	lr =	simm.s32 $0x1  }
0x2: {  	[smem:$0x3F9B] =	sst lr;
	_ =	strace $0xD0000000  }
0x3: {  	_ = 	snop  }
0x4: {  	_ = 	snop  }
0x5: {  	_ = 	snop  }
0x6: {  	_ = 	snop  }
0x7: {  	_ = 	snop  }
__scs_overlays_trampoline_lowered:
0x8: {  	[smem:$0x3FAA] =	sst s0  }
0x9: {  	[smem:$0x3FAB] =	sst s1  }
0xa: {  	[smem:$0x3FAC] =	sst s2  }
0xb: {  	[smem:$0x3FAD] =	sst s3  }
0xc: {  	[smem:$0x3FAE] =	sst s4  }
0xd: {  	[smem:$0x3FAF] =	sst s5  }
0xe: {  	[smem:$0x3FB0] =	sst s6  }
0xf: {  	[smem:$0x3FB1] =	sst s7  }
0x10: {  	[smem:$0x3FB2] =	sst s8  }
0x11: {  	[smem:$0x3FB3] =	sst s9;
	s0 =	simm.s32 @!p0 $0x0  }
0x12: {  	s1 =	sld [smem:$0x3F99];
	s0 =	simm.s32 @p0 $0x1  }
0x13: {  	[smem:$0x3FB4] =	sst s0;
	s0 =	simm.s32 @!p1 $0x0  }
0x14: {  	s2 =	sld [smem:$0x3F98];
	s0 =	simm.s32 @p1 $0x1  }
0x15: {  	[smem:$0x3FB5] =	sst s0;
	s0 =	simm.s32 @!p2 $0x0  }
0x16: {  	s3 =	sld [smem:$0x3FDB];
	s0 =	simm.s32 @p2 $0x1  }
0x17: {  	s4 =	simm.s32 $0x1BF5;
	[smem:$0x3FB7] =	sst s0  }
0x18: {  	s0 =	sld [smem:$0x3F9A];
	_ =	swait.ge [sflag:s4], $0x0  }
0x19: {  	s7 =	sld [smem:$0x3F9B]  }
0x1a: {  	s8 =	sadd.s32 $0xFFFFE003, lr  }
0x1b: {  	s9 =	sadd.s32 $0xFFFFFEF7, lr;
	s5 =	simm.s32 $0xFFFFFFFF;
	p2 =	slt.u32 s8, $0xFFFFF086  }
0x1c: {  	p1 =	slt.u32 s9, $0xF7A;
	s5 =	simm.s32 @!p2 $0x0  }
0x1d: {  	s5 =	simm.s32 @p1 $0x1;
	p0 =	seq.s32 s7, s2  }
0x1e: {  	s7 =	smul.u32 @!p0 $0xF7A, s2;
	p2 =	seq.s32 @!p0 s5, $0x0  }
0x1f: {  	s9 =	smul.u32 $0xF7A, s1;
	s8 =	simm.s32 @!p0 $0x1BF5;
	p2 =	por !p2, p0  }
0x20: {  	[sflag:s8] =	ssyncset.s32 @!p0 $0xFFFFF086;
	s6 =	sadd.s32 @!p0 s3, s7;
	s7 =	simm.s32 @!p0 $0x108  }
0x21: {  	s3 =	sadd.s32 s3, s9;
	s6 =	sadd.s32 @!p0 $0x88, s6;
	s7 =	simm.s32 @p2 $0x1082  }
0x22: {  	[simem:s7], [sflag:s8] =	dma.local @!p0 [hbm:s6], $0xF7A  }
0x23: {  	s9 =	sor.u32 $0xD0000000, s2;
	s6 =	simm.s32 $0x108;
	_ =	swait.ge @!p0 [sflag:s8], $0x0  }
0x24: {  	s3 =	sadd.s32 $0x88, s3;
	s6 =	simm.s32 @!p1 $0x1082;
	[sflag:s4] =	ssyncset.s32 $0xFFFFF086  }
0x25: {  	[simem:s6], [sflag:s4] =	dma.local [hbm:s3], $0xF7A  }
0x26: {  	[smem:$0x3F9B] =	sst s1;
	(tag) =	ssettag s2;
	_ =	strace s9  }
0x27: {  	s1 =	sld [smem:$0x3FAB]  }
0x28: {  	s2 =	sld [smem:$0x3FAC]  }
0x29: {  	s4 =	sld [smem:$0x3FAE]  }
0x2a: {  	p0 =	seq.s32 s5, $0x0;
	s5 =	sld [smem:$0x3FAF]  }
0x2b: {  	s6 =	sld [smem:$0x3FB0]  }
0x2c: {  	s7 =	sld [smem:$0x3FB1]  }
0x2d: {  	s3 =	simm.s32 $0x108;
	s8 =	sld [smem:$0x3FB2]  }
0x2e: {  	s3 =	simm.s32 @!p0 $0x1082;
	s9 =	sld [smem:$0x3FB3]  }
0x2f: {  	lr =	sadd.s32 s0, s3;
	s0 =	sld [smem:$0x3FAA]  }
0x30: {  	s3 =	sld [smem:$0x3FAD]  }
0x31: {  	[smem:$0x3FB6] =	sst s10  }
0x32: {  	s10 =	sld [smem:$0x3FB4];
	_ =	sdelay $0x3  }
0x33: {  	p0 =	seq.s32 s10, $0x1;
	s10 =	sld [smem:$0x3FB6];
	_ =	sdelay $0x3  }
0x34: {  	[smem:$0x3FB6] =	sst s10  }
0x35: {  	s10 =	sld [smem:$0x3FB5];
	_ =	sdelay $0x3  }
0x36: {  	p1 =	seq.s32 s10, $0x1;
	s10 =	sld [smem:$0x3FB6];
	_ =	sdelay $0x3  }
0x37: {  	[smem:$0x3FB6] =	sst s10  }
0x38: {  	s10 =	sld [smem:$0x3FB7]  }
0x39: {  	_ = 	snop;
	(pc) =	sbr.ind lr, $3  }
0x3a: {  	_ = 	snop  }
0x3b: {  	_ = 	snop  }
0x3c: {  	p2 =	seq.s32 s10, $0x1;
	s10 =	sld [smem:$0x3FB6]  }
0x3d: {  	_ =	shalt  }
0x3e: {  	_ =	shalt  }
0x3f: {  	_ =	shalt  }
0x40: {  	_ =	shalt  }
0x41: {  	_ =	shalt  }
0x42: {  	_ =	shalt  }
0x43: {  	_ =	shalt  }
0x44: {  	_ =	shalt  }
0x45: {  	_ =	shalt  }
0x46: {  	_ =	shalt  }
0x47: {  	_ =	shalt  }
0x48: {  	_ =	shalt  }
0x49: {  	_ =	shalt  }
0x4a: {  	_ =	shalt  }
0x4b: {  	_ =	shalt  }
0x4c: {  	_ =	shalt  }
0x4d: {  	_ =	shalt  }
0x4e: {  	_ =	shalt  }
0x4f: {  	_ =	shalt  }
0x50: {  	_ =	shalt  }
0x51: {  	_ =	shalt  }
0x52: {  	_ =	shalt  }
0x53: {  	_ =	shalt  }
0x54: {  	_ =	shalt  }
0x55: {  	_ =	shalt  }
0x56: {  	_ =	shalt  }
0x57: {  	_ =	shalt  }
0x58: {  	_ =	shalt  }
0x59: {  	_ =	shalt  }
0x5a: {  	_ =	shalt  }
0x5b: {  	_ =	shalt  }
0x5c: {  	_ =	shalt  }
0x5d: {  	_ =	shalt  }
0x5e: {  	_ =	shalt  }
0x5f: {  	_ =	shalt  }
0x60: {  	_ =	shalt  }
0x61: {  	_ =	shalt  }
0x62: {  	_ =	shalt  }
0x63: {  	_ =	shalt  }
0x64: {  	_ =	shalt  }
0x65: {  	_ =	shalt  }
0x66: {  	_ =	shalt  }
0x67: {  	_ =	shalt  }
0x68: {  	_ =	shalt  }
0x69: {  	_ =	shalt  }
0x6a: {  	_ =	shalt  }
0x6b: {  	_ =	shalt  }
0x6c: {  	_ =	shalt  }
0x6d: {  	_ =	shalt  }
0x6e: {  	_ =	shalt  }
0x6f: {  	_ =	shalt  }
0x70: {  	_ =	shalt  }
0x71: {  	_ =	shalt  }
0x72: {  	_ =	shalt  }
0x73: {  	_ =	shalt  }
0x74: {  	_ =	shalt  }
0x75: {  	_ =	shalt  }
0x76: {  	_ =	shalt  }
0x77: {  	_ =	shalt  }
0x78: {  	_ =	shalt  }
0x79: {  	_ =	shalt  }
0x7a: {  	_ =	shalt  }
0x7b: {  	_ =	shalt  }
0x7c: {  	_ =	shalt  }
0x7d: {  	_ =	shalt  }
0x7e: {  	_ =	shalt  }
0x7f: {  	_ =	shalt  }
0x80: {  	_ =	shalt  }
0x81: {  	_ =	shalt  }
0x82: {  	_ =	shalt  }
0x83: {  	_ =	shalt  }
0x84: {  	_ =	shalt  }
0x85: {  	_ =	shalt  }
0x86: {  	_ =	shalt  }
0x87: {  	_ =	shalt  }
.Lfunc_end0:
.L_simem_size_0:
called_computation.1_lowered:
.L_overlay_start_0:
0x88: {  	s2 =	sld [smem:$0x3FD9]  }
0x89: {  	s3 =	sld [smem:$0x3FFE];
	_ =	sdelay $0x1  }
0x8a: {  	s1 =	srdreg.scid  }
0x8b: {  	s0 =	sand.u32 $0x1, s1  }
0x8c: {  	s17 =	sshll.u32 s0, $0xA;
	s2 =	sadd.s32 s3, s2  }
0x8d: {  	s2 =	sadd.s32 s2, s17  }
0x8e: {  	[smem:$0x3FC2] =	sst s2  }
0x8f: {  	_ = 	snop  }
0x90: {  	s18 =	sld [smem:$0x3FC9]  }
0x91: {  	s4 =	sld [smem:$0x3FC8];
	(tm) =	ssettm $0x1  }
0x92: {  	s19 =	sld [smem:$0x3FFB];
	_ =	sdelay $0x3  }
0x93: {  	_ =	strace s19  }
0x94: {  	s2 =	sld [smem:$0x3FFC];
	_ =	sdelay $0x3  }
0x95: {  	_ =	strace s2  }
0x96: {  	s2 =	sld [smem:$0x3FFD];
	_ =	sdelay $0x3  }
0x97: {  	_ =	strace s2  }
0x98: {  	_ =	strace $0x8FFFFFFF  }
0x99: {  	s20 =	sld [smem:$0x3FDB];
	_ =	sdelay $0x1  }
0x9a: {  	s5 =	simm.s32 $_scs_section_size  }
0x9b: {  	s6 =	simm.s32 $_size__tile_overlayer_lowered;
	s7 =	simm.s32 $_tile_overlayer_lowered  }
0x9c: {  	s8 =	simm.s32 $0x1BFF;
	s21 =	sshll.u32 s7, $0x1;
	s5 =	sadd.s32 s5, s20  }
0x9d: {  	s22 =	simm.s32 $0x0;
	s6 =	sshll.u32 s6, $0x1;
	s7 =	sadd.s32 s21, s5  }
0x9e: {  	[timem:s22], [sflag:s8] =	dma.local [hbm:s7], s6  }
0x9f: {  	_ =	swait.ge [sflag:s8], s6  }
0xa0: {  	s6 =	ssub.s32 $0x0, s6;
	[sflag:s8] =	ssyncset.done $0x0  }
0xa1: {  	[sflag:s8] =	ssyncadd.s32 s6;
	_ =	sdelay $0x1  }
0xa2: {  	s23 =	simm.s32 $0x1B8B  }
0xa3: {  	_ =	swait.ge [sflag:s23], $0x1  }
0xa4: {  	[sflag:s23] =	ssyncset.done $0x0  }
0xa5: {  	[sflag:s23] =	ssyncadd.s32 $0xFFFFFFFF  }
0xa6: {  	s6 =	sld [smem:$0x0]  }
0xa7: {  	s7 =	sand.u32 $0xFFFFFFFE, s1  }
0xa8: {  	p0 =	sne.s32 s1, s7  }
0xa9: {  	s7 =	sshll.u32 @p0 s7, $0xE  }
0xaa: {  	s7 =	sadd.s32 @p0 $0x11B8D, s7;
	s8 =	sshll.u32 @p0 s6, $0x11  }
0xab: {  	s7 =	sor.u32 @p0 s8, s7  }
0xac: {  	[sflag:s7] =	ssyncadd.remote.s32 @p0 $0x1;
	_ =	sdelay $0x1  }
0xad: {  	s7 =	simm.s32 @p0 $0x1B8D  }
0xae: {  	_ =	swait.eq @p0 [sflag:s7], $0x1  }
0xaf: {  	[sflag:s7] =	ssyncadd.s32 @p0 $0xFFFFFFFF  }
0xb0: {  	s8 =	sshll.u32 @!p0 s1, $0xE  }
0xb1: {  	s8 =	sor.u32 @!p0 $0x4000, s8;
	s7 =	simm.s32 @!p0 $0x1B8D  }
0xb2: {  	s6 =	sshll.u32 @!p0 s6, $0x11;
	s8 =	sadd.s32 @!p0 $0x11B8D, s8;
	_ =	swait.eq @!p0 [sflag:s7], $0x1  }
0xb3: {  	s6 =	sor.u32 @!p0 s6, s8;
	[sflag:s7] =	ssyncadd.s32 @!p0 $0xFFFFFFFF  }
0xb4: {  	s25 =	simm.s32 $0x1B8E;
	s24 =	sld [smem:$0x3FFE];
	[sflag:s6] =	ssyncadd.remote.s32 @!p0 $0x1  }
0xb5: {  	s26 =	simm.s32 $execute0_lowered;
	[smem:$0x3FD2] =	sst s25  }
0xb6: {  	s7 =	sshll.u32 s26, $0x1;
	_ =	strace $0x80000049;
	[dreg:$0x1] =	wrdreg $0xFFFFFFFF  }
0xb7: {  	s28 =	simm.s32 $_size_execute0_lowered;
	s5 =	sadd.s32 s5, s7;
	[dreg:$0x0] =	wrdreg $0x0  }
0xb8: {  	s7 =	sshll.u32 s28, $0x1;
	[dreg:$0x2] =	wrdreg s5  }
0xb9: {  	[dreg:$0x3] =	wrdreg s7  }
0xba: {  	[dreg:$0x4] =	wrdreg $0xC0  }
0xbb: {  	_ =	task [dreg:s22], $0x5FFFF  }
0xbc: {  	[dreg:$0x1] =	wrdreg $0xFFFFFFFF  }
0xbd: {  	[dreg:$0x0] =	wrdreg $0x60  }
0xbe: {  	[dreg:$0x2] =	wrdreg s4  }
0xbf: {  	[dreg:$0x3] =	wrdreg s18  }
0xc0: {  	[dreg:$0x4] =	wrdreg s24  }
0xc1: {  	[dreg:$0x5] =	wrdreg $0xA  }
0xc2: {  	_ =	task.clear_ibuf [dreg:s22], $0x6FFFF;
	_ =	strace $0x90000049  }
0xc3: {  	s29 =	simm.s32 $0xA;
	_ =	strace $0x8000004B  }
0xc4: {  	_ =	swait.ge [sflag:s29], $0x1  }
0xc5: {  	[sflag:s29] =	ssyncadd.s32 $0xFFFFFFFF  }
0xc6: {  	_ =	strace $0x9000004B  }
0xc7: {  	_ =	sfence  }
0xc8: {  	s30 =	sld [smem:$0x0];
	_ =	sdelay $0x2  }
0xc9: {  	s31 =	sshll.u32 s1, $0xD;
	s1 =	sshrl.u32 s1, $0x2  }
0xca: {  	s4 =	sand.u32 $0x4000, s31;
	s1 =	sadd.s32 s1, s30  }
0xcb: {  	s0 =	sor.u32 s4, s0;
	s1 =	sshll.u32 s1, $0x11  }
0xcc: {  	s0 =	sor.u32 s1, s0  }
0xcd: {  	s0 =	sadd.s32 $0x8F2B, s0  }
0xce: {  	[sflag:s0] =	ssyncadd.remote.s32 $0x1  }
0xcf: {  	_ =	sfence.sel $0xFFFF  }
0xd0: {  	[dreg:$0x0] =	wrdreg $0xFFFFFFFF;
	(pc) =	sbr.abs _section_cstart, $3  }
0xd1: {  	[dreg:$0x1] =	wrdreg $0xFFFFFFFF  }
0xd2: {  	_ =	task.clear_ibuf [dreg:s22], $0x2FFFF;
	_ =	strace $0x9FFFFFFF  }
0xd3: {  	(tm) =	ssettm $0x7FFFFFFF  }
tec
execute0_lowered:
.L_overlay_start_1:
0x0: {  	(tag) =	ssettag $0x1  }
0x1: {  	s0 =	srdreg.scid  }
0x2: {  	s5 =	stileid.u32;
	s1 =	rddreg [dreg:$0x0]  }
0x3: {  	s4 =	rddreg [dreg:$0x1];
	s0 =	sand.u32 $0x1, s0;
	s2 =	sshll.u32 s5, $0x1  }
0x4: {  	s6 =	rddreg [dreg:$0x2];
	s2 =	sor.u32 s0, s2  }
0x5: {  	s5 =	sshll.u32 s5, $0x2;
	s3 =	sshll.u32 s2, $0x6;
	s2 =	sshll.u32 s2, $0xE  }
0x6: {  	s5 =	sor.u32 s3, s5;
	s3 =	simm.s32 $0x0;
	s2 =	sadd.s32 s2, s6  }
0x7: {  	[smem:$0x7FF] =	sst s3;
	s15 =	sadd.s32 $0x2000, s2  }
0x8: {  	s16 =	sadd.s32 $0x3000, s2;
	_ =	strace $0x8000004A;
	[dreg:$0x5] =	wrdreg s15  }
0x9: {  	s17 =	sadd.s32 $0x4000, s2;
	[dreg:$0x6] =	wrdreg s16  }
0xa: {  	s2 =	sadd.s32 $0x5000, s2;
	[dreg:$0x7] =	wrdreg s17  }
0xb: {  	s18 =	simm.s32 $0x8880;
	[dreg:$0x8] =	wrdreg s2  }
0xc: {  	s19 =	simm.s32 $0x9080;
	[dreg:$0x9] =	wrdreg s18  }
0xd: {  	s20 =	simm.s32 $0x9880;
	[dreg:$0xa] =	wrdreg s19  }
0xe: {  	s21 =	simm.s32 $0xA080;
	[dreg:$0xb] =	wrdreg s20  }
0xf: {  	s22 =	simm.s32 $0xA880;
	[dreg:$0xc] =	wrdreg s21  }
0x10: {  	s23 =	simm.s32 $0xB080;
	[dreg:$0xd] =	wrdreg s22  }
0x11: {  	s24 =	simm.s32 $0xB880;
	[dreg:$0xe] =	wrdreg s23  }
0x12: {  	s26 =	simm.s32 $0xC080;
	[dreg:$0xf] =	wrdreg s24  }
0x13: {  	s6 =	simm.s32 $0xD080;
	[dreg:$0x10] =	wrdreg s26  }
0x14: {  	s7 =	simm.s32 $0xD880;
	[dreg:$0x12] =	wrdreg s6  }
0x15: {  	s8 =	simm.s32 $0xE080;
	[dreg:$0x13] =	wrdreg s7  }
0x16: {  	s9 =	simm.s32 $0xE880;
	s10 =	simm.s32 $0xF080;
	[dreg:$0x14] =	wrdreg s8  }
0x17: {  	s11 =	simm.s32 $0xF880;
	s12 =	simm.s32 $0x10880;
	[dreg:$0x15] =	wrdreg s9  }
0x18: {  	s13 =	simm.s32 $0x11080;
	s14 =	simm.s32 $0x11880;
	[dreg:$0x16] =	wrdreg s10  }
0x19: {  	s30 =	simm.s32 $0x4;
	s0 =	ssub.s32 $0x2, s0;
	[dreg:$0x17] =	wrdreg s11  }
0x1a: {  	s31 =	simm.s32 $0x3;
	s25 =	sshrl.u32 s0, $0x1;
	[dreg:$0x18] =	wrdreg s12  }
0x1b: {  	s28 =	simm.s32 $0x7880;
	s0 =	ssub.s32 s0, s25;
	[dreg:$0x19] =	wrdreg s13  }
0x1c: {  	s25 =	simm.s32 $0x17080;
	s5 =	sand.u32 $0x1F0, s5;
	[dreg:$0x1a] =	wrdreg s14  }
0x1d: {  	s4 =	sadd.s32 s5, s4;
	s5 =	simm.s32 $0xC880;
	[smem:$0x7FC] =	sst s25  }
0x1e: {  	s29 =	simm.s32 $0x10080;
	s15 =	simm.s32 $0x12080;
	[dreg:$0x11] =	wrdreg s5  }
0x1f: {  	s6 =	sadd.s32 $0x300, s1;
	s16 =	simm.s32 $0x12880;
	[dreg:$0x1b] =	wrdreg s15  }
0x20: {  	s7 =	smax.u32 s0, $0x1;
	s17 =	simm.s32 $0x13080;
	[dreg:$0x1c] =	wrdreg s16  }
0x21: {  	s9 =	simm.s32 $0x80;
	s18 =	simm.s32 $0x13880;
	[dreg:$0x1d] =	wrdreg s17  }
0x22: {  	s19 =	simm.s32 $0x14080;
	s20 =	simm.s32 $0x14880;
	[dreg:$0x1e] =	wrdreg s18  }
0x23: {  	s21 =	simm.s32 $0x15080;
	s22 =	simm.s32 $0x15880;
	[dreg:$0x1f] =	wrdreg s19  }
0x24: {  	s23 =	simm.s32 $0x16080;
	s24 =	simm.s32 $0x16880;
	[smem:$0x7F7] =	sst s20  }
0x25: {  	s26 =	simm.s32 $0x17880;
	s2 =	simm.s32 $0x5;
	[smem:$0x7F8] =	sst s21  }
0x26: {  	s0 =	simm.s32 $0x6;
	s12 =	simm.s32 $0x880;
	[smem:$0x7F9] =	sst s22  }
0x27: {  	s13 =	simm.s32 $0x1080;
	s14 =	simm.s32 $0x1880;
	[smem:$0x7FA] =	sst s23  }
0x28: {  	s25 =	simm.s32 $0x7080;
	s4 =	sadd.s32 $0x200, s4;
	[smem:$0x7FB] =	sst s24  }
0x29: {  	s5 =	sadd.s32 $0x200, s1;
	[smem:$0x7FD] =	sst s26;
	s26 =	simm.s32 $0x1  }
0x2a: {  	s15 =	simm.s32 $0x2080;
	s16 =	simm.s32 $0x2880;
	s17 =	simm.s32 $0x3080  }
0x2b: {  	v2 =	vlaneseq.u32;
	s18 =	simm.s32 $0x3880;
	s19 =	simm.s32 $0x4080;
	s20 =	simm.s32 $0x4880  }
0x2c: {  	vm0 =	vmmov $0xffff;
	v1 =	vshrl.u32 v2, $0x3;
	s21 =	simm.s32 $0x5080;
	s22 =	simm.s32 $0x5880;
	s23 =	simm.s32 $0x6080  }
0x2d: {  	v0 =	vand.u32 $0x7, v2;
	v2 =	vor.u32 $0x8, v2;
	v1 =	vmul.u32 $0x8, v1;
	s24 =	simm.s32 $0x6880;
	[dreg:$0x4] =	wrdreg s4;
	s4 =	sadd.s32 $0x100, s1  }
.LBB2_1:
0x2e: {  	s10 =	rddreg [dreg:$0x4];
	s8 =	simm.s32 $0x7  }
0x2f: {  	[tilespmem:s3], [sflag:$0x7] =	stream.linear.gather [hbm4b:s10+s3], $0x80, $0x38;
	[tilespmem:$0x18080] =	vst v63  }
0x30: {  	_ =	swait.ge [sflag:s8], $0x80  }
0x31: {  	[sflag:s8] =	ssyncset.done $0x0  }
0x32: {  	[sflag:s8] =	ssyncadd.s32 $0xFFFFFF80  }
0x33: {  	v3 =	vld [tilespmem:$0x0];
	_ =	sdelay $0x4  }
0x34: {  	v4 =	vshll.u32 v3, $0x3  }
0x35: {  	v3 =	vand.u32 $0x7, v3;
	v4 =	vand.u32 $0xFFFFFFC0, v4  }
0x36: {  	v3 =	vor.u32 v3, v4  }
0x37: {  	v4 =	vperm.xlane v3, v0;
	_ =	sdelay $0x1  }
0x38: {  	v4 =	vadd.s32 v1, v4;
	_ =	sdelay $0x4  }
0x39: {  	[tilespmem:s9], [sflag:$0x1] =	stream.indirect_vreg.gather [hbm4b:s1+s3], $0x80, v4, vm0, $0xb8;
	[tilespmem:$0x18080] =	vst v63  }
0x3a: {  	v3 =	vperm.xlane v3, v2  }
0x3b: {  	[tilespmem:s12], [sflag:$0x1] =	stream.indirect_vreg.gather [hbm4b:s4+s3], $0x80, v4, vm0, $0xb8;
	[tilespmem:$0x18080] =	vst v63  }
0x3c: {  	v3 =	vadd.s32 v1, v3  }
0x3d: {  	[tilespmem:s13], [sflag:$0x1] =	stream.indirect_vreg.gather [hbm4b:s5+s3], $0x80, v4, vm0, $0xb8;
	[tilespmem:$0x18080] =	vst v63  }
0x3e: {  	_ = 	snop  }
0x3f: {  	[tilespmem:s14], [sflag:$0x1] =	stream.indirect_vreg.gather [hbm4b:s6+s3], $0x80, v4, vm0, $0xb8;
	[tilespmem:$0x18080] =	vst v63  }
0x40: {  	_ = 	snop  }
0x41: {  	[tilespmem:s15], [sflag:$0x1] =	stream.indirect_vreg.gather [hbm4b:s1+s3], $0x80, v3, vm0, $0xb8;
	[tilespmem:$0x18080] =	vst v63  }
0x42: {  	_ = 	snop  }
0x43: {  	[tilespmem:s16], [sflag:$0x1] =	stream.indirect_vreg.gather [hbm4b:s4+s3], $0x80, v3, vm0, $0xb8;
	[tilespmem:$0x18080] =	vst v63  }
0x44: {  	_ = 	snop  }
0x45: {  	[tilespmem:s17], [sflag:$0x1] =	stream.indirect_vreg.gather [hbm4b:s5+s3], $0x80, v3, vm0, $0xb8;
	[tilespmem:$0x18080] =	vst v63  }
0x46: {  	_ = 	snop  }
0x47: {  	[tilespmem:s18], [sflag:$0x1] =	stream.indirect_vreg.gather [hbm4b:s6+s3], $0x80, v3, vm0, $0xb8;
	[tilespmem:$0x18080] =	vst v63  }
0x48: {  	v3 =	vld [tilespmem:$0x10];
	_ =	sdelay $0x4  }
0x49: {  	v57 =	vshll.u32 v3, $0x3  }
0x4a: {  	v3 =	vand.u32 $0x7, v3;
	v4 =	vand.u32 $0xFFFFFFC0, v57  }
0x4b: {  	v3 =	vor.u32 v3, v4  }
0x4c: {  	v4 =	vperm.xlane v3, v0;
	_ =	sdelay $0x1  }
0x4d: {  	v4 =	vadd.s32 v1, v4;
	_ =	sdelay $0x4  }
0x4e: {  	[tilespmem:s19], [sflag:$0x1] =	stream.indirect_vreg.gather [hbm4b:s1+s3], $0x80, v4, vm0, $0xb8;
	[tilespmem:$0x18080] =	vst v63  }
0x4f: {  	v3 =	vperm.xlane v3, v2  }
0x50: {  	[tilespmem:s20], [sflag:$0x1] =	stream.indirect_vreg.gather [hbm4b:s4+s3], $0x80, v4, vm0, $0xb8;
	[tilespmem:$0x18080] =	vst v63  }
0x51: {  	v3 =	vadd.s32 v1, v3  }
0x52: {  	[tilespmem:s21], [sflag:$0x1] =	stream.indirect_vreg.gather [hbm4b:s5+s3], $0x80, v4, vm0, $0xb8;
	[tilespmem:$0x18080] =	vst v63  }
0x53: {  	_ = 	snop  }
0x54: {  	[tilespmem:s22], [sflag:$0x1] =	stream.indirect_vreg.gather [hbm4b:s6+s3], $0x80, v4, vm0, $0xb8;
	[tilespmem:$0x18080] =	vst v63  }
0x55: {  	_ = 	snop  }
0x56: {  	[tilespmem:s23], [sflag:$0x1] =	stream.indirect_vreg.gather [hbm4b:s1+s3], $0x80, v3, vm0, $0xb8;
	[tilespmem:$0x18080] =	vst v63  }
0x57: {  	_ = 	snop  }
0x58: {  	[tilespmem:s24], [sflag:$0x1] =	stream.indirect_vreg.gather [hbm4b:s4+s3], $0x80, v3, vm0, $0xb8;
	[tilespmem:$0x18080] =	vst v63  }
0x59: {  	_ = 	snop  }
0x5a: {  	[tilespmem:s25], [sflag:$0x1] =	stream.indirect_vreg.gather [hbm4b:s5+s3], $0x80, v3, vm0, $0xb8;
	[tilespmem:$0x18080] =	vst v63  }
0x5b: {  	_ = 	snop  }
0x5c: {  	[tilespmem:s28], [sflag:$0x1] =	stream.indirect_vreg.gather [hbm4b:s6+s3], $0x80, v3, vm0, $0xb8;
	[tilespmem:$0x18080] =	vst v63  }
0x5d: {  	v3 =	vld [tilespmem:$0x20];
	_ =	sdelay $0x4  }
0x5e: {  	v58 =	vshll.u32 v3, $0x3  }
0x5f: {  	v3 =	vand.u32 $0x7, v3;
	v4 =	vand.u32 $0xFFFFFFC0, v58  }
0x60: {  	v3 =	vor.u32 v3, v4  }
0x61: {  	v4 =	vperm.xlane v3, v0;
	_ =	sdelay $0x1  }
0x62: {  	v4 =	vadd.s32 v1, v4;
	_ =	sdelay $0x3  }
0x63: {  	s8 =	simm.s32 $0x8080  }
0x64: {  	[tilespmem:s8], [sflag:$0x2] =	stream.indirect_vreg.gather [hbm4b:s1+s3], $0x80, v4, vm0, $0xb8;
	[tilespmem:$0x18080] =	vst v63  }
0x65: {  	s10 =	rddreg [dreg:$0x9];
	v3 =	vperm.xlane v3, v2  }
0x66: {  	[tilespmem:s10], [sflag:$0x2] =	stream.indirect_vreg.gather [hbm4b:s4+s3], $0x80, v4, vm0, $0xb8;
	[tilespmem:$0x18080] =	vst v63  }
0x67: {  	s11 =	rddreg [dreg:$0xa];
	v3 =	vadd.s32 v1, v3  }
0x68: {  	[tilespmem:s11], [sflag:$0x2] =	stream.indirect_vreg.gather [hbm4b:s5+s3], $0x80, v4, vm0, $0xb8;
	[tilespmem:$0x18080] =	vst v63  }
0x69: {  	s10 =	rddreg [dreg:$0xb]  }
0x6a: {  	[tilespmem:s10], [sflag:$0x2] =	stream.indirect_vreg.gather [hbm4b:s6+s3], $0x80, v4, vm0, $0xb8;
	[tilespmem:$0x18080] =	vst v63  }
0x6b: {  	s11 =	rddreg [dreg:$0xc]  }
0x6c: {  	[tilespmem:s11], [sflag:$0x2] =	stream.indirect_vreg.gather [hbm4b:s1+s3], $0x80, v3, vm0, $0xb8;
	[tilespmem:$0x18080] =	vst v63  }
0x6d: {  	s10 =	rddreg [dreg:$0xd]  }
0x6e: {  	[tilespmem:s10], [sflag:$0x2] =	stream.indirect_vreg.gather [hbm4b:s4+s3], $0x80, v3, vm0, $0xb8;
	[tilespmem:$0x18080] =	vst v63  }
0x6f: {  	s11 =	rddreg [dreg:$0xe]  }
0x70: {  	[tilespmem:s11], [sflag:$0x2] =	stream.indirect_vreg.gather [hbm4b:s5+s3], $0x80, v3, vm0, $0xb8;
	[tilespmem:$0x18080] =	vst v63  }
0x71: {  	s10 =	rddreg [dreg:$0xf]  }
0x72: {  	[tilespmem:s10], [sflag:$0x2] =	stream.indirect_vreg.gather [hbm4b:s6+s3], $0x80, v3, vm0, $0xb8;
	[tilespmem:$0x18080] =	vst v63  }
0x73: {  	v3 =	vld [tilespmem:$0x30];
	_ =	sdelay $0x4  }
0x74: {  	v59 =	vshll.u32 v3, $0x3  }
0x75: {  	v3 =	vand.u32 $0x7, v3;
	v4 =	vand.u32 $0xFFFFFFC0, v59  }
0x76: {  	v3 =	vor.u32 v3, v4  }
0x77: {  	v4 =	vperm.xlane v3, v0;
	_ =	sdelay $0x1  }
0x78: {  	v4 =	vadd.s32 v1, v4;
	_ =	sdelay $0x3  }
0x79: {  	s10 =	rddreg [dreg:$0x10]  }
0x7a: {  	[tilespmem:s10], [sflag:$0x2] =	stream.indirect_vreg.gather [hbm4b:s1+s3], $0x80, v4, vm0, $0xb8;
	[tilespmem:$0x18080] =	vst v63  }
0x7b: {  	s11 =	rddreg [dreg:$0x11];
	v3 =	vperm.xlane v3, v2  }
0x7c: {  	[tilespmem:s11], [sflag:$0x2] =	stream.indirect_vreg.gather [hbm4b:s4+s3], $0x80, v4, vm0, $0xb8;
	[tilespmem:$0x18080] =	vst v63  }
0x7d: {  	v3 =	vadd.s32 v1, v3;
	s10 =	rddreg [dreg:$0x12]  }
0x7e: {  	[tilespmem:s10], [sflag:$0x2] =	stream.indirect_vreg.gather [hbm4b:s5+s3], $0x80, v4, vm0, $0xb8;
	[tilespmem:$0x18080] =	vst v63  }
0x7f: {  	s11 =	rddreg [dreg:$0x13]  }
0x80: {  	[tilespmem:s11], [sflag:$0x2] =	stream.indirect_vreg.gather [hbm4b:s6+s3], $0x80, v4, vm0, $0xb8;
	[tilespmem:$0x18080] =	vst v63  }
0x81: {  	s10 =	rddreg [dreg:$0x14]  }
0x82: {  	[tilespmem:s10], [sflag:$0x2] =	stream.indirect_vreg.gather [hbm4b:s1+s3], $0x80, v3, vm0, $0xb8;
	[tilespmem:$0x18080] =	vst v63  }
0x83: {  	s11 =	rddreg [dreg:$0x15]  }
0x84: {  	[tilespmem:s11], [sflag:$0x2] =	stream.indirect_vreg.gather [hbm4b:s4+s3], $0x80, v3, vm0, $0xb8;
	[tilespmem:$0x18080] =	vst v63  }
0x85: {  	s10 =	rddreg [dreg:$0x16]  }
0x86: {  	[tilespmem:s10], [sflag:$0x2] =	stream.indirect_vreg.gather [hbm4b:s5+s3], $0x80, v3, vm0, $0xb8;
	[tilespmem:$0x18080] =	vst v63  }
0x87: {  	s11 =	rddreg [dreg:$0x17]  }
0x88: {  	[tilespmem:s11], [sflag:$0x2] =	stream.indirect_vreg.gather [hbm4b:s6+s3], $0x80, v3, vm0, $0xb8;
	[tilespmem:$0x18080] =	vst v63  }
0x89: {  	_ =	swait.ge [sflag:s26], $0x8000  }
0x8a: {  	[sflag:s26] =	ssyncset.done $0x0  }
0x8b: {  	[sflag:s26] =	ssyncadd.s32 $0xFFFF8000  }
0x8c: {  	v3 =	vld [tilespmem:$0x40];
	_ =	sdelay $0x4  }
0x8d: {  	v60 =	vshll.u32 v3, $0x3  }
0x8e: {  	v3 =	vand.u32 $0x7, v3;
	v4 =	vand.u32 $0xFFFFFFC0, v60  }
0x8f: {  	v3 =	vor.u32 v3, v4  }
0x90: {  	v4 =	vperm.xlane v3, v0;
	_ =	sdelay $0x1  }
0x91: {  	v4 =	vadd.s32 v1, v4;
	_ =	sdelay $0x4  }
0x92: {  	[tilespmem:s29], [sflag:$0x3] =	stream.indirect_vreg.gather [hbm4b:s1+s3], $0x80, v4, vm0, $0xb8;
	[tilespmem:$0x18080] =	vst v63  }
0x93: {  	s10 =	rddreg [dreg:$0x18];
	v3 =	vperm.xlane v3, v2  }
0x94: {  	[tilespmem:s10], [sflag:$0x3] =	stream.indirect_vreg.gather [hbm4b:s4+s3], $0x80, v4, vm0, $0xb8;
	[tilespmem:$0x18080] =	vst v63  }
0x95: {  	s11 =	rddreg [dreg:$0x19];
	v3 =	vadd.s32 v1, v3  }
0x96: {  	[tilespmem:s11], [sflag:$0x3] =	stream.indirect_vreg.gather [hbm4b:s5+s3], $0x80, v4, vm0, $0xb8;
	[tilespmem:$0x18080] =	vst v63  }
0x97: {  	s10 =	rddreg [dreg:$0x1a]  }
0x98: {  	[tilespmem:s10], [sflag:$0x3] =	stream.indirect_vreg.gather [hbm4b:s6+s3], $0x80, v4, vm0, $0xb8;
	[tilespmem:$0x18080] =	vst v63  }
0x99: {  	s11 =	rddreg [dreg:$0x1b]  }
0x9a: {  	[tilespmem:s11], [sflag:$0x3] =	stream.indirect_vreg.gather [hbm4b:s1+s3], $0x80, v3, vm0, $0xb8;
	[tilespmem:$0x18080] =	vst v63  }
0x9b: {  	s10 =	rddreg [dreg:$0x1c]  }
0x9c: {  	[tilespmem:s10], [sflag:$0x3] =	stream.indirect_vreg.gather [hbm4b:s4+s3], $0x80, v3, vm0, $0xb8;
	[tilespmem:$0x18080] =	vst v63  }
0x9d: {  	s11 =	rddreg [dreg:$0x1d]  }
0x9e: {  	[tilespmem:s11], [sflag:$0x3] =	stream.indirect_vreg.gather [hbm4b:s5+s3], $0x80, v3, vm0, $0xb8;
	[tilespmem:$0x18080] =	vst v63  }
0x9f: {  	s10 =	rddreg [dreg:$0x1e]  }
0xa0: {  	[tilespmem:s10], [sflag:$0x3] =	stream.indirect_vreg.gather [hbm4b:s6+s3], $0x80, v3, vm0, $0xb8;
	[tilespmem:$0x18080] =	vst v63  }
0xa1: {  	v3 =	vld [tilespmem:$0x50];
	_ =	sdelay $0x4  }
0xa2: {  	v61 =	vshll.u32 v3, $0x3  }
0xa3: {  	v3 =	vand.u32 $0x7, v3;
	v4 =	vand.u32 $0xFFFFFFC0, v61  }
0xa4: {  	v3 =	vor.u32 v3, v4  }
0xa5: {  	v4 =	vperm.xlane v3, v0;
	_ =	sdelay $0x1  }
0xa6: {  	v4 =	vadd.s32 v1, v4;
	_ =	sdelay $0x2  }
0xa7: {  	s11 =	sld [smem:$0x7F7]  }
0xa8: {  	s10 =	rddreg [dreg:$0x1f]  }
0xa9: {  	[tilespmem:s10], [sflag:$0x3] =	stream.indirect_vreg.gather [hbm4b:s1+s3], $0x80, v4, vm0, $0xb8;
	[tilespmem:$0x18080] =	vst v63  }
0xaa: {  	v3 =	vperm.xlane v3, v2;
	s10 =	sld [smem:$0x7F8]  }
0xab: {  	[tilespmem:s11], [sflag:$0x3] =	stream.indirect_vreg.gather [hbm4b:s4+s3], $0x80, v4, vm0, $0xb8;
	[tilespmem:$0x18080] =	vst v63  }
0xac: {  	v3 =	vadd.s32 v1, v3;
	s11 =	sld [smem:$0x7F9]  }
0xad: {  	[tilespmem:s10], [sflag:$0x3] =	stream.indirect_vreg.gather [hbm4b:s5+s3], $0x80, v4, vm0, $0xb8;
	[tilespmem:$0x18080] =	vst v63  }
0xae: {  	s10 =	sld [smem:$0x7FA]  }
0xaf: {  	[tilespmem:s11], [sflag:$0x3] =	stream.indirect_vreg.gather [hbm4b:s6+s3], $0x80, v4, vm0, $0xb8;
	[tilespmem:$0x18080] =	vst v63  }
0xb0: {  	s11 =	sld [smem:$0x7FB]  }
0xb1: {  	[tilespmem:s10], [sflag:$0x3] =	stream.indirect_vreg.gather [hbm4b:s1+s3], $0x80, v3, vm0, $0xb8;
	[tilespmem:$0x18080] =	vst v63  }
0xb2: {  	s10 =	sld [smem:$0x7FC]  }
0xb3: {  	[tilespmem:s11], [sflag:$0x3] =	stream.indirect_vreg.gather [hbm4b:s4+s3], $0x80, v3, vm0, $0xb8;
	[tilespmem:$0x18080] =	vst v63  }
0xb4: {  	s11 =	sld [smem:$0x7FD]  }
0xb5: {  	[tilespmem:s10], [sflag:$0x3] =	stream.indirect_vreg.gather [hbm4b:s5+s3], $0x80, v3, vm0, $0xb8;
	[tilespmem:$0x18080] =	vst v63  }
0xb6: {  	_ = 	snop  }
0xb7: {  	[tilespmem:s11], [sflag:$0x3] =	stream.indirect_vreg.gather [hbm4b:s6+s3], $0x80, v3, vm0, $0xb8;
	[tilespmem:$0x18080] =	vst v63  }
0xb8: {  	s10 =	rddreg [dreg:$0x5];
	s11 =	simm.s32 $0x2  }
0xb9: {  	[hbm4b:s10+s3] =	stream.linear.scatter [tilespmem:s9], [sflag:$0x4], $0x8000, $0x38;
	[tilespmem:$0x18080] =	vst v63  }
0xba: {  	_ =	swait.ge [sflag:s11], $0x8000  }
0xbb: {  	[sflag:s11] =	ssyncset.done $0x0  }
0xbc: {  	[sflag:s11] =	ssyncadd.s32 $0xFFFF8000  }
0xbd: {  	_ =	swait.ge [sflag:s30], $0x8000  }
0xbe: {  	[sflag:s30] =	ssyncset.done $0x0  }
0xbf: {  	[sflag:s30] =	ssyncadd.s32 $0xFFFF8000  }
0xc0: {  	v3 =	vld [tilespmem:$0x60];
	_ =	sdelay $0x4  }
0xc1: {  	v62 =	vshll.u32 v3, $0x3  }
0xc2: {  	v3 =	vand.u32 $0x7, v3;
	v4 =	vand.u32 $0xFFFFFFC0, v62  }
0xc3: {  	v3 =	vor.u32 v3, v4  }
0xc4: {  	v4 =	vperm.xlane v3, v0;
	_ =	sdelay $0x1  }
0xc5: {  	v4 =	vadd.s32 v1, v4;
	_ =	sdelay $0x4  }
0xc6: {  	[tilespmem:s9], [sflag:$0x1] =	stream.indirect_vreg.gather [hbm4b:s1+s3], $0x80, v4, vm0, $0xb8;
	[tilespmem:$0x18080] =	vst v63  }
0xc7: {  	v3 =	vperm.xlane v3, v2  }
0xc8: {  	[tilespmem:s12], [sflag:$0x1] =	stream.indirect_vreg.gather [hbm4b:s4+s3], $0x80, v4, vm0, $0xb8;
	[tilespmem:$0x18080] =	vst v63  }
0xc9: {  	v3 =	vadd.s32 v1, v3  }
0xca: {  	[tilespmem:s13], [sflag:$0x1] =	stream.indirect_vreg.gather [hbm4b:s5+s3], $0x80, v4, vm0, $0xb8;
	[tilespmem:$0x18080] =	vst v63  }
0xcb: {  	_ = 	snop  }
0xcc: {  	[tilespmem:s14], [sflag:$0x1] =	stream.indirect_vreg.gather [hbm4b:s6+s3], $0x80, v4, vm0, $0xb8;
	[tilespmem:$0x18080] =	vst v63  }
0xcd: {  	_ = 	snop  }
0xce: {  	[tilespmem:s15], [sflag:$0x1] =	stream.indirect_vreg.gather [hbm4b:s1+s3], $0x80, v3, vm0, $0xb8;
	[tilespmem:$0x18080] =	vst v63  }
0xcf: {  	_ = 	snop  }
0xd0: {  	[tilespmem:s16], [sflag:$0x1] =	stream.indirect_vreg.gather [hbm4b:s4+s3], $0x80, v3, vm0, $0xb8;
	[tilespmem:$0x18080] =	vst v63  }
0xd1: {  	_ = 	snop  }
0xd2: {  	[tilespmem:s17], [sflag:$0x1] =	stream.indirect_vreg.gather [hbm4b:s5+s3], $0x80, v3, vm0, $0xb8;
	[tilespmem:$0x18080] =	vst v63  }
0xd3: {  	_ = 	snop  }
0xd4: {  	[tilespmem:s18], [sflag:$0x1] =	stream.indirect_vreg.gather [hbm4b:s6+s3], $0x80, v3, vm0, $0xb8;
	[tilespmem:$0x18080] =	vst v63  }
0xd5: {  	v3 =	vld [tilespmem:$0x70];
	_ =	sdelay $0x4  }
0xd6: {  	v63 =	vshll.u32 v3, $0x3  }
0xd7: {  	v3 =	vand.u32 $0x7, v3;
	v4 =	vand.u32 $0xFFFFFFC0, v63  }
0xd8: {  	v3 =	vor.u32 v3, v4  }
0xd9: {  	v4 =	vperm.xlane v3, v0;
	_ =	sdelay $0x1  }
0xda: {  	v4 =	vadd.s32 v1, v4;
	_ =	sdelay $0x4  }
0xdb: {  	[tilespmem:s19], [sflag:$0x1] =	stream.indirect_vreg.gather [hbm4b:s1+s3], $0x80, v4, vm0, $0xb8;
	[tilespmem:$0x18080] =	vst v63  }
0xdc: {  	v3 =	vperm.xlane v3, v2  }
0xdd: {  	[tilespmem:s20], [sflag:$0x1] =	stream.indirect_vreg.gather [hbm4b:s4+s3], $0x80, v4, vm0, $0xb8;
	[tilespmem:$0x18080] =	vst v63  }
0xde: {  	v3 =	vadd.s32 v1, v3  }
0xdf: {  	[tilespmem:s21], [sflag:$0x1] =	stream.indirect_vreg.gather [hbm4b:s5+s3], $0x80, v4, vm0, $0xb8;
	[tilespmem:$0x18080] =	vst v63  }
0xe0: {  	_ = 	snop  }
0xe1: {  	[tilespmem:s22], [sflag:$0x1] =	stream.indirect_vreg.gather [hbm4b:s6+s3], $0x80, v4, vm0, $0xb8;
	[tilespmem:$0x18080] =	vst v63  }
0xe2: {  	_ = 	snop  }
0xe3: {  	[tilespmem:s23], [sflag:$0x1] =	stream.indirect_vreg.gather [hbm4b:s1+s3], $0x80, v3, vm0, $0xb8;
	[tilespmem:$0x18080] =	vst v63  }
0xe4: {  	_ = 	snop  }
0xe5: {  	[tilespmem:s24], [sflag:$0x1] =	stream.indirect_vreg.gather [hbm4b:s4+s3], $0x80, v3, vm0, $0xb8;
	[tilespmem:$0x18080] =	vst v63  }
0xe6: {  	_ = 	snop  }
0xe7: {  	[tilespmem:s25], [sflag:$0x1] =	stream.indirect_vreg.gather [hbm4b:s5+s3], $0x80, v3, vm0, $0xb8;
	[tilespmem:$0x18080] =	vst v63  }
0xe8: {  	_ = 	snop  }
0xe9: {  	[tilespmem:s28], [sflag:$0x1] =	stream.indirect_vreg.gather [hbm4b:s6+s3], $0x80, v3, vm0, $0xb8;
	[tilespmem:$0x18080] =	vst v63  }
0xea: {  	s11 =	rddreg [dreg:$0x6]  }
0xeb: {  	[hbm4b:s11+s3] =	stream.linear.scatter [tilespmem:s8], [sflag:$0x5], $0x8000, $0x38;
	[tilespmem:$0x18080] =	vst v63  }
0xec: {  	_ =	swait.ge [sflag:s31], $0x8000  }
0xed: {  	[sflag:s31] =	ssyncset.done $0x0  }
0xee: {  	s8 =	rddreg [dreg:$0x7];
	[sflag:s31] =	ssyncadd.s32 $0xFFFF8000  }
0xef: {  	[hbm4b:s8+s3] =	stream.linear.scatter [tilespmem:s29], [sflag:$0x6], $0x8000, $0x38;
	[tilespmem:$0x18080] =	vst v63  }
0xf0: {  	_ =	swait.ge [sflag:s26], $0x8000  }
0xf1: {  	[sflag:s26] =	ssyncset.done $0x0  }
0xf2: {  	s11 =	rddreg [dreg:$0x8];
	[sflag:s26] =	ssyncadd.s32 $0xFFFF8000  }
0xf3: {  	[hbm4b:s11+s3] =	stream.linear.scatter [tilespmem:s9], [sflag:$0x4], $0x8000, $0x38;
	[tilespmem:$0x18080] =	vst v63  }
0xf4: {  	_ =	swait.ge [sflag:s2], $0x8000  }
0xf5: {  	[sflag:s2] =	ssyncset.done $0x0  }
0xf6: {  	[sflag:s2] =	ssyncadd.s32 $0xFFFF8000  }
0xf7: {  	p0 =	sne.s32 s7, $0x1;
	_ =	swait.ge [sflag:s0], $0x8000  }
.Ltmp0:
0xf8: {  	[sflag:s0] =	ssyncset.done $0x0;
	(pc) =	sbr.rel @p0 .LBB2_1-.Ltmp0, $4  }
0xf9: {  	[sflag:s0] =	ssyncadd.s32 $0xFFFF8000  }
0xfa: {  	_ =	swait.ge [sflag:s30], $0x8000  }
0xfb: {  	[sflag:s30] =	ssyncset.done $0x0  }
0xfc: {  	s7 =	sadd.s32 $0xFFFFFFFF, s7;
	[sflag:s30] =	ssyncadd.s32 $0xFFFF8000  }
0xfd: {  	_ =	sfence.sel $0x180000  }
0xfe: {  	[bflag:$0x0] =	sbarrier.arrive $0xFFFF  }
0xff: {  	_ =	strace $0x9000004A  }
0x100: {  	s0 =	stileid.u32;
	[bflag:$0x2] =	sbarrier.arrive $0xFFFF  }
0x101: {  	p0 =	sne.s32 s0, $0x0;
	s0 =	rddreg [dreg:$0x3]  }
0x102: {  	s0 =	sadd.s32 @!p0 $0x100000, s0  }
0x103: {  	[sflag:s0] =	ssyncadd.tile.s32 @!p0 $0x1;
	_ =	shalt  }
.Lfunc_end2:
_tile_overlayer_lowered:
.L_overlay_start_2:
0x104: {  	(tag) =	ssettag $0x2  }
0x105: {  	s0 =	rddreg [dreg:$0x0];
	s2 =	stileid.u32  }
0x106: {  	s1 =	rddreg [dreg:$0x1];
	p0 =	sne.s32 s2, $0x0  }
0x107: {  	s3 =	rddreg [dreg:$0x2];
	[bflag:$0x3] =	sbarrier.arrive $0xFFFF;
	s2 =	simm.s32 @!p0 $0x1C07  }
0x108: {  	[timem:s3], [sflag:s2] =	dma.local @!p0 [hbm:s0], s1  }
0x109: {  	s0 =	simm.s32 @!p0 $0x7  }
0x10a: {  	_ =	swait.ge @!p0 [sflag:s0], s1  }
0x10b: {  	s1 =	ssub.s32 @!p0 $0x0, s1;
	[sflag:s0] =	ssyncset.done @!p0 $0x0  }
0x10c: {  	[sflag:s0] =	ssyncadd.s32 @!p0 s1  }
0x10d: {  	[bflag:$0x3] =	sbarrier.arrive $0xFFFF  }
0x10e: {  	_ =	shalt  }

// kernel: kernel.16.cloned.1.call-start
scs
__scs_entry_jumppad:
0x0: {  	(pc) =	sbr.rel $0x88, $3  }
0x1: {  	(tag) =	ssettag $0x0;
	lr =	simm.s32 $0x1  }
0x2: {  	[smem:$0x3F9B] =	sst lr;
	_ =	strace $0xD0000000  }
0x3: {  	_ = 	snop  }
0x4: {  	_ = 	snop  }
0x5: {  	_ = 	snop  }
0x6: {  	_ = 	snop  }
0x7: {  	_ = 	snop  }
__scs_overlays_trampoline_lowered:
0x8: {  	[smem:$0x3FAA] =	sst s0  }
0x9: {  	[smem:$0x3FAB] =	sst s1  }
0xa: {  	[smem:$0x3FAC] =	sst s2  }
0xb: {  	[smem:$0x3FAD] =	sst s3  }
0xc: {  	[smem:$0x3FAE] =	sst s4  }
0xd: {  	[smem:$0x3FAF] =	sst s5  }
0xe: {  	[smem:$0x3FB0] =	sst s6  }
0xf: {  	[smem:$0x3FB1] =	sst s7  }
0x10: {  	[smem:$0x3FB2] =	sst s8  }
0x11: {  	[smem:$0x3FB3] =	sst s9;
	s0 =	simm.s32 @!p0 $0x0  }
0x12: {  	s1 =	sld [smem:$0x3F99];
	s0 =	simm.s32 @p0 $0x1  }
0x13: {  	[smem:$0x3FB4] =	sst s0;
	s0 =	simm.s32 @!p1 $0x0  }
0x14: {  	s2 =	sld [smem:$0x3F98];
	s0 =	simm.s32 @p1 $0x1  }
0x15: {  	[smem:$0x3FB5] =	sst s0;
	s0 =	simm.s32 @!p2 $0x0  }
0x16: {  	s3 =	sld [smem:$0x3FDB];
	s0 =	simm.s32 @p2 $0x1  }
0x17: {  	s4 =	simm.s32 $0x1BF5;
	[smem:$0x3FB7] =	sst s0  }
0x18: {  	s0 =	sld [smem:$0x3F9A];
	_ =	swait.ge [sflag:s4], $0x0  }
0x19: {  	s7 =	sld [smem:$0x3F9B]  }
0x1a: {  	s8 =	sadd.s32 $0xFFFFE003, lr  }
0x1b: {  	s9 =	sadd.s32 $0xFFFFFEF7, lr;
	s5 =	simm.s32 $0xFFFFFFFF;
	p2 =	slt.u32 s8, $0xFFFFF086  }
0x1c: {  	p1 =	slt.u32 s9, $0xF7A;
	s5 =	simm.s32 @!p2 $0x0  }
0x1d: {  	s5 =	simm.s32 @p1 $0x1;
	p0 =	seq.s32 s7, s2  }
0x1e: {  	s7 =	smul.u32 @!p0 $0xF7A, s2;
	p2 =	seq.s32 @!p0 s5, $0x0  }
0x1f: {  	s9 =	smul.u32 $0xF7A, s1;
	s8 =	simm.s32 @!p0 $0x1BF5;
	p2 =	por !p2, p0  }
0x20: {  	[sflag:s8] =	ssyncset.s32 @!p0 $0xFFFFF086;
	s6 =	sadd.s32 @!p0 s3, s7;
	s7 =	simm.s32 @!p0 $0x108  }
0x21: {  	s3 =	sadd.s32 s3, s9;
	s6 =	sadd.s32 @!p0 $0x88, s6;
	s7 =	simm.s32 @p2 $0x1082  }
0x22: {  	[simem:s7], [sflag:s8] =	dma.local @!p0 [hbm:s6], $0xF7A  }
0x23: {  	s9 =	sor.u32 $0xD0000000, s2;
	s6 =	simm.s32 $0x108;
	_ =	swait.ge @!p0 [sflag:s8], $0x0  }
0x24: {  	s3 =	sadd.s32 $0x88, s3;
	s6 =	simm.s32 @!p1 $0x1082;
	[sflag:s4] =	ssyncset.s32 $0xFFFFF086  }
0x25: {  	[simem:s6], [sflag:s4] =	dma.local [hbm:s3], $0xF7A  }
0x26: {  	[smem:$0x3F9B] =	sst s1;
	(tag) =	ssettag s2;
	_ =	strace s9  }
0x27: {  	s1 =	sld [smem:$0x3FAB]  }
0x28: {  	s2 =	sld [smem:$0x3FAC]  }
0x29: {  	s4 =	sld [smem:$0x3FAE]  }
0x2a: {  	p0 =	seq.s32 s5, $0x0;
	s5 =	sld [smem:$0x3FAF]  }
0x2b: {  	s6 =	sld [smem:$0x3FB0]  }
0x2c: {  	s7 =	sld [smem:$0x3FB1]  }
0x2d: {  	s3 =	simm.s32 $0x108;
	s8 =	sld [smem:$0x3FB2]  }
0x2e: {  	s3 =	simm.s32 @!p0 $0x1082;
	s9 =	sld [smem:$0x3FB3]  }
0x2f: {  	lr =	sadd.s32 s0, s3;
	s0 =	sld [smem:$0x3FAA]  }
0x30: {  	s3 =	sld [smem:$0x3FAD]  }
0x31: {  	[smem:$0x3FB6] =	sst s10  }
0x32: {  	s10 =	sld [smem:$0x3FB4];
	_ =	sdelay $0x3  }
0x33: {  	p0 =	seq.s32 s10, $0x1;
	s10 =	sld [smem:$0x3FB6];
	_ =	sdelay $0x3  }
0x34: {  	[smem:$0x3FB6] =	sst s10  }
0x35: {  	s10 =	sld [smem:$0x3FB5];
	_ =	sdelay $0x3  }
0x36: {  	p1 =	seq.s32 s10, $0x1;
	s10 =	sld [smem:$0x3FB6];
	_ =	sdelay $0x3  }
0x37: {  	[smem:$0x3FB6] =	sst s10  }
0x38: {  	s10 =	sld [smem:$0x3FB7]  }
0x39: {  	_ = 	snop;
	(pc) =	sbr.ind lr, $3  }
0x3a: {  	_ = 	snop  }
0x3b: {  	_ = 	snop  }
0x3c: {  	p2 =	seq.s32 s10, $0x1;
	s10 =	sld [smem:$0x3FB6]  }
0x3d: {  	_ =	shalt  }
0x3e: {  	_ =	shalt  }
0x3f: {  	_ =	shalt  }
0x40: {  	_ =	shalt  }
0x41: {  	_ =	shalt  }
0x42: {  	_ =	shalt  }
0x43: {  	_ =	shalt  }
0x44: {  	_ =	shalt  }
0x45: {  	_ =	shalt  }
0x46: {  	_ =	shalt  }
0x47: {  	_ =	shalt  }
0x48: {  	_ =	shalt  }
0x49: {  	_ =	shalt  }
0x4a: {  	_ =	shalt  }
0x4b: {  	_ =	shalt  }
0x4c: {  	_ =	shalt  }
0x4d: {  	_ =	shalt  }
0x4e: {  	_ =	shalt  }
0x4f: {  	_ =	shalt  }
0x50: {  	_ =	shalt  }
0x51: {  	_ =	shalt  }
0x52: {  	_ =	shalt  }
0x53: {  	_ =	shalt  }
0x54: {  	_ =	shalt  }
0x55: {  	_ =	shalt  }
0x56: {  	_ =	shalt  }
0x57: {  	_ =	shalt  }
0x58: {  	_ =	shalt  }
0x59: {  	_ =	shalt  }
0x5a: {  	_ =	shalt  }
0x5b: {  	_ =	shalt  }
0x5c: {  	_ =	shalt  }
0x5d: {  	_ =	shalt  }
0x5e: {  	_ =	shalt  }
0x5f: {  	_ =	shalt  }
0x60: {  	_ =	shalt  }
0x61: {  	_ =	shalt  }
0x62: {  	_ =	shalt  }
0x63: {  	_ =	shalt  }
0x64: {  	_ =	shalt  }
0x65: {  	_ =	shalt  }
0x66: {  	_ =	shalt  }
0x67: {  	_ =	shalt  }
0x68: {  	_ =	shalt  }
0x69: {  	_ =	shalt  }
0x6a: {  	_ =	shalt  }
0x6b: {  	_ =	shalt  }
0x6c: {  	_ =	shalt  }
0x6d: {  	_ =	shalt  }
0x6e: {  	_ =	shalt  }
0x6f: {  	_ =	shalt  }
0x70: {  	_ =	shalt  }
0x71: {  	_ =	shalt  }
0x72: {  	_ =	shalt  }
0x73: {  	_ =	shalt  }
0x74: {  	_ =	shalt  }
0x75: {  	_ =	shalt  }
0x76: {  	_ =	shalt  }
0x77: {  	_ =	shalt  }
0x78: {  	_ =	shalt  }
0x79: {  	_ =	shalt  }
0x7a: {  	_ =	shalt  }
0x7b: {  	_ =	shalt  }
0x7c: {  	_ =	shalt  }
0x7d: {  	_ =	shalt  }
0x7e: {  	_ =	shalt  }
0x7f: {  	_ =	shalt  }
0x80: {  	_ =	shalt  }
0x81: {  	_ =	shalt  }
0x82: {  	_ =	shalt  }
0x83: {  	_ =	shalt  }
0x84: {  	_ =	shalt  }
0x85: {  	_ =	shalt  }
0x86: {  	_ =	shalt  }
0x87: {  	_ =	shalt  }
.Lfunc_end0:
.L_simem_size_0:
called_computation.2_lowered:
.L_overlay_start_0:
0x88: {  	s2 =	sld [smem:$0x3FD9]  }
0x89: {  	s3 =	sld [smem:$0x3FFE];
	_ =	sdelay $0x1  }
0x8a: {  	s1 =	srdreg.scid  }
0x8b: {  	s0 =	sand.u32 $0x1, s1  }
0x8c: {  	s17 =	sshll.u32 s0, $0xA;
	s2 =	sadd.s32 s3, s2  }
0x8d: {  	s2 =	sadd.s32 s2, s17  }
0x8e: {  	[smem:$0x3FC2] =	sst s2  }
0x8f: {  	_ = 	snop  }
0x90: {  	s18 =	sld [smem:$0x3FC9]  }
0x91: {  	s4 =	sld [smem:$0x3FC8];
	(tm) =	ssettm $0x1  }
0x92: {  	s19 =	sld [smem:$0x3FFB];
	_ =	sdelay $0x3  }
0x93: {  	_ =	strace s19  }
0x94: {  	s2 =	sld [smem:$0x3FFC];
	_ =	sdelay $0x3  }
0x95: {  	_ =	strace s2  }
0x96: {  	s2 =	sld [smem:$0x3FFD];
	_ =	sdelay $0x3  }
0x97: {  	_ =	strace s2  }
0x98: {  	_ =	strace $0x8FFFFFFF  }
0x99: {  	s20 =	sld [smem:$0x3FDB];
	_ =	sdelay $0x1  }
0x9a: {  	s5 =	simm.s32 $_scs_section_size  }
0x9b: {  	s6 =	simm.s32 $_size__tile_overlayer_lowered;
	s7 =	simm.s32 $_tile_overlayer_lowered  }
0x9c: {  	s8 =	simm.s32 $0x1BFF;
	s21 =	sshll.u32 s7, $0x1;
	s5 =	sadd.s32 s5, s20  }
0x9d: {  	s22 =	simm.s32 $0x0;
	s6 =	sshll.u32 s6, $0x1;
	s7 =	sadd.s32 s21, s5  }
0x9e: {  	[timem:s22], [sflag:s8] =	dma.local [hbm:s7], s6  }
0x9f: {  	_ =	swait.ge [sflag:s8], s6  }
0xa0: {  	s6 =	ssub.s32 $0x0, s6;
	[sflag:s8] =	ssyncset.done $0x0  }
0xa1: {  	[sflag:s8] =	ssyncadd.s32 s6;
	_ =	sdelay $0x1  }
0xa2: {  	s23 =	simm.s32 $0x1B8B  }
0xa3: {  	_ =	swait.ge [sflag:s23], $0x1  }
0xa4: {  	[sflag:s23] =	ssyncset.done $0x0  }
0xa5: {  	[sflag:s23] =	ssyncadd.s32 $0xFFFFFFFF  }
0xa6: {  	s6 =	sld [smem:$0x0]  }
0xa7: {  	s7 =	sand.u32 $0xFFFFFFFE, s1  }
0xa8: {  	p0 =	sne.s32 s1, s7  }
0xa9: {  	s7 =	sshll.u32 @p0 s7, $0xE  }
0xaa: {  	s7 =	sadd.s32 @p0 $0x11B8D, s7;
	s8 =	sshll.u32 @p0 s6, $0x11  }
0xab: {  	s7 =	sor.u32 @p0 s8, s7  }
0xac: {  	[sflag:s7] =	ssyncadd.remote.s32 @p0 $0x1;
	_ =	sdelay $0x1  }
0xad: {  	s7 =	simm.s32 @p0 $0x1B8D  }
0xae: {  	_ =	swait.eq @p0 [sflag:s7], $0x1  }
0xaf: {  	[sflag:s7] =	ssyncadd.s32 @p0 $0xFFFFFFFF  }
0xb0: {  	s8 =	sshll.u32 @!p0 s1, $0xE  }
0xb1: {  	s8 =	sor.u32 @!p0 $0x4000, s8;
	s7 =	simm.s32 @!p0 $0x1B8D  }
0xb2: {  	s6 =	sshll.u32 @!p0 s6, $0x11;
	s8 =	sadd.s32 @!p0 $0x11B8D, s8;
	_ =	swait.eq @!p0 [sflag:s7], $0x1  }
0xb3: {  	s6 =	sor.u32 @!p0 s6, s8;
	[sflag:s7] =	ssyncadd.s32 @!p0 $0xFFFFFFFF  }
0xb4: {  	s25 =	simm.s32 $0x1B8E;
	s24 =	sld [smem:$0x3FFE];
	[sflag:s6] =	ssyncadd.remote.s32 @!p0 $0x1  }
0xb5: {  	s26 =	simm.s32 $execute0_lowered;
	[smem:$0x3FD2] =	sst s25  }
0xb6: {  	s7 =	sshll.u32 s26, $0x1;
	_ =	strace $0x8000004C;
	[dreg:$0x1] =	wrdreg $0xFFFFFFFF  }
0xb7: {  	s28 =	simm.s32 $_size_execute0_lowered;
	s5 =	sadd.s32 s5, s7;
	[dreg:$0x0] =	wrdreg $0x0  }
0xb8: {  	s7 =	sshll.u32 s28, $0x1;
	[dreg:$0x2] =	wrdreg s5  }
0xb9: {  	[dreg:$0x3] =	wrdreg s7  }
0xba: {  	[dreg:$0x4] =	wrdreg $0xC0  }
0xbb: {  	_ =	task [dreg:s22], $0x5FFFF  }
0xbc: {  	[dreg:$0x1] =	wrdreg $0xFFFFFFFF  }
0xbd: {  	[dreg:$0x0] =	wrdreg $0x60  }
0xbe: {  	[dreg:$0x2] =	wrdreg s4  }
0xbf: {  	[dreg:$0x3] =	wrdreg s18  }
0xc0: {  	[dreg:$0x4] =	wrdreg s24  }
0xc1: {  	[dreg:$0x5] =	wrdreg $0xB  }
0xc2: {  	_ =	task.clear_ibuf [dreg:s22], $0x6FFFF;
	_ =	strace $0x9000004C  }
0xc3: {  	s29 =	simm.s32 $0xB;
	_ =	strace $0x8000004E  }
0xc4: {  	_ =	swait.ge [sflag:s29], $0x1  }
0xc5: {  	[sflag:s29] =	ssyncadd.s32 $0xFFFFFFFF  }
0xc6: {  	_ =	strace $0x9000004E  }
0xc7: {  	_ =	sfence  }
0xc8: {  	s30 =	sld [smem:$0x0];
	_ =	sdelay $0x2  }
0xc9: {  	s31 =	sshll.u32 s1, $0xD;
	s1 =	sshrl.u32 s1, $0x2  }
0xca: {  	s4 =	sand.u32 $0x4000, s31;
	s1 =	sadd.s32 s1, s30  }
0xcb: {  	s0 =	sor.u32 s4, s0;
	s1 =	sshll.u32 s1, $0x11  }
0xcc: {  	s0 =	sor.u32 s1, s0  }
0xcd: {  	s0 =	sadd.s32 $0x8F2B, s0  }
0xce: {  	[sflag:s0] =	ssyncadd.remote.s32 $0x1  }
0xcf: {  	_ =	sfence.sel $0xFFFF  }
0xd0: {  	[dreg:$0x0] =	wrdreg $0xFFFFFFFF;
	(pc) =	sbr.abs _section_cstart, $3  }
0xd1: {  	[dreg:$0x1] =	wrdreg $0xFFFFFFFF  }
0xd2: {  	_ =	task.clear_ibuf [dreg:s22], $0x2FFFF;
	_ =	strace $0x9FFFFFFF  }
0xd3: {  	(tm) =	ssettm $0x7FFFFFFF  }
tec
execute0_lowered:
.L_overlay_start_1:
0x0: {  	(tag) =	ssettag $0x1  }
0x1: {  	s0 =	srdreg.scid  }
0x2: {  	s5 =	stileid.u32;
	s1 =	rddreg [dreg:$0x0]  }
0x3: {  	s4 =	rddreg [dreg:$0x1];
	s0 =	sand.u32 $0x1, s0;
	s2 =	sshll.u32 s5, $0x1  }
0x4: {  	s6 =	rddreg [dreg:$0x2];
	s2 =	sor.u32 s0, s2  }
0x5: {  	s5 =	sshll.u32 s5, $0x2;
	s3 =	sshll.u32 s2, $0x6;
	s2 =	sshll.u32 s2, $0xE  }
0x6: {  	s5 =	sor.u32 s3, s5;
	s3 =	simm.s32 $0x0;
	s2 =	sadd.s32 s2, s6  }
0x7: {  	[smem:$0x7FF] =	sst s3;
	s15 =	sadd.s32 $0x82000, s2  }
0x8: {  	s16 =	sadd.s32 $0x83000, s2;
	_ =	strace $0x8000004D;
	[dreg:$0x5] =	wrdreg s15  }
0x9: {  	s17 =	sadd.s32 $0x84000, s2;
	[dreg:$0x6] =	wrdreg s16  }
0xa: {  	s2 =	sadd.s32 $0x85000, s2;
	[dreg:$0x7] =	wrdreg s17  }
0xb: {  	s18 =	simm.s32 $0x8880;
	[dreg:$0x8] =	wrdreg s2  }
0xc: {  	s19 =	simm.s32 $0x9080;
	[dreg:$0x9] =	wrdreg s18  }
0xd: {  	s20 =	simm.s32 $0x9880;
	[dreg:$0xa] =	wrdreg s19  }
0xe: {  	s21 =	simm.s32 $0xA080;
	[dreg:$0xb] =	wrdreg s20  }
0xf: {  	s22 =	simm.s32 $0xA880;
	[dreg:$0xc] =	wrdreg s21  }
0x10: {  	s23 =	simm.s32 $0xB080;
	[dreg:$0xd] =	wrdreg s22  }
0x11: {  	s24 =	simm.s32 $0xB880;
	[dreg:$0xe] =	wrdreg s23  }
0x12: {  	s26 =	simm.s32 $0xC080;
	[dreg:$0xf] =	wrdreg s24  }
0x13: {  	s6 =	simm.s32 $0xD080;
	[dreg:$0x10] =	wrdreg s26  }
0x14: {  	s7 =	simm.s32 $0xD880;
	[dreg:$0x12] =	wrdreg s6  }
0x15: {  	s8 =	simm.s32 $0xE080;
	[dreg:$0x13] =	wrdreg s7  }
0x16: {  	s9 =	simm.s32 $0xE880;
	s10 =	simm.s32 $0xF080;
	[dreg:$0x14] =	wrdreg s8  }
0x17: {  	s11 =	simm.s32 $0xF880;
	s12 =	simm.s32 $0x10880;
	[dreg:$0x15] =	wrdreg s9  }
0x18: {  	s13 =	simm.s32 $0x11080;
	s14 =	simm.s32 $0x11880;
	[dreg:$0x16] =	wrdreg s10  }
0x19: {  	s30 =	simm.s32 $0x4;
	s0 =	ssub.s32 $0x2, s0;
	[dreg:$0x17] =	wrdreg s11  }
0x1a: {  	s31 =	simm.s32 $0x3;
	s25 =	sshrl.u32 s0, $0x1;
	[dreg:$0x18] =	wrdreg s12  }
0x1b: {  	s28 =	simm.s32 $0x7880;
	s0 =	ssub.s32 s0, s25;
	[dreg:$0x19] =	wrdreg s13  }
0x1c: {  	s25 =	simm.s32 $0x17080;
	s5 =	sand.u32 $0x1F0, s5;
	[dreg:$0x1a] =	wrdreg s14  }
0x1d: {  	s4 =	sadd.s32 s5, s4;
	s5 =	simm.s32 $0xC880;
	[smem:$0x7FC] =	sst s25  }
0x1e: {  	s29 =	simm.s32 $0x10080;
	s15 =	simm.s32 $0x12080;
	[dreg:$0x11] =	wrdreg s5  }
0x1f: {  	s6 =	sadd.s32 $0x300, s1;
	s16 =	simm.s32 $0x12880;
	[dreg:$0x1b] =	wrdreg s15  }
0x20: {  	s7 =	smax.u32 s0, $0x1;
	s17 =	simm.s32 $0x13080;
	[dreg:$0x1c] =	wrdreg s16  }
0x21: {  	s9 =	simm.s32 $0x80;
	s18 =	simm.s32 $0x13880;
	[dreg:$0x1d] =	wrdreg s17  }
0x22: {  	s19 =	simm.s32 $0x14080;
	s20 =	simm.s32 $0x14880;
	[dreg:$0x1e] =	wrdreg s18  }
0x23: {  	s21 =	simm.s32 $0x15080;
	s22 =	simm.s32 $0x15880;
	[dreg:$0x1f] =	wrdreg s19  }
0x24: {  	s23 =	simm.s32 $0x16080;
	s24 =	simm.s32 $0x16880;
	[smem:$0x7F7] =	sst s20  }
0x25: {  	s26 =	simm.s32 $0x17880;
	s2 =	simm.s32 $0x5;
	[smem:$0x7F8] =	sst s21  }
0x26: {  	s0 =	simm.s32 $0x6;
	s12 =	simm.s32 $0x880;
	[smem:$0x7F9] =	sst s22  }
0x27: {  	s13 =	simm.s32 $0x1080;
	s14 =	simm.s32 $0x1880;
	[smem:$0x7FA] =	sst s23  }
0x28: {  	s25 =	simm.s32 $0x7080;
	s4 =	sadd.s32 $0x400, s4;
	[smem:$0x7FB] =	sst s24  }
0x29: {  	s5 =	sadd.s32 $0x200, s1;
	[smem:$0x7FD] =	sst s26;
	s26 =	simm.s32 $0x1  }
0x2a: {  	s15 =	simm.s32 $0x2080;
	s16 =	simm.s32 $0x2880;
	s17 =	simm.s32 $0x3080  }
0x2b: {  	v2 =	vlaneseq.u32;
	s18 =	simm.s32 $0x3880;
	s19 =	simm.s32 $0x4080;
	s20 =	simm.s32 $0x4880  }
0x2c: {  	vm0 =	vmmov $0xffff;
	v1 =	vshrl.u32 v2, $0x3;
	s21 =	simm.s32 $0x5080;
	s22 =	simm.s32 $0x5880;
	s23 =	simm.s32 $0x6080  }
0x2d: {  	v0 =	vand.u32 $0x7, v2;
	v2 =	vor.u32 $0x8, v2;
	v1 =	vmul.u32 $0x8, v1;
	s24 =	simm.s32 $0x6880;
	[dreg:$0x4] =	wrdreg s4;
	s4 =	sadd.s32 $0x100, s1  }
.LBB2_1:
0x2e: {  	s10 =	rddreg [dreg:$0x4];
	s8 =	simm.s32 $0x7  }
0x2f: {  	[tilespmem:s3], [sflag:$0x7] =	stream.linear.gather [hbm4b:s10+s3], $0x80, $0x38;
	[tilespmem:$0x18080] =	vst v63  }
0x30: {  	_ =	swait.ge [sflag:s8], $0x80  }
0x31: {  	[sflag:s8] =	ssyncset.done $0x0  }
0x32: {  	[sflag:s8] =	ssyncadd.s32 $0xFFFFFF80  }
0x33: {  	v3 =	vld [tilespmem:$0x0];
	_ =	sdelay $0x4  }
0x34: {  	v4 =	vshll.u32 v3, $0x3  }
0x35: {  	v3 =	vand.u32 $0x7, v3;
	v4 =	vand.u32 $0xFFFFFFC0, v4  }
0x36: {  	v3 =	vor.u32 v3, v4  }
0x37: {  	v4 =	vperm.xlane v3, v0;
	_ =	sdelay $0x1  }
0x38: {  	v4 =	vadd.s32 v1, v4;
	_ =	sdelay $0x4  }
0x39: {  	[tilespmem:s9], [sflag:$0x1] =	stream.indirect_vreg.gather [hbm4b:s1+s3], $0x80, v4, vm0, $0xb8;
	[tilespmem:$0x18080] =	vst v63  }
0x3a: {  	v3 =	vperm.xlane v3, v2  }
0x3b: {  	[tilespmem:s12], [sflag:$0x1] =	stream.indirect_vreg.gather [hbm4b:s4+s3], $0x80, v4, vm0, $0xb8;
	[tilespmem:$0x18080] =	vst v63  }
0x3c: {  	v3 =	vadd.s32 v1, v3  }
0x3d: {  	[tilespmem:s13], [sflag:$0x1] =	stream.indirect_vreg.gather [hbm4b:s5+s3], $0x80, v4, vm0, $0xb8;
	[tilespmem:$0x18080] =	vst v63  }
0x3e: {  	_ = 	snop  }
0x3f: {  	[tilespmem:s14], [sflag:$0x1] =	stream.indirect_vreg.gather [hbm4b:s6+s3], $0x80, v4, vm0, $0xb8;
	[tilespmem:$0x18080] =	vst v63  }
0x40: {  	_ = 	snop  }
0x41: {  	[tilespmem:s15], [sflag:$0x1] =	stream.indirect_vreg.gather [hbm4b:s1+s3], $0x80, v3, vm0, $0xb8;
	[tilespmem:$0x18080] =	vst v63  }
0x42: {  	_ = 	snop  }
0x43: {  	[tilespmem:s16], [sflag:$0x1] =	stream.indirect_vreg.gather [hbm4b:s4+s3], $0x80, v3, vm0, $0xb8;
	[tilespmem:$0x18080] =	vst v63  }
0x44: {  	_ = 	snop  }
0x45: {  	[tilespmem:s17], [sflag:$0x1] =	stream.indirect_vreg.gather [hbm4b:s5+s3], $0x80, v3, vm0, $0xb8;
	[tilespmem:$0x18080] =	vst v63  }
0x46: {  	_ = 	snop  }
0x47: {  	[tilespmem:s18], [sflag:$0x1] =	stream.indirect_vreg.gather [hbm4b:s6+s3], $0x80, v3, vm0, $0xb8;
	[tilespmem:$0x18080] =	vst v63  }
0x48: {  	v3 =	vld [tilespmem:$0x10];
	_ =	sdelay $0x4  }
0x49: {  	v57 =	vshll.u32 v3, $0x3  }
0x4a: {  	v3 =	vand.u32 $0x7, v3;
	v4 =	vand.u32 $0xFFFFFFC0, v57  }
0x4b: {  	v3 =	vor.u32 v3, v4  }
0x4c: {  	v4 =	vperm.xlane v3, v0;
	_ =	sdelay $0x1  }
0x4d: {  	v4 =	vadd.s32 v1, v4;
	_ =	sdelay $0x4  }
0x4e: {  	[tilespmem:s19], [sflag:$0x1] =	stream.indirect_vreg.gather [hbm4b:s1+s3], $0x80, v4, vm0, $0xb8;
	[tilespmem:$0x18080] =	vst v63  }
0x4f: {  	v3 =	vperm.xlane v3, v2  }
0x50: {  	[tilespmem:s20], [sflag:$0x1] =	stream.indirect_vreg.gather [hbm4b:s4+s3], $0x80, v4, vm0, $0xb8;
	[tilespmem:$0x18080] =	vst v63  }
0x51: {  	v3 =	vadd.s32 v1, v3  }
0x52: {  	[tilespmem:s21], [sflag:$0x1] =	stream.indirect_vreg.gather [hbm4b:s5+s3], $0x80, v4, vm0, $0xb8;
	[tilespmem:$0x18080] =	vst v63  }
0x53: {  	_ = 	snop  }
0x54: {  	[tilespmem:s22], [sflag:$0x1] =	stream.indirect_vreg.gather [hbm4b:s6+s3], $0x80, v4, vm0, $0xb8;
	[tilespmem:$0x18080] =	vst v63  }
0x55: {  	_ = 	snop  }
0x56: {  	[tilespmem:s23], [sflag:$0x1] =	stream.indirect_vreg.gather [hbm4b:s1+s3], $0x80, v3, vm0, $0xb8;
	[tilespmem:$0x18080] =	vst v63  }
0x57: {  	_ = 	snop  }
0x58: {  	[tilespmem:s24], [sflag:$0x1] =	stream.indirect_vreg.gather [hbm4b:s4+s3], $0x80, v3, vm0, $0xb8;
	[tilespmem:$0x18080] =	vst v63  }
0x59: {  	_ = 	snop  }
0x5a: {  	[tilespmem:s25], [sflag:$0x1] =	stream.indirect_vreg.gather [hbm4b:s5+s3], $0x80, v3, vm0, $0xb8;
	[tilespmem:$0x18080] =	vst v63  }
0x5b: {  	_ = 	snop  }
0x5c: {  	[tilespmem:s28], [sflag:$0x1] =	stream.indirect_vreg.gather [hbm4b:s6+s3], $0x80, v3, vm0, $0xb8;
	[tilespmem:$0x18080] =	vst v63  }
0x5d: {  	v3 =	vld [tilespmem:$0x20];
	_ =	sdelay $0x4  }
0x5e: {  	v58 =	vshll.u32 v3, $0x3  }
0x5f: {  	v3 =	vand.u32 $0x7, v3;
	v4 =	vand.u32 $0xFFFFFFC0, v58  }
0x60: {  	v3 =	vor.u32 v3, v4  }
0x61: {  	v4 =	vperm.xlane v3, v0;
	_ =	sdelay $0x1  }
0x62: {  	v4 =	vadd.s32 v1, v4;
	_ =	sdelay $0x3  }
0x63: {  	s8 =	simm.s32 $0x8080  }
0x64: {  	[tilespmem:s8], [sflag:$0x2] =	stream.indirect_vreg.gather [hbm4b:s1+s3], $0x80, v4, vm0, $0xb8;
	[tilespmem:$0x18080] =	vst v63  }
0x65: {  	s10 =	rddreg [dreg:$0x9];
	v3 =	vperm.xlane v3, v2  }
0x66: {  	[tilespmem:s10], [sflag:$0x2] =	stream.indirect_vreg.gather [hbm4b:s4+s3], $0x80, v4, vm0, $0xb8;
	[tilespmem:$0x18080] =	vst v63  }
0x67: {  	s11 =	rddreg [dreg:$0xa];
	v3 =	vadd.s32 v1, v3  }
0x68: {  	[tilespmem:s11], [sflag:$0x2] =	stream.indirect_vreg.gather [hbm4b:s5+s3], $0x80, v4, vm0, $0xb8;
	[tilespmem:$0x18080] =	vst v63  }
0x69: {  	s10 =	rddreg [dreg:$0xb]  }
0x6a: {  	[tilespmem:s10], [sflag:$0x2] =	stream.indirect_vreg.gather [hbm4b:s6+s3], $0x80, v4, vm0, $0xb8;
	[tilespmem:$0x18080] =	vst v63  }
0x6b: {  	s11 =	rddreg [dreg:$0xc]  }
0x6c: {  	[tilespmem:s11], [sflag:$0x2] =	stream.indirect_vreg.gather [hbm4b:s1+s3], $0x80, v3, vm0, $0xb8;
	[tilespmem:$0x18080] =	vst v63  }
0x6d: {  	s10 =	rddreg [dreg:$0xd]  }
0x6e: {  	[tilespmem:s10], [sflag:$0x2] =	stream.indirect_vreg.gather [hbm4b:s4+s3], $0x80, v3, vm0, $0xb8;
	[tilespmem:$0x18080] =	vst v63  }
0x6f: {  	s11 =	rddreg [dreg:$0xe]  }
0x70: {  	[tilespmem:s11], [sflag:$0x2] =	stream.indirect_vreg.gather [hbm4b:s5+s3], $0x80, v3, vm0, $0xb8;
	[tilespmem:$0x18080] =	vst v63  }
0x71: {  	s10 =	rddreg [dreg:$0xf]  }
0x72: {  	[tilespmem:s10], [sflag:$0x2] =	stream.indirect_vreg.gather [hbm4b:s6+s3], $0x80, v3, vm0, $0xb8;
	[tilespmem:$0x18080] =	vst v63  }
0x73: {  	v3 =	vld [tilespmem:$0x30];
	_ =	sdelay $0x4  }
0x74: {  	v59 =	vshll.u32 v3, $0x3  }
0x75: {  	v3 =	vand.u32 $0x7, v3;
	v4 =	vand.u32 $0xFFFFFFC0, v59  }
0x76: {  	v3 =	vor.u32 v3, v4  }
0x77: {  	v4 =	vperm.xlane v3, v0;
	_ =	sdelay $0x1  }
0x78: {  	v4 =	vadd.s32 v1, v4;
	_ =	sdelay $0x3  }
0x79: {  	s10 =	rddreg [dreg:$0x10]  }
0x7a: {  	[tilespmem:s10], [sflag:$0x2] =	stream.indirect_vreg.gather [hbm4b:s1+s3], $0x80, v4, vm0, $0xb8;
	[tilespmem:$0x18080] =	vst v63  }
0x7b: {  	s11 =	rddreg [dreg:$0x11];
	v3 =	vperm.xlane v3, v2  }
0x7c: {  	[tilespmem:s11], [sflag:$0x2] =	stream.indirect_vreg.gather [hbm4b:s4+s3], $0x80, v4, vm0, $0xb8;
	[tilespmem:$0x18080] =	vst v63  }
0x7d: {  	v3 =	vadd.s32 v1, v3;
	s10 =	rddreg [dreg:$0x12]  }
0x7e: {  	[tilespmem:s10], [sflag:$0x2] =	stream.indirect_vreg.gather [hbm4b:s5+s3], $0x80, v4, vm0, $0xb8;
	[tilespmem:$0x18080] =	vst v63  }
0x7f: {  	s11 =	rddreg [dreg:$0x13]  }
0x80: {  	[tilespmem:s11], [sflag:$0x2] =	stream.indirect_vreg.gather [hbm4b:s6+s3], $0x80, v4, vm0, $0xb8;
	[tilespmem:$0x18080] =	vst v63  }
0x81: {  	s10 =	rddreg [dreg:$0x14]  }
0x82: {  	[tilespmem:s10], [sflag:$0x2] =	stream.indirect_vreg.gather [hbm4b:s1+s3], $0x80, v3, vm0, $0xb8;
	[tilespmem:$0x18080] =	vst v63  }
0x83: {  	s11 =	rddreg [dreg:$0x15]  }
0x84: {  	[tilespmem:s11], [sflag:$0x2] =	stream.indirect_vreg.gather [hbm4b:s4+s3], $0x80, v3, vm0, $0xb8;
	[tilespmem:$0x18080] =	vst v63  }
0x85: {  	s10 =	rddreg [dreg:$0x16]  }
0x86: {  	[tilespmem:s10], [sflag:$0x2] =	stream.indirect_vreg.gather [hbm4b:s5+s3], $0x80, v3, vm0, $0xb8;
	[tilespmem:$0x18080] =	vst v63  }
0x87: {  	s11 =	rddreg [dreg:$0x17]  }
0x88: {  	[tilespmem:s11], [sflag:$0x2] =	stream.indirect_vreg.gather [hbm4b:s6+s3], $0x80, v3, vm0, $0xb8;
	[tilespmem:$0x18080] =	vst v63  }
0x89: {  	_ =	swait.ge [sflag:s26], $0x8000  }
0x8a: {  	[sflag:s26] =	ssyncset.done $0x0  }
0x8b: {  	[sflag:s26] =	ssyncadd.s32 $0xFFFF8000  }
0x8c: {  	v3 =	vld [tilespmem:$0x40];
	_ =	sdelay $0x4  }
0x8d: {  	v60 =	vshll.u32 v3, $0x3  }
0x8e: {  	v3 =	vand.u32 $0x7, v3;
	v4 =	vand.u32 $0xFFFFFFC0, v60  }
0x8f: {  	v3 =	vor.u32 v3, v4  }
0x90: {  	v4 =	vperm.xlane v3, v0;
	_ =	sdelay $0x1  }
0x91: {  	v4 =	vadd.s32 v1, v4;
	_ =	sdelay $0x4  }
0x92: {  	[tilespmem:s29], [sflag:$0x3] =	stream.indirect_vreg.gather [hbm4b:s1+s3], $0x80, v4, vm0, $0xb8;
	[tilespmem:$0x18080] =	vst v63  }
0x93: {  	s10 =	rddreg [dreg:$0x18];
	v3 =	vperm.xlane v3, v2  }
0x94: {  	[tilespmem:s10], [sflag:$0x3] =	stream.indirect_vreg.gather [hbm4b:s4+s3], $0x80, v4, vm0, $0xb8;
	[tilespmem:$0x18080] =	vst v63  }
0x95: {  	s11 =	rddreg [dreg:$0x19];
	v3 =	vadd.s32 v1, v3  }
0x96: {  	[tilespmem:s11], [sflag:$0x3] =	stream.indirect_vreg.gather [hbm4b:s5+s3], $0x80, v4, vm0, $0xb8;
	[tilespmem:$0x18080] =	vst v63  }
0x97: {  	s10 =	rddreg [dreg:$0x1a]  }
0x98: {  	[tilespmem:s10], [sflag:$0x3] =	stream.indirect_vreg.gather [hbm4b:s6+s3], $0x80, v4, vm0, $0xb8;
	[tilespmem:$0x18080] =	vst v63  }
0x99: {  	s11 =	rddreg [dreg:$0x1b]  }
0x9a: {  	[tilespmem:s11], [sflag:$0x3] =	stream.indirect_vreg.gather [hbm4b:s1+s3], $0x80, v3, vm0, $0xb8;
	[tilespmem:$0x18080] =	vst v63  }
0x9b: {  	s10 =	rddreg [dreg:$0x1c]  }
0x9c: {  	[tilespmem:s10], [sflag:$0x3] =	stream.indirect_vreg.gather [hbm4b:s4+s3], $0x80, v3, vm0, $0xb8;
	[tilespmem:$0x18080] =	vst v63  }
0x9d: {  	s11 =	rddreg [dreg:$0x1d]  }
0x9e: {  	[tilespmem:s11], [sflag:$0x3] =	stream.indirect_vreg.gather [hbm4b:s5+s3], $0x80, v3, vm0, $0xb8;
	[tilespmem:$0x18080] =	vst v63  }
0x9f: {  	s10 =	rddreg [dreg:$0x1e]  }
0xa0: {  	[tilespmem:s10], [sflag:$0x3] =	stream.indirect_vreg.gather [hbm4b:s6+s3], $0x80, v3, vm0, $0xb8;
	[tilespmem:$0x18080] =	vst v63  }
0xa1: {  	v3 =	vld [tilespmem:$0x50];
	_ =	sdelay $0x4  }
0xa2: {  	v61 =	vshll.u32 v3, $0x3  }
0xa3: {  	v3 =	vand.u32 $0x7, v3;
	v4 =	vand.u32 $0xFFFFFFC0, v61  }
0xa4: {  	v3 =	vor.u32 v3, v4  }
0xa5: {  	v4 =	vperm.xlane v3, v0;
	_ =	sdelay $0x1  }
0xa6: {  	v4 =	vadd.s32 v1, v4;
	_ =	sdelay $0x2  }
0xa7: {  	s11 =	sld [smem:$0x7F7]  }
0xa8: {  	s10 =	rddreg [dreg:$0x1f]  }
0xa9: {  	[tilespmem:s10], [sflag:$0x3] =	stream.indirect_vreg.gather [hbm4b:s1+s3], $0x80, v4, vm0, $0xb8;
	[tilespmem:$0x18080] =	vst v63  }
0xaa: {  	v3 =	vperm.xlane v3, v2;
	s10 =	sld [smem:$0x7F8]  }
0xab: {  	[tilespmem:s11], [sflag:$0x3] =	stream.indirect_vreg.gather [hbm4b:s4+s3], $0x80, v4, vm0, $0xb8;
	[tilespmem:$0x18080] =	vst v63  }
0xac: {  	v3 =	vadd.s32 v1, v3;
	s11 =	sld [smem:$0x7F9]  }
0xad: {  	[tilespmem:s10], [sflag:$0x3] =	stream.indirect_vreg.gather [hbm4b:s5+s3], $0x80, v4, vm0, $0xb8;
	[tilespmem:$0x18080] =	vst v63  }
0xae: {  	s10 =	sld [smem:$0x7FA]  }
0xaf: {  	[tilespmem:s11], [sflag:$0x3] =	stream.indirect_vreg.gather [hbm4b:s6+s3], $0x80, v4, vm0, $0xb8;
	[tilespmem:$0x18080] =	vst v63  }
0xb0: {  	s11 =	sld [smem:$0x7FB]  }
0xb1: {  	[tilespmem:s10], [sflag:$0x3] =	stream.indirect_vreg.gather [hbm4b:s1+s3], $0x80, v3, vm0, $0xb8;
	[tilespmem:$0x18080] =	vst v63  }
0xb2: {  	s10 =	sld [smem:$0x7FC]  }
0xb3: {  	[tilespmem:s11], [sflag:$0x3] =	stream.indirect_vreg.gather [hbm4b:s4+s3], $0x80, v3, vm0, $0xb8;
	[tilespmem:$0x18080] =	vst v63  }
0xb4: {  	s11 =	sld [smem:$0x7FD]  }
0xb5: {  	[tilespmem:s10], [sflag:$0x3] =	stream.indirect_vreg.gather [hbm4b:s5+s3], $0x80, v3, vm0, $0xb8;
	[tilespmem:$0x18080] =	vst v63  }
0xb6: {  	_ = 	snop  }
0xb7: {  	[tilespmem:s11], [sflag:$0x3] =	stream.indirect_vreg.gather [hbm4b:s6+s3], $0x80, v3, vm0, $0xb8;
	[tilespmem:$0x18080] =	vst v63  }
0xb8: {  	s10 =	rddreg [dreg:$0x5];
	s11 =	simm.s32 $0x2  }
0xb9: {  	[hbm4b:s10+s3] =	stream.linear.scatter [tilespmem:s9], [sflag:$0x4], $0x8000, $0x38;
	[tilespmem:$0x18080] =	vst v63  }
0xba: {  	_ =	swait.ge [sflag:s11], $0x8000  }
0xbb: {  	[sflag:s11] =	ssyncset.done $0x0  }
0xbc: {  	[sflag:s11] =	ssyncadd.s32 $0xFFFF8000  }
0xbd: {  	_ =	swait.ge [sflag:s30], $0x8000  }
0xbe: {  	[sflag:s30] =	ssyncset.done $0x0  }
0xbf: {  	[sflag:s30] =	ssyncadd.s32 $0xFFFF8000  }
0xc0: {  	v3 =	vld [tilespmem:$0x60];
	_ =	sdelay $0x4  }
0xc1: {  	v62 =	vshll.u32 v3, $0x3  }
0xc2: {  	v3 =	vand.u32 $0x7, v3;
	v4 =	vand.u32 $0xFFFFFFC0, v62  }
0xc3: {  	v3 =	vor.u32 v3, v4  }
0xc4: {  	v4 =	vperm.xlane v3, v0;
	_ =	sdelay $0x1  }
0xc5: {  	v4 =	vadd.s32 v1, v4;
	_ =	sdelay $0x4  }
0xc6: {  	[tilespmem:s9], [sflag:$0x1] =	stream.indirect_vreg.gather [hbm4b:s1+s3], $0x80, v4, vm0, $0xb8;
	[tilespmem:$0x18080] =	vst v63  }
0xc7: {  	v3 =	vperm.xlane v3, v2  }
0xc8: {  	[tilespmem:s12], [sflag:$0x1] =	stream.indirect_vreg.gather [hbm4b:s4+s3], $0x80, v4, vm0, $0xb8;
	[tilespmem:$0x18080] =	vst v63  }
0xc9: {  	v3 =	vadd.s32 v1, v3  }
0xca: {  	[tilespmem:s13], [sflag:$0x1] =	stream.indirect_vreg.gather [hbm4b:s5+s3], $0x80, v4, vm0, $0xb8;
	[tilespmem:$0x18080] =	vst v63  }
0xcb: {  	_ = 	snop  }
0xcc: {  	[tilespmem:s14], [sflag:$0x1] =	stream.indirect_vreg.gather [hbm4b:s6+s3], $0x80, v4, vm0, $0xb8;
	[tilespmem:$0x18080] =	vst v63  }
0xcd: {  	_ = 	snop  }
0xce: {  	[tilespmem:s15], [sflag:$0x1] =	stream.indirect_vreg.gather [hbm4b:s1+s3], $0x80, v3, vm0, $0xb8;
	[tilespmem:$0x18080] =	vst v63  }
0xcf: {  	_ = 	snop  }
0xd0: {  	[tilespmem:s16], [sflag:$0x1] =	stream.indirect_vreg.gather [hbm4b:s4+s3], $0x80, v3, vm0, $0xb8;
	[tilespmem:$0x18080] =	vst v63  }
0xd1: {  	_ = 	snop  }
0xd2: {  	[tilespmem:s17], [sflag:$0x1] =	stream.indirect_vreg.gather [hbm4b:s5+s3], $0x80, v3, vm0, $0xb8;
	[tilespmem:$0x18080] =	vst v63  }
0xd3: {  	_ = 	snop  }
0xd4: {  	[tilespmem:s18], [sflag:$0x1] =	stream.indirect_vreg.gather [hbm4b:s6+s3], $0x80, v3, vm0, $0xb8;
	[tilespmem:$0x18080] =	vst v63  }
0xd5: {  	v3 =	vld [tilespmem:$0x70];
	_ =	sdelay $0x4  }
0xd6: {  	v63 =	vshll.u32 v3, $0x3  }
0xd7: {  	v3 =	vand.u32 $0x7, v3;
	v4 =	vand.u32 $0xFFFFFFC0, v63  }
0xd8: {  	v3 =	vor.u32 v3, v4  }
0xd9: {  	v4 =	vperm.xlane v3, v0;
	_ =	sdelay $0x1  }
0xda: {  	v4 =	vadd.s32 v1, v4;
	_ =	sdelay $0x4  }
0xdb: {  	[tilespmem:s19], [sflag:$0x1] =	stream.indirect_vreg.gather [hbm4b:s1+s3], $0x80, v4, vm0, $0xb8;
	[tilespmem:$0x18080] =	vst v63  }
0xdc: {  	v3 =	vperm.xlane v3, v2  }
0xdd: {  	[tilespmem:s20], [sflag:$0x1] =	stream.indirect_vreg.gather [hbm4b:s4+s3], $0x80, v4, vm0, $0xb8;
	[tilespmem:$0x18080] =	vst v63  }
0xde: {  	v3 =	vadd.s32 v1, v3  }
0xdf: {  	[tilespmem:s21], [sflag:$0x1] =	stream.indirect_vreg.gather [hbm4b:s5+s3], $0x80, v4, vm0, $0xb8;
	[tilespmem:$0x18080] =	vst v63  }
0xe0: {  	_ = 	snop  }
0xe1: {  	[tilespmem:s22], [sflag:$0x1] =	stream.indirect_vreg.gather [hbm4b:s6+s3], $0x80, v4, vm0, $0xb8;
	[tilespmem:$0x18080] =	vst v63  }
0xe2: {  	_ = 	snop  }
0xe3: {  	[tilespmem:s23], [sflag:$0x1] =	stream.indirect_vreg.gather [hbm4b:s1+s3], $0x80, v3, vm0, $0xb8;
	[tilespmem:$0x18080] =	vst v63  }
0xe4: {  	_ = 	snop  }
0xe5: {  	[tilespmem:s24], [sflag:$0x1] =	stream.indirect_vreg.gather [hbm4b:s4+s3], $0x80, v3, vm0, $0xb8;
	[tilespmem:$0x18080] =	vst v63  }
0xe6: {  	_ = 	snop  }
0xe7: {  	[tilespmem:s25], [sflag:$0x1] =	stream.indirect_vreg.gather [hbm4b:s5+s3], $0x80, v3, vm0, $0xb8;
	[tilespmem:$0x18080] =	vst v63  }
0xe8: {  	_ = 	snop  }
0xe9: {  	[tilespmem:s28], [sflag:$0x1] =	stream.indirect_vreg.gather [hbm4b:s6+s3], $0x80, v3, vm0, $0xb8;
	[tilespmem:$0x18080] =	vst v63  }
0xea: {  	s11 =	rddreg [dreg:$0x6]  }
0xeb: {  	[hbm4b:s11+s3] =	stream.linear.scatter [tilespmem:s8], [sflag:$0x5], $0x8000, $0x38;
	[tilespmem:$0x18080] =	vst v63  }
0xec: {  	_ =	swait.ge [sflag:s31], $0x8000  }
0xed: {  	[sflag:s31] =	ssyncset.done $0x0  }
0xee: {  	s8 =	rddreg [dreg:$0x7];
	[sflag:s31] =	ssyncadd.s32 $0xFFFF8000  }
0xef: {  	[hbm4b:s8+s3] =	stream.linear.scatter [tilespmem:s29], [sflag:$0x6], $0x8000, $0x38;
	[tilespmem:$0x18080] =	vst v63  }
0xf0: {  	_ =	swait.ge [sflag:s26], $0x8000  }
0xf1: {  	[sflag:s26] =	ssyncset.done $0x0  }
0xf2: {  	s11 =	rddreg [dreg:$0x8];
	[sflag:s26] =	ssyncadd.s32 $0xFFFF8000  }
0xf3: {  	[hbm4b:s11+s3] =	stream.linear.scatter [tilespmem:s9], [sflag:$0x4], $0x8000, $0x38;
	[tilespmem:$0x18080] =	vst v63  }
0xf4: {  	_ =	swait.ge [sflag:s2], $0x8000  }
0xf5: {  	[sflag:s2] =	ssyncset.done $0x0  }
0xf6: {  	[sflag:s2] =	ssyncadd.s32 $0xFFFF8000  }
0xf7: {  	p0 =	sne.s32 s7, $0x1;
	_ =	swait.ge [sflag:s0], $0x8000  }
.Ltmp0:
0xf8: {  	[sflag:s0] =	ssyncset.done $0x0;
	(pc) =	sbr.rel @p0 .LBB2_1-.Ltmp0, $4  }
0xf9: {  	[sflag:s0] =	ssyncadd.s32 $0xFFFF8000  }
0xfa: {  	_ =	swait.ge [sflag:s30], $0x8000  }
0xfb: {  	[sflag:s30] =	ssyncset.done $0x0  }
0xfc: {  	s7 =	sadd.s32 $0xFFFFFFFF, s7;
	[sflag:s30] =	ssyncadd.s32 $0xFFFF8000  }
0xfd: {  	_ =	sfence.sel $0x180000  }
0xfe: {  	[bflag:$0x0] =	sbarrier.arrive $0xFFFF  }
0xff: {  	_ =	strace $0x9000004D  }
0x100: {  	s0 =	stileid.u32;
	[bflag:$0x2] =	sbarrier.arrive $0xFFFF  }
0x101: {  	p0 =	sne.s32 s0, $0x0;
	s0 =	rddreg [dreg:$0x3]  }
0x102: {  	s0 =	sadd.s32 @!p0 $0x100000, s0  }
0x103: {  	[sflag:s0] =	ssyncadd.tile.s32 @!p0 $0x1;
	_ =	shalt  }
.Lfunc_end2:
_tile_overlayer_lowered:
.L_overlay_start_2:
0x104: {  	(tag) =	ssettag $0x2  }
0x105: {  	s0 =	rddreg [dreg:$0x0];
	s2 =	stileid.u32  }
0x106: {  	s1 =	rddreg [dreg:$0x1];
	p0 =	sne.s32 s2, $0x0  }
0x107: {  	s3 =	rddreg [dreg:$0x2];
	[bflag:$0x3] =	sbarrier.arrive $0xFFFF;
	s2 =	simm.s32 @!p0 $0x1C07  }
0x108: {  	[timem:s3], [sflag:s2] =	dma.local @!p0 [hbm:s0], s1  }
0x109: {  	s0 =	simm.s32 @!p0 $0x7  }
0x10a: {  	_ =	swait.ge @!p0 [sflag:s0], s1  }
0x10b: {  	s1 =	ssub.s32 @!p0 $0x0, s1;
	[sflag:s0] =	ssyncset.done @!p0 $0x0  }
0x10c: {  	[sflag:s0] =	ssyncadd.s32 @!p0 s1  }
0x10d: {  	[bflag:$0x3] =	sbarrier.arrive $0xFFFF  }
0x10e: {  	_ =	shalt  }

// kernel: kernel.19.cloned.1.call-start
scs
__scs_entry_jumppad:
0x0: {  	(pc) =	sbr.rel $0x88, $3  }
0x1: {  	(tag) =	ssettag $0x0;
	lr =	simm.s32 $0x1  }
0x2: {  	[smem:$0x3F9B] =	sst lr;
	_ =	strace $0xD0000000  }
0x3: {  	_ = 	snop  }
0x4: {  	_ = 	snop  }
0x5: {  	_ = 	snop  }
0x6: {  	_ = 	snop  }
0x7: {  	_ = 	snop  }
__scs_overlays_trampoline_lowered:
0x8: {  	[smem:$0x3FAA] =	sst s0  }
0x9: {  	[smem:$0x3FAB] =	sst s1  }
0xa: {  	[smem:$0x3FAC] =	sst s2  }
0xb: {  	[smem:$0x3FAD] =	sst s3  }
0xc: {  	[smem:$0x3FAE] =	sst s4  }
0xd: {  	[smem:$0x3FAF] =	sst s5  }
0xe: {  	[smem:$0x3FB0] =	sst s6  }
0xf: {  	[smem:$0x3FB1] =	sst s7  }
0x10: {  	[smem:$0x3FB2] =	sst s8  }
0x11: {  	[smem:$0x3FB3] =	sst s9;
	s0 =	simm.s32 @!p0 $0x0  }
0x12: {  	s1 =	sld [smem:$0x3F99];
	s0 =	simm.s32 @p0 $0x1  }
0x13: {  	[smem:$0x3FB4] =	sst s0;
	s0 =	simm.s32 @!p1 $0x0  }
0x14: {  	s2 =	sld [smem:$0x3F98];
	s0 =	simm.s32 @p1 $0x1  }
0x15: {  	[smem:$0x3FB5] =	sst s0;
	s0 =	simm.s32 @!p2 $0x0  }
0x16: {  	s3 =	sld [smem:$0x3FDB];
	s0 =	simm.s32 @p2 $0x1  }
0x17: {  	s4 =	simm.s32 $0x1BF5;
	[smem:$0x3FB7] =	sst s0  }
0x18: {  	s0 =	sld [smem:$0x3F9A];
	_ =	swait.ge [sflag:s4], $0x0  }
0x19: {  	s7 =	sld [smem:$0x3F9B]  }
0x1a: {  	s8 =	sadd.s32 $0xFFFFE003, lr  }
0x1b: {  	s9 =	sadd.s32 $0xFFFFFEF7, lr;
	s5 =	simm.s32 $0xFFFFFFFF;
	p2 =	slt.u32 s8, $0xFFFFF086  }
0x1c: {  	p1 =	slt.u32 s9, $0xF7A;
	s5 =	simm.s32 @!p2 $0x0  }
0x1d: {  	s5 =	simm.s32 @p1 $0x1;
	p0 =	seq.s32 s7, s2  }
0x1e: {  	s7 =	smul.u32 @!p0 $0xF7A, s2;
	p2 =	seq.s32 @!p0 s5, $0x0  }
0x1f: {  	s9 =	smul.u32 $0xF7A, s1;
	s8 =	simm.s32 @!p0 $0x1BF5;
	p2 =	por !p2, p0  }
0x20: {  	[sflag:s8] =	ssyncset.s32 @!p0 $0xFFFFF086;
	s6 =	sadd.s32 @!p0 s3, s7;
	s7 =	simm.s32 @!p0 $0x108  }
0x21: {  	s3 =	sadd.s32 s3, s9;
	s6 =	sadd.s32 @!p0 $0x88, s6;
	s7 =	simm.s32 @p2 $0x1082  }
0x22: {  	[simem:s7], [sflag:s8] =	dma.local @!p0 [hbm:s6], $0xF7A  }
0x23: {  	s9 =	sor.u32 $0xD0000000, s2;
	s6 =	simm.s32 $0x108;
	_ =	swait.ge @!p0 [sflag:s8], $0x0  }
0x24: {  	s3 =	sadd.s32 $0x88, s3;
	s6 =	simm.s32 @!p1 $0x1082;
	[sflag:s4] =	ssyncset.s32 $0xFFFFF086  }
0x25: {  	[simem:s6], [sflag:s4] =	dma.local [hbm:s3], $0xF7A  }
0x26: {  	[smem:$0x3F9B] =	sst s1;
	(tag) =	ssettag s2;
	_ =	strace s9  }
0x27: {  	s1 =	sld [smem:$0x3FAB]  }
0x28: {  	s2 =	sld [smem:$0x3FAC]  }
0x29: {  	s4 =	sld [smem:$0x3FAE]  }
0x2a: {  	p0 =	seq.s32 s5, $0x0;
	s5 =	sld [smem:$0x3FAF]  }
0x2b: {  	s6 =	sld [smem:$0x3FB0]  }
0x2c: {  	s7 =	sld [smem:$0x3FB1]  }
0x2d: {  	s3 =	simm.s32 $0x108;
	s8 =	sld [smem:$0x3FB2]  }
0x2e: {  	s3 =	simm.s32 @!p0 $0x1082;
	s9 =	sld [smem:$0x3FB3]  }
0x2f: {  	lr =	sadd.s32 s0, s3;
	s0 =	sld [smem:$0x3FAA]  }
0x30: {  	s3 =	sld [smem:$0x3FAD]  }
0x31: {  	[smem:$0x3FB6] =	sst s10  }
0x32: {  	s10 =	sld [smem:$0x3FB4];
	_ =	sdelay $0x3  }
0x33: {  	p0 =	seq.s32 s10, $0x1;
	s10 =	sld [smem:$0x3FB6];
	_ =	sdelay $0x3  }
0x34: {  	[smem:$0x3FB6] =	sst s10  }
0x35: {  	s10 =	sld [smem:$0x3FB5];
	_ =	sdelay $0x3  }
0x36: {  	p1 =	seq.s32 s10, $0x1;
	s10 =	sld [smem:$0x3FB6];
	_ =	sdelay $0x3  }
0x37: {  	[smem:$0x3FB6] =	sst s10  }
0x38: {  	s10 =	sld [smem:$0x3FB7]  }
0x39: {  	_ = 	snop;
	(pc) =	sbr.ind lr, $3  }
0x3a: {  	_ = 	snop  }
0x3b: {  	_ = 	snop  }
0x3c: {  	p2 =	seq.s32 s10, $0x1;
	s10 =	sld [smem:$0x3FB6]  }
0x3d: {  	_ =	shalt  }
0x3e: {  	_ =	shalt  }
0x3f: {  	_ =	shalt  }
0x40: {  	_ =	shalt  }
0x41: {  	_ =	shalt  }
0x42: {  	_ =	shalt  }
0x43: {  	_ =	shalt  }
0x44: {  	_ =	shalt  }
0x45: {  	_ =	shalt  }
0x46: {  	_ =	shalt  }
0x47: {  	_ =	shalt  }
0x48: {  	_ =	shalt  }
0x49: {  	_ =	shalt  }
0x4a: {  	_ =	shalt  }
0x4b: {  	_ =	shalt  }
0x4c: {  	_ =	shalt  }
0x4d: {  	_ =	shalt  }
0x4e: {  	_ =	shalt  }
0x4f: {  	_ =	shalt  }
0x50: {  	_ =	shalt  }
0x51: {  	_ =	shalt  }
0x52: {  	_ =	shalt  }
0x53: {  	_ =	shalt  }
0x54: {  	_ =	shalt  }
0x55: {  	_ =	shalt  }
0x56: {  	_ =	shalt  }
0x57: {  	_ =	shalt  }
0x58: {  	_ =	shalt  }
0x59: {  	_ =	shalt  }
0x5a: {  	_ =	shalt  }
0x5b: {  	_ =	shalt  }
0x5c: {  	_ =	shalt  }
0x5d: {  	_ =	shalt  }
0x5e: {  	_ =	shalt  }
0x5f: {  	_ =	shalt  }
0x60: {  	_ =	shalt  }
0x61: {  	_ =	shalt  }
0x62: {  	_ =	shalt  }
0x63: {  	_ =	shalt  }
0x64: {  	_ =	shalt  }
0x65: {  	_ =	shalt  }
0x66: {  	_ =	shalt  }
0x67: {  	_ =	shalt  }
0x68: {  	_ =	shalt  }
0x69: {  	_ =	shalt  }
0x6a: {  	_ =	shalt  }
0x6b: {  	_ =	shalt  }
0x6c: {  	_ =	shalt  }
0x6d: {  	_ =	shalt  }
0x6e: {  	_ =	shalt  }
0x6f: {  	_ =	shalt  }
0x70: {  	_ =	shalt  }
0x71: {  	_ =	shalt  }
0x72: {  	_ =	shalt  }
0x73: {  	_ =	shalt  }
0x74: {  	_ =	shalt  }
0x75: {  	_ =	shalt  }
0x76: {  	_ =	shalt  }
0x77: {  	_ =	shalt  }
0x78: {  	_ =	shalt  }
0x79: {  	_ =	shalt  }
0x7a: {  	_ =	shalt  }
0x7b: {  	_ =	shalt  }
0x7c: {  	_ =	shalt  }
0x7d: {  	_ =	shalt  }
0x7e: {  	_ =	shalt  }
0x7f: {  	_ =	shalt  }
0x80: {  	_ =	shalt  }
0x81: {  	_ =	shalt  }
0x82: {  	_ =	shalt  }
0x83: {  	_ =	shalt  }
0x84: {  	_ =	shalt  }
0x85: {  	_ =	shalt  }
0x86: {  	_ =	shalt  }
0x87: {  	_ =	shalt  }
.Lfunc_end0:
.L_simem_size_0:
called_computation.3_lowered:
.L_overlay_start_0:
0x88: {  	s2 =	sld [smem:$0x3FD9]  }
0x89: {  	s3 =	sld [smem:$0x3FFE];
	_ =	sdelay $0x1  }
0x8a: {  	s1 =	srdreg.scid  }
0x8b: {  	s0 =	sand.u32 $0x1, s1  }
0x8c: {  	s17 =	sshll.u32 s0, $0xA;
	s2 =	sadd.s32 s3, s2  }
0x8d: {  	s2 =	sadd.s32 s2, s17  }
0x8e: {  	[smem:$0x3FC2] =	sst s2  }
0x8f: {  	_ = 	snop  }
0x90: {  	s18 =	sld [smem:$0x3FC9]  }
0x91: {  	s4 =	sld [smem:$0x3FC8];
	(tm) =	ssettm $0x1  }
0x92: {  	s19 =	sld [smem:$0x3FFB];
	_ =	sdelay $0x3  }
0x93: {  	_ =	strace s19  }
0x94: {  	s2 =	sld [smem:$0x3FFC];
	_ =	sdelay $0x3  }
0x95: {  	_ =	strace s2  }
0x96: {  	s2 =	sld [smem:$0x3FFD];
	_ =	sdelay $0x3  }
0x97: {  	_ =	strace s2  }
0x98: {  	_ =	strace $0x8FFFFFFF  }
0x99: {  	s20 =	sld [smem:$0x3FDB];
	_ =	sdelay $0x1  }
0x9a: {  	s5 =	simm.s32 $_scs_section_size  }
0x9b: {  	s6 =	simm.s32 $_size__tile_overlayer_lowered;
	s7 =	simm.s32 $_tile_overlayer_lowered  }
0x9c: {  	s8 =	simm.s32 $0x1BFF;
	s21 =	sshll.u32 s7, $0x1;
	s5 =	sadd.s32 s5, s20  }
0x9d: {  	s22 =	simm.s32 $0x0;
	s6 =	sshll.u32 s6, $0x1;
	s7 =	sadd.s32 s21, s5  }
0x9e: {  	[timem:s22], [sflag:s8] =	dma.local [hbm:s7], s6  }
0x9f: {  	_ =	swait.ge [sflag:s8], s6  }
0xa0: {  	s6 =	ssub.s32 $0x0, s6;
	[sflag:s8] =	ssyncset.done $0x0  }
0xa1: {  	[sflag:s8] =	ssyncadd.s32 s6;
	_ =	sdelay $0x1  }
0xa2: {  	s23 =	simm.s32 $0x1B8B  }
0xa3: {  	_ =	swait.ge [sflag:s23], $0x1  }
0xa4: {  	[sflag:s23] =	ssyncset.done $0x0  }
0xa5: {  	[sflag:s23] =	ssyncadd.s32 $0xFFFFFFFF  }
0xa6: {  	s6 =	sld [smem:$0x0]  }
0xa7: {  	s7 =	sand.u32 $0xFFFFFFFE, s1  }
0xa8: {  	p0 =	sne.s32 s1, s7  }
0xa9: {  	s7 =	sshll.u32 @p0 s7, $0xE  }
0xaa: {  	s7 =	sadd.s32 @p0 $0x11B8D, s7;
	s8 =	sshll.u32 @p0 s6, $0x11  }
0xab: {  	s7 =	sor.u32 @p0 s8, s7  }
0xac: {  	[sflag:s7] =	ssyncadd.remote.s32 @p0 $0x1;
	_ =	sdelay $0x1  }
0xad: {  	s7 =	simm.s32 @p0 $0x1B8D  }
0xae: {  	_ =	swait.eq @p0 [sflag:s7], $0x1  }
0xaf: {  	[sflag:s7] =	ssyncadd.s32 @p0 $0xFFFFFFFF  }
0xb0: {  	s8 =	sshll.u32 @!p0 s1, $0xE  }
0xb1: {  	s8 =	sor.u32 @!p0 $0x4000, s8;
	s7 =	simm.s32 @!p0 $0x1B8D  }
0xb2: {  	s6 =	sshll.u32 @!p0 s6, $0x11;
	s8 =	sadd.s32 @!p0 $0x11B8D, s8;
	_ =	swait.eq @!p0 [sflag:s7], $0x1  }
0xb3: {  	s6 =	sor.u32 @!p0 s6, s8;
	[sflag:s7] =	ssyncadd.s32 @!p0 $0xFFFFFFFF  }
0xb4: {  	s25 =	simm.s32 $0x1B8E;
	s24 =	sld [smem:$0x3FFE];
	[sflag:s6] =	ssyncadd.remote.s32 @!p0 $0x1  }
0xb5: {  	s26 =	simm.s32 $execute0_lowered;
	[smem:$0x3FD2] =	sst s25  }
0xb6: {  	s7 =	sshll.u32 s26, $0x1;
	_ =	strace $0x8000004F;
	[dreg:$0x1] =	wrdreg $0xFFFFFFFF  }
0xb7: {  	s28 =	simm.s32 $_size_execute0_lowered;
	s5 =	sadd.s32 s5, s7;
	[dreg:$0x0] =	wrdreg $0x0  }
0xb8: {  	s7 =	sshll.u32 s28, $0x1;
	[dreg:$0x2] =	wrdreg s5  }
0xb9: {  	[dreg:$0x3] =	wrdreg s7  }
0xba: {  	[dreg:$0x4] =	wrdreg $0xC0  }
0xbb: {  	_ =	task [dreg:s22], $0x5FFFF  }
0xbc: {  	[dreg:$0x1] =	wrdreg $0xFFFFFFFF  }
0xbd: {  	[dreg:$0x0] =	wrdreg $0x60  }
0xbe: {  	[dreg:$0x2] =	wrdreg s4  }
0xbf: {  	[dreg:$0x3] =	wrdreg s18  }
0xc0: {  	[dreg:$0x4] =	wrdreg s24  }
0xc1: {  	[dreg:$0x5] =	wrdreg $0xC  }
0xc2: {  	_ =	task.clear_ibuf [dreg:s22], $0x6FFFF;
	_ =	strace $0x9000004F  }
0xc3: {  	s29 =	simm.s32 $0xC;
	_ =	strace $0x80000051  }
0xc4: {  	_ =	swait.ge [sflag:s29], $0x1  }
0xc5: {  	[sflag:s29] =	ssyncadd.s32 $0xFFFFFFFF  }
0xc6: {  	_ =	strace $0x90000051  }
0xc7: {  	_ =	sfence  }
0xc8: {  	s30 =	sld [smem:$0x0];
	_ =	sdelay $0x2  }
0xc9: {  	s31 =	sshll.u32 s1, $0xD;
	s1 =	sshrl.u32 s1, $0x2  }
0xca: {  	s4 =	sand.u32 $0x4000, s31;
	s1 =	sadd.s32 s1, s30  }
0xcb: {  	s0 =	sor.u32 s4, s0;
	s1 =	sshll.u32 s1, $0x11  }
0xcc: {  	s0 =	sor.u32 s1, s0  }
0xcd: {  	s0 =	sadd.s32 $0x8F2B, s0  }
0xce: {  	[sflag:s0] =	ssyncadd.remote.s32 $0x1  }
0xcf: {  	_ =	sfence.sel $0xFFFF  }
0xd0: {  	[dreg:$0x0] =	wrdreg $0xFFFFFFFF;
	(pc) =	sbr.abs _section_cstart, $3  }
0xd1: {  	[dreg:$0x1] =	wrdreg $0xFFFFFFFF  }
0xd2: {  	_ =	task.clear_ibuf [dreg:s22], $0x2FFFF;
	_ =	strace $0x9FFFFFFF  }
0xd3: {  	(tm) =	ssettm $0x7FFFFFFF  }
tec
execute0_lowered:
.L_overlay_start_1:
0x0: {  	(tag) =	ssettag $0x1  }
0x1: {  	s3 =	stileid.u32;
	s1 =	rddreg [dreg:$0x0]  }
0x2: {  	s4 =	rddreg [dreg:$0x1];
	s2 =	sshll.u32 s3, $0x1;
	s3 =	sshll.u32 s3, $0x2  }
0x3: {  	s5 =	rddreg [dreg:$0x2];
	s7 =	sand.u32 $0x30, s3;
	s3 =	simm.s32 $0x0  }
0x4: {  	s18 =	simm.s32 $0x8880;
	[smem:$0x7FF] =	sst s3  }
0x5: {  	s19 =	simm.s32 $0x9080;
	_ =	strace $0x80000050;
	[dreg:$0x9] =	wrdreg s18  }
0x6: {  	s20 =	simm.s32 $0x9880;
	[dreg:$0xa] =	wrdreg s19  }
0x7: {  	s0 =	srdreg.scid;
	s21 =	simm.s32 $0xA080;
	[dreg:$0xb] =	wrdreg s20  }
0x8: {  	s22 =	simm.s32 $0xA880;
	s23 =	simm.s32 $0xB080;
	[dreg:$0xc] =	wrdreg s21  }
0x9: {  	s24 =	simm.s32 $0xB880;
	s26 =	simm.s32 $0xC080;
	[dreg:$0xd] =	wrdreg s22  }
0xa: {  	s8 =	simm.s32 $0xE080;
	s9 =	simm.s32 $0xE880;
	[dreg:$0xe] =	wrdreg s23  }
0xb: {  	s10 =	simm.s32 $0xF080;
	s11 =	simm.s32 $0xF880;
	[dreg:$0xf] =	wrdreg s24  }
0xc: {  	s12 =	simm.s32 $0x10880;
	s13 =	simm.s32 $0x11080;
	[dreg:$0x10] =	wrdreg s26  }
0xd: {  	s14 =	simm.s32 $0x11880;
	s30 =	simm.s32 $0x4;
	[dreg:$0x14] =	wrdreg s8  }
0xe: {  	s31 =	simm.s32 $0x3;
	s28 =	simm.s32 $0x7880;
	[dreg:$0x15] =	wrdreg s9  }
0xf: {  	s29 =	simm.s32 $0x10080;
	s0 =	sand.u32 $0x1, s0;
	[dreg:$0x16] =	wrdreg s10  }
0x10: {  	s2 =	sor.u32 s0, s2;
	s0 =	ssub.s32 $0x2, s0;
	[dreg:$0x17] =	wrdreg s11  }
0x11: {  	s6 =	sshll.u32 s2, $0x6;
	s2 =	sshll.u32 s2, $0xE;
	[dreg:$0x18] =	wrdreg s12  }
0x12: {  	s25 =	sshrl.u32 s0, $0x1;
	s6 =	sor.u32 s7, s6;
	[dreg:$0x19] =	wrdreg s13  }
0x13: {  	s2 =	sadd.s32 s2, s5;
	s5 =	simm.s32 $0xC880;
	[dreg:$0x1a] =	wrdreg s14  }
0x14: {  	s0 =	ssub.s32 s0, s25;
	s7 =	simm.s32 $0xD880;
	[dreg:$0x11] =	wrdreg s5  }
0x15: {  	s9 =	simm.s32 $0x80;
	s18 =	simm.s32 $0x13880;
	[dreg:$0x13] =	wrdreg s7  }
0x16: {  	s19 =	simm.s32 $0x14080;
	s20 =	simm.s32 $0x14880;
	[dreg:$0x1e] =	wrdreg s18  }
0x17: {  	s21 =	simm.s32 $0x15080;
	s22 =	simm.s32 $0x15880;
	[dreg:$0x1f] =	wrdreg s19  }
0x18: {  	s23 =	simm.s32 $0x16080;
	s24 =	simm.s32 $0x16880;
	[smem:$0x7F7] =	sst s20  }
0x19: {  	s25 =	simm.s32 $0x17080;
	s26 =	simm.s32 $0x17880;
	[smem:$0x7F8] =	sst s21  }
0x1a: {  	s12 =	simm.s32 $0x880;
	s13 =	simm.s32 $0x1080;
	[smem:$0x7F9] =	sst s22  }
0x1b: {  	s14 =	simm.s32 $0x1880;
	s6 =	sor.u32 $0x600, s6;
	[smem:$0x7FA] =	sst s23  }
0x1c: {  	s15 =	sadd.s32 $0x102000, s2;
	s16 =	sadd.s32 $0x103000, s2;
	[smem:$0x7FB] =	sst s24  }
0x1d: {  	s17 =	sadd.s32 $0x104000, s2;
	s2 =	sadd.s32 $0x105000, s2;
	[smem:$0x7FC] =	sst s25  }
0x1e: {  	s5 =	sadd.s32 $0x200, s1;
	s7 =	smax.u32 s0, $0x1;
	[smem:$0x7FD] =	sst s26  }
0x1f: {  	s26 =	simm.s32 $0x1;
	s0 =	simm.s32 $0x6;
	[dreg:$0x5] =	wrdreg s15  }
0x20: {  	s18 =	simm.s32 $0x3880;
	s19 =	simm.s32 $0x4080;
	[dreg:$0x6] =	wrdreg s16  }
0x21: {  	s20 =	simm.s32 $0x4880;
	s21 =	simm.s32 $0x5080;
	[dreg:$0x7] =	wrdreg s17  }
0x22: {  	s22 =	simm.s32 $0x5880;
	s4 =	sadd.s32 s4, s6;
	[dreg:$0x8] =	wrdreg s2  }
0x23: {  	s23 =	simm.s32 $0x6080;
	s6 =	simm.s32 $0xD080;
	[dreg:$0x4] =	wrdreg s4  }
0x24: {  	s24 =	simm.s32 $0x6880;
	s15 =	simm.s32 $0x12080;
	[dreg:$0x12] =	wrdreg s6  }
0x25: {  	s25 =	simm.s32 $0x7080;
	s16 =	simm.s32 $0x12880;
	[dreg:$0x1b] =	wrdreg s15  }
0x26: {  	v2 =	vlaneseq.u32;
	s17 =	simm.s32 $0x13080;
	s2 =	simm.s32 $0x5;
	[dreg:$0x1c] =	wrdreg s16  }
0x27: {  	vm0 =	vmmov $0xffff;
	v1 =	vshrl.u32 v2, $0x3;
	s4 =	sadd.s32 $0x100, s1;
	s6 =	sadd.s32 $0x300, s1;
	[dreg:$0x1d] =	wrdreg s17  }
0x28: {  	v0 =	vand.u32 $0x7, v2;
	v2 =	vor.u32 $0x8, v2;
	v1 =	vmul.u32 $0x8, v1;
	s15 =	simm.s32 $0x2080;
	s16 =	simm.s32 $0x2880;
	s17 =	simm.s32 $0x3080  }
.LBB2_1:
0x29: {  	s10 =	rddreg [dreg:$0x4];
	s8 =	simm.s32 $0x7  }
0x2a: {  	[tilespmem:s3], [sflag:$0x7] =	stream.linear.gather [hbm4b:s10+s3], $0x80, $0x38;
	[tilespmem:$0x18080] =	vst v63  }
0x2b: {  	_ =	swait.ge [sflag:s8], $0x80  }
0x2c: {  	[sflag:s8] =	ssyncset.done $0x0  }
0x2d: {  	[sflag:s8] =	ssyncadd.s32 $0xFFFFFF80  }
0x2e: {  	v3 =	vld [tilespmem:$0x0];
	_ =	sdelay $0x4  }
0x2f: {  	v4 =	vshll.u32 v3, $0x3  }
0x30: {  	v3 =	vand.u32 $0x7, v3;
	v4 =	vand.u32 $0xFFFFFFC0, v4  }
0x31: {  	v3 =	vor.u32 v3, v4  }
0x32: {  	v4 =	vperm.xlane v3, v0;
	_ =	sdelay $0x1  }
0x33: {  	v4 =	vadd.s32 v1, v4;
	_ =	sdelay $0x4  }
0x34: {  	[tilespmem:s9], [sflag:$0x1] =	stream.indirect_vreg.gather [hbm4b:s1+s3], $0x80, v4, vm0, $0xb8;
	[tilespmem:$0x18080] =	vst v63  }
0x35: {  	v3 =	vperm.xlane v3, v2  }
0x36: {  	[tilespmem:s12], [sflag:$0x1] =	stream.indirect_vreg.gather [hbm4b:s4+s3], $0x80, v4, vm0, $0xb8;
	[tilespmem:$0x18080] =	vst v63  }
0x37: {  	v3 =	vadd.s32 v1, v3  }
0x38: {  	[tilespmem:s13], [sflag:$0x1] =	stream.indirect_vreg.gather [hbm4b:s5+s3], $0x80, v4, vm0, $0xb8;
	[tilespmem:$0x18080] =	vst v63  }
0x39: {  	_ = 	snop  }
0x3a: {  	[tilespmem:s14], [sflag:$0x1] =	stream.indirect_vreg.gather [hbm4b:s6+s3], $0x80, v4, vm0, $0xb8;
	[tilespmem:$0x18080] =	vst v63  }
0x3b: {  	_ = 	snop  }
0x3c: {  	[tilespmem:s15], [sflag:$0x1] =	stream.indirect_vreg.gather [hbm4b:s1+s3], $0x80, v3, vm0, $0xb8;
	[tilespmem:$0x18080] =	vst v63  }
0x3d: {  	_ = 	snop  }
0x3e: {  	[tilespmem:s16], [sflag:$0x1] =	stream.indirect_vreg.gather [hbm4b:s4+s3], $0x80, v3, vm0, $0xb8;
	[tilespmem:$0x18080] =	vst v63  }
0x3f: {  	_ = 	snop  }
0x40: {  	[tilespmem:s17], [sflag:$0x1] =	stream.indirect_vreg.gather [hbm4b:s5+s3], $0x80, v3, vm0, $0xb8;
	[tilespmem:$0x18080] =	vst v63  }
0x41: {  	_ = 	snop  }
0x42: {  	[tilespmem:s18], [sflag:$0x1] =	stream.indirect_vreg.gather [hbm4b:s6+s3], $0x80, v3, vm0, $0xb8;
	[tilespmem:$0x18080] =	vst v63  }
0x43: {  	v3 =	vld [tilespmem:$0x10];
	_ =	sdelay $0x4  }
0x44: {  	v57 =	vshll.u32 v3, $0x3  }
0x45: {  	v3 =	vand.u32 $0x7, v3;
	v4 =	vand.u32 $0xFFFFFFC0, v57  }
0x46: {  	v3 =	vor.u32 v3, v4  }
0x47: {  	v4 =	vperm.xlane v3, v0;
	_ =	sdelay $0x1  }
0x48: {  	v4 =	vadd.s32 v1, v4;
	_ =	sdelay $0x4  }
0x49: {  	[tilespmem:s19], [sflag:$0x1] =	stream.indirect_vreg.gather [hbm4b:s1+s3], $0x80, v4, vm0, $0xb8;
	[tilespmem:$0x18080] =	vst v63  }
0x4a: {  	v3 =	vperm.xlane v3, v2  }
0x4b: {  	[tilespmem:s20], [sflag:$0x1] =	stream.indirect_vreg.gather [hbm4b:s4+s3], $0x80, v4, vm0, $0xb8;
	[tilespmem:$0x18080] =	vst v63  }
0x4c: {  	v3 =	vadd.s32 v1, v3  }
0x4d: {  	[tilespmem:s21], [sflag:$0x1] =	stream.indirect_vreg.gather [hbm4b:s5+s3], $0x80, v4, vm0, $0xb8;
	[tilespmem:$0x18080] =	vst v63  }
0x4e: {  	_ = 	snop  }
0x4f: {  	[tilespmem:s22], [sflag:$0x1] =	stream.indirect_vreg.gather [hbm4b:s6+s3], $0x80, v4, vm0, $0xb8;
	[tilespmem:$0x18080] =	vst v63  }
0x50: {  	_ = 	snop  }
0x51: {  	[tilespmem:s23], [sflag:$0x1] =	stream.indirect_vreg.gather [hbm4b:s1+s3], $0x80, v3, vm0, $0xb8;
	[tilespmem:$0x18080] =	vst v63  }
0x52: {  	_ = 	snop  }
0x53: {  	[tilespmem:s24], [sflag:$0x1] =	stream.indirect_vreg.gather [hbm4b:s4+s3], $0x80, v3, vm0, $0xb8;
	[tilespmem:$0x18080] =	vst v63  }
0x54: {  	_ = 	snop  }
0x55: {  	[tilespmem:s25], [sflag:$0x1] =	stream.indirect_vreg.gather [hbm4b:s5+s3], $0x80, v3, vm0, $0xb8;
	[tilespmem:$0x18080] =	vst v63  }
0x56: {  	_ = 	snop  }
0x57: {  	[tilespmem:s28], [sflag:$0x1] =	stream.indirect_vreg.gather [hbm4b:s6+s3], $0x80, v3, vm0, $0xb8;
	[tilespmem:$0x18080] =	vst v63  }
0x58: {  	v3 =	vld [tilespmem:$0x20];
	_ =	sdelay $0x4  }
0x59: {  	v58 =	vshll.u32 v3, $0x3  }
0x5a: {  	v3 =	vand.u32 $0x7, v3;
	v4 =	vand.u32 $0xFFFFFFC0, v58  }
0x5b: {  	v3 =	vor.u32 v3, v4  }
0x5c: {  	v4 =	vperm.xlane v3, v0;
	_ =	sdelay $0x1  }
0x5d: {  	v4 =	vadd.s32 v1, v4;
	_ =	sdelay $0x3  }
0x5e: {  	s8 =	simm.s32 $0x8080  }
0x5f: {  	[tilespmem:s8], [sflag:$0x2] =	stream.indirect_vreg.gather [hbm4b:s1+s3], $0x80, v4, vm0, $0xb8;
	[tilespmem:$0x18080] =	vst v63  }
0x60: {  	s10 =	rddreg [dreg:$0x9];
	v3 =	vperm.xlane v3, v2  }
0x61: {  	[tilespmem:s10], [sflag:$0x2] =	stream.indirect_vreg.gather [hbm4b:s4+s3], $0x80, v4, vm0, $0xb8;
	[tilespmem:$0x18080] =	vst v63  }
0x62: {  	s11 =	rddreg [dreg:$0xa];
	v3 =	vadd.s32 v1, v3  }
0x63: {  	[tilespmem:s11], [sflag:$0x2] =	stream.indirect_vreg.gather [hbm4b:s5+s3], $0x80, v4, vm0, $0xb8;
	[tilespmem:$0x18080] =	vst v63  }
0x64: {  	s10 =	rddreg [dreg:$0xb]  }
0x65: {  	[tilespmem:s10], [sflag:$0x2] =	stream.indirect_vreg.gather [hbm4b:s6+s3], $0x80, v4, vm0, $0xb8;
	[tilespmem:$0x18080] =	vst v63  }
0x66: {  	s11 =	rddreg [dreg:$0xc]  }
0x67: {  	[tilespmem:s11], [sflag:$0x2] =	stream.indirect_vreg.gather [hbm4b:s1+s3], $0x80, v3, vm0, $0xb8;
	[tilespmem:$0x18080] =	vst v63  }
0x68: {  	s10 =	rddreg [dreg:$0xd]  }
0x69: {  	[tilespmem:s10], [sflag:$0x2] =	stream.indirect_vreg.gather [hbm4b:s4+s3], $0x80, v3, vm0, $0xb8;
	[tilespmem:$0x18080] =	vst v63  }
0x6a: {  	s11 =	rddreg [dreg:$0xe]  }
0x6b: {  	[tilespmem:s11], [sflag:$0x2] =	stream.indirect_vreg.gather [hbm4b:s5+s3], $0x80, v3, vm0, $0xb8;
	[tilespmem:$0x18080] =	vst v63  }
0x6c: {  	s10 =	rddreg [dreg:$0xf]  }
0x6d: {  	[tilespmem:s10], [sflag:$0x2] =	stream.indirect_vreg.gather [hbm4b:s6+s3], $0x80, v3, vm0, $0xb8;
	[tilespmem:$0x18080] =	vst v63  }
0x6e: {  	v3 =	vld [tilespmem:$0x30];
	_ =	sdelay $0x4  }
0x6f: {  	v59 =	vshll.u32 v3, $0x3  }
0x70: {  	v3 =	vand.u32 $0x7, v3;
	v4 =	vand.u32 $0xFFFFFFC0, v59  }
0x71: {  	v3 =	vor.u32 v3, v4  }
0x72: {  	v4 =	vperm.xlane v3, v0;
	_ =	sdelay $0x1  }
0x73: {  	v4 =	vadd.s32 v1, v4;
	_ =	sdelay $0x3  }
0x74: {  	s10 =	rddreg [dreg:$0x10]  }
0x75: {  	[tilespmem:s10], [sflag:$0x2] =	stream.indirect_vreg.gather [hbm4b:s1+s3], $0x80, v4, vm0, $0xb8;
	[tilespmem:$0x18080] =	vst v63  }
0x76: {  	s11 =	rddreg [dreg:$0x11];
	v3 =	vperm.xlane v3, v2  }
0x77: {  	[tilespmem:s11], [sflag:$0x2] =	stream.indirect_vreg.gather [hbm4b:s4+s3], $0x80, v4, vm0, $0xb8;
	[tilespmem:$0x18080] =	vst v63  }
0x78: {  	v3 =	vadd.s32 v1, v3;
	s10 =	rddreg [dreg:$0x12]  }
0x79: {  	[tilespmem:s10], [sflag:$0x2] =	stream.indirect_vreg.gather [hbm4b:s5+s3], $0x80, v4, vm0, $0xb8;
	[tilespmem:$0x18080] =	vst v63  }
0x7a: {  	s11 =	rddreg [dreg:$0x13]  }
0x7b: {  	[tilespmem:s11], [sflag:$0x2] =	stream.indirect_vreg.gather [hbm4b:s6+s3], $0x80, v4, vm0, $0xb8;
	[tilespmem:$0x18080] =	vst v63  }
0x7c: {  	s10 =	rddreg [dreg:$0x14]  }
0x7d: {  	[tilespmem:s10], [sflag:$0x2] =	stream.indirect_vreg.gather [hbm4b:s1+s3], $0x80, v3, vm0, $0xb8;
	[tilespmem:$0x18080] =	vst v63  }
0x7e: {  	s11 =	rddreg [dreg:$0x15]  }
0x7f: {  	[tilespmem:s11], [sflag:$0x2] =	stream.indirect_vreg.gather [hbm4b:s4+s3], $0x80, v3, vm0, $0xb8;
	[tilespmem:$0x18080] =	vst v63  }
0x80: {  	s10 =	rddreg [dreg:$0x16]  }
0x81: {  	[tilespmem:s10], [sflag:$0x2] =	stream.indirect_vreg.gather [hbm4b:s5+s3], $0x80, v3, vm0, $0xb8;
	[tilespmem:$0x18080] =	vst v63  }
0x82: {  	s11 =	rddreg [dreg:$0x17]  }
0x83: {  	[tilespmem:s11], [sflag:$0x2] =	stream.indirect_vreg.gather [hbm4b:s6+s3], $0x80, v3, vm0, $0xb8;
	[tilespmem:$0x18080] =	vst v63  }
0x84: {  	_ =	swait.ge [sflag:s26], $0x8000  }
0x85: {  	[sflag:s26] =	ssyncset.done $0x0  }
0x86: {  	[sflag:s26] =	ssyncadd.s32 $0xFFFF8000  }
0x87: {  	v3 =	vld [tilespmem:$0x40];
	_ =	sdelay $0x4  }
0x88: {  	v60 =	vshll.u32 v3, $0x3  }
0x89: {  	v3 =	vand.u32 $0x7, v3;
	v4 =	vand.u32 $0xFFFFFFC0, v60  }
0x8a: {  	v3 =	vor.u32 v3, v4  }
0x8b: {  	v4 =	vperm.xlane v3, v0;
	_ =	sdelay $0x1  }
0x8c: {  	v4 =	vadd.s32 v1, v4;
	_ =	sdelay $0x4  }
0x8d: {  	[tilespmem:s29], [sflag:$0x3] =	stream.indirect_vreg.gather [hbm4b:s1+s3], $0x80, v4, vm0, $0xb8;
	[tilespmem:$0x18080] =	vst v63  }
0x8e: {  	s10 =	rddreg [dreg:$0x18];
	v3 =	vperm.xlane v3, v2  }
0x8f: {  	[tilespmem:s10], [sflag:$0x3] =	stream.indirect_vreg.gather [hbm4b:s4+s3], $0x80, v4, vm0, $0xb8;
	[tilespmem:$0x18080] =	vst v63  }
0x90: {  	s11 =	rddreg [dreg:$0x19];
	v3 =	vadd.s32 v1, v3  }
0x91: {  	[tilespmem:s11], [sflag:$0x3] =	stream.indirect_vreg.gather [hbm4b:s5+s3], $0x80, v4, vm0, $0xb8;
	[tilespmem:$0x18080] =	vst v63  }
0x92: {  	s10 =	rddreg [dreg:$0x1a]  }
0x93: {  	[tilespmem:s10], [sflag:$0x3] =	stream.indirect_vreg.gather [hbm4b:s6+s3], $0x80, v4, vm0, $0xb8;
	[tilespmem:$0x18080] =	vst v63  }
0x94: {  	s11 =	rddreg [dreg:$0x1b]  }
0x95: {  	[tilespmem:s11], [sflag:$0x3] =	stream.indirect_vreg.gather [hbm4b:s1+s3], $0x80, v3, vm0, $0xb8;
	[tilespmem:$0x18080] =	vst v63  }
0x96: {  	s10 =	rddreg [dreg:$0x1c]  }
0x97: {  	[tilespmem:s10], [sflag:$0x3] =	stream.indirect_vreg.gather [hbm4b:s4+s3], $0x80, v3, vm0, $0xb8;
	[tilespmem:$0x18080] =	vst v63  }
0x98: {  	s11 =	rddreg [dreg:$0x1d]  }
0x99: {  	[tilespmem:s11], [sflag:$0x3] =	stream.indirect_vreg.gather [hbm4b:s5+s3], $0x80, v3, vm0, $0xb8;
	[tilespmem:$0x18080] =	vst v63  }
0x9a: {  	s10 =	rddreg [dreg:$0x1e]  }
0x9b: {  	[tilespmem:s10], [sflag:$0x3] =	stream.indirect_vreg.gather [hbm4b:s6+s3], $0x80, v3, vm0, $0xb8;
	[tilespmem:$0x18080] =	vst v63  }
0x9c: {  	v3 =	vld [tilespmem:$0x50];
	_ =	sdelay $0x4  }
0x9d: {  	v61 =	vshll.u32 v3, $0x3  }
0x9e: {  	v3 =	vand.u32 $0x7, v3;
	v4 =	vand.u32 $0xFFFFFFC0, v61  }
0x9f: {  	v3 =	vor.u32 v3, v4  }
0xa0: {  	v4 =	vperm.xlane v3, v0;
	_ =	sdelay $0x1  }
0xa1: {  	v4 =	vadd.s32 v1, v4;
	_ =	sdelay $0x2  }
0xa2: {  	s11 =	sld [smem:$0x7F7]  }
0xa3: {  	s10 =	rddreg [dreg:$0x1f]  }
0xa4: {  	[tilespmem:s10], [sflag:$0x3] =	stream.indirect_vreg.gather [hbm4b:s1+s3], $0x80, v4, vm0, $0xb8;
	[tilespmem:$0x18080] =	vst v63  }
0xa5: {  	v3 =	vperm.xlane v3, v2;
	s10 =	sld [smem:$0x7F8]  }
0xa6: {  	[tilespmem:s11], [sflag:$0x3] =	stream.indirect_vreg.gather [hbm4b:s4+s3], $0x80, v4, vm0, $0xb8;
	[tilespmem:$0x18080] =	vst v63  }
0xa7: {  	v3 =	vadd.s32 v1, v3;
	s11 =	sld [smem:$0x7F9]  }
0xa8: {  	[tilespmem:s10], [sflag:$0x3] =	stream.indirect_vreg.gather [hbm4b:s5+s3], $0x80, v4, vm0, $0xb8;
	[tilespmem:$0x18080] =	vst v63  }
0xa9: {  	s10 =	sld [smem:$0x7FA]  }
0xaa: {  	[tilespmem:s11], [sflag:$0x3] =	stream.indirect_vreg.gather [hbm4b:s6+s3], $0x80, v4, vm0, $0xb8;
	[tilespmem:$0x18080] =	vst v63  }
0xab: {  	s11 =	sld [smem:$0x7FB]  }
0xac: {  	[tilespmem:s10], [sflag:$0x3] =	stream.indirect_vreg.gather [hbm4b:s1+s3], $0x80, v3, vm0, $0xb8;
	[tilespmem:$0x18080] =	vst v63  }
0xad: {  	s10 =	sld [smem:$0x7FC]  }
0xae: {  	[tilespmem:s11], [sflag:$0x3] =	stream.indirect_vreg.gather [hbm4b:s4+s3], $0x80, v3, vm0, $0xb8;
	[tilespmem:$0x18080] =	vst v63  }
0xaf: {  	s11 =	sld [smem:$0x7FD]  }
0xb0: {  	[tilespmem:s10], [sflag:$0x3] =	stream.indirect_vreg.gather [hbm4b:s5+s3], $0x80, v3, vm0, $0xb8;
	[tilespmem:$0x18080] =	vst v63  }
0xb1: {  	_ = 	snop  }
0xb2: {  	[tilespmem:s11], [sflag:$0x3] =	stream.indirect_vreg.gather [hbm4b:s6+s3], $0x80, v3, vm0, $0xb8;
	[tilespmem:$0x18080] =	vst v63  }
0xb3: {  	s10 =	rddreg [dreg:$0x5];
	s11 =	simm.s32 $0x2  }
0xb4: {  	[hbm4b:s10+s3] =	stream.linear.scatter [tilespmem:s9], [sflag:$0x4], $0x8000, $0x38;
	[tilespmem:$0x18080] =	vst v63  }
0xb5: {  	_ =	swait.ge [sflag:s11], $0x8000  }
0xb6: {  	[sflag:s11] =	ssyncset.done $0x0  }
0xb7: {  	[sflag:s11] =	ssyncadd.s32 $0xFFFF8000  }
0xb8: {  	_ =	swait.ge [sflag:s30], $0x8000  }
0xb9: {  	[sflag:s30] =	ssyncset.done $0x0  }
0xba: {  	[sflag:s30] =	ssyncadd.s32 $0xFFFF8000  }
0xbb: {  	v3 =	vld [tilespmem:$0x60];
	_ =	sdelay $0x4  }
0xbc: {  	v62 =	vshll.u32 v3, $0x3  }
0xbd: {  	v3 =	vand.u32 $0x7, v3;
	v4 =	vand.u32 $0xFFFFFFC0, v62  }
0xbe: {  	v3 =	vor.u32 v3, v4  }
0xbf: {  	v4 =	vperm.xlane v3, v0;
	_ =	sdelay $0x1  }
0xc0: {  	v4 =	vadd.s32 v1, v4;
	_ =	sdelay $0x4  }
0xc1: {  	[tilespmem:s9], [sflag:$0x1] =	stream.indirect_vreg.gather [hbm4b:s1+s3], $0x80, v4, vm0, $0xb8;
	[tilespmem:$0x18080] =	vst v63  }
0xc2: {  	v3 =	vperm.xlane v3, v2  }
0xc3: {  	[tilespmem:s12], [sflag:$0x1] =	stream.indirect_vreg.gather [hbm4b:s4+s3], $0x80, v4, vm0, $0xb8;
	[tilespmem:$0x18080] =	vst v63  }
0xc4: {  	v3 =	vadd.s32 v1, v3  }
0xc5: {  	[tilespmem:s13], [sflag:$0x1] =	stream.indirect_vreg.gather [hbm4b:s5+s3], $0x80, v4, vm0, $0xb8;
	[tilespmem:$0x18080] =	vst v63  }
0xc6: {  	_ = 	snop  }
0xc7: {  	[tilespmem:s14], [sflag:$0x1] =	stream.indirect_vreg.gather [hbm4b:s6+s3], $0x80, v4, vm0, $0xb8;
	[tilespmem:$0x18080] =	vst v63  }
0xc8: {  	_ = 	snop  }
0xc9: {  	[tilespmem:s15], [sflag:$0x1] =	stream.indirect_vreg.gather [hbm4b:s1+s3], $0x80, v3, vm0, $0xb8;
	[tilespmem:$0x18080] =	vst v63  }
0xca: {  	_ = 	snop  }
0xcb: {  	[tilespmem:s16], [sflag:$0x1] =	stream.indirect_vreg.gather [hbm4b:s4+s3], $0x80, v3, vm0, $0xb8;
	[tilespmem:$0x18080] =	vst v63  }
0xcc: {  	_ = 	snop  }
0xcd: {  	[tilespmem:s17], [sflag:$0x1] =	stream.indirect_vreg.gather [hbm4b:s5+s3], $0x80, v3, vm0, $0xb8;
	[tilespmem:$0x18080] =	vst v63  }
0xce: {  	_ = 	snop  }
0xcf: {  	[tilespmem:s18], [sflag:$0x1] =	stream.indirect_vreg.gather [hbm4b:s6+s3], $0x80, v3, vm0, $0xb8;
	[tilespmem:$0x18080] =	vst v63  }
0xd0: {  	v3 =	vld [tilespmem:$0x70];
	_ =	sdelay $0x4  }
0xd1: {  	v63 =	vshll.u32 v3, $0x3  }
0xd2: {  	v3 =	vand.u32 $0x7, v3;
	v4 =	vand.u32 $0xFFFFFFC0, v63  }
0xd3: {  	v3 =	vor.u32 v3, v4  }
0xd4: {  	v4 =	vperm.xlane v3, v0;
	_ =	sdelay $0x1  }
0xd5: {  	v4 =	vadd.s32 v1, v4;
	_ =	sdelay $0x4  }
0xd6: {  	[tilespmem:s19], [sflag:$0x1] =	stream.indirect_vreg.gather [hbm4b:s1+s3], $0x80, v4, vm0, $0xb8;
	[tilespmem:$0x18080] =	vst v63  }
0xd7: {  	v3 =	vperm.xlane v3, v2  }
0xd8: {  	[tilespmem:s20], [sflag:$0x1] =	stream.indirect_vreg.gather [hbm4b:s4+s3], $0x80, v4, vm0, $0xb8;
	[tilespmem:$0x18080] =	vst v63  }
0xd9: {  	v3 =	vadd.s32 v1, v3  }
0xda: {  	[tilespmem:s21], [sflag:$0x1] =	stream.indirect_vreg.gather [hbm4b:s5+s3], $0x80, v4, vm0, $0xb8;
	[tilespmem:$0x18080] =	vst v63  }
0xdb: {  	_ = 	snop  }
0xdc: {  	[tilespmem:s22], [sflag:$0x1] =	stream.indirect_vreg.gather [hbm4b:s6+s3], $0x80, v4, vm0, $0xb8;
	[tilespmem:$0x18080] =	vst v63  }
0xdd: {  	_ = 	snop  }
0xde: {  	[tilespmem:s23], [sflag:$0x1] =	stream.indirect_vreg.gather [hbm4b:s1+s3], $0x80, v3, vm0, $0xb8;
	[tilespmem:$0x18080] =	vst v63  }
0xdf: {  	_ = 	snop  }
0xe0: {  	[tilespmem:s24], [sflag:$0x1] =	stream.indirect_vreg.gather [hbm4b:s4+s3], $0x80, v3, vm0, $0xb8;
	[tilespmem:$0x18080] =	vst v63  }
0xe1: {  	_ = 	snop  }
0xe2: {  	[tilespmem:s25], [sflag:$0x1] =	stream.indirect_vreg.gather [hbm4b:s5+s3], $0x80, v3, vm0, $0xb8;
	[tilespmem:$0x18080] =	vst v63  }
0xe3: {  	_ = 	snop  }
0xe4: {  	[tilespmem:s28], [sflag:$0x1] =	stream.indirect_vreg.gather [hbm4b:s6+s3], $0x80, v3, vm0, $0xb8;
	[tilespmem:$0x18080] =	vst v63  }
0xe5: {  	s11 =	rddreg [dreg:$0x6]  }
0xe6: {  	[hbm4b:s11+s3] =	stream.linear.scatter [tilespmem:s8], [sflag:$0x5], $0x8000, $0x38;
	[tilespmem:$0x18080] =	vst v63  }
0xe7: {  	_ =	swait.ge [sflag:s31], $0x8000  }
0xe8: {  	[sflag:s31] =	ssyncset.done $0x0  }
0xe9: {  	s8 =	rddreg [dreg:$0x7];
	[sflag:s31] =	ssyncadd.s32 $0xFFFF8000  }
0xea: {  	[hbm4b:s8+s3] =	stream.linear.scatter [tilespmem:s29], [sflag:$0x6], $0x8000, $0x38;
	[tilespmem:$0x18080] =	vst v63  }
0xeb: {  	_ =	swait.ge [sflag:s26], $0x8000  }
0xec: {  	[sflag:s26] =	ssyncset.done $0x0  }
0xed: {  	s11 =	rddreg [dreg:$0x8];
	[sflag:s26] =	ssyncadd.s32 $0xFFFF8000  }
0xee: {  	[hbm4b:s11+s3] =	stream.linear.scatter [tilespmem:s9], [sflag:$0x4], $0x8000, $0x38;
	[tilespmem:$0x18080] =	vst v63  }
0xef: {  	_ =	swait.ge [sflag:s2], $0x8000  }
0xf0: {  	[sflag:s2] =	ssyncset.done $0x0  }
0xf1: {  	[sflag:s2] =	ssyncadd.s32 $0xFFFF8000  }
0xf2: {  	p0 =	sne.s32 s7, $0x1;
	_ =	swait.ge [sflag:s0], $0x8000  }
.Ltmp0:
0xf3: {  	[sflag:s0] =	ssyncset.done $0x0;
	(pc) =	sbr.rel @p0 .LBB2_1-.Ltmp0, $4  }
0xf4: {  	[sflag:s0] =	ssyncadd.s32 $0xFFFF8000  }
0xf5: {  	_ =	swait.ge [sflag:s30], $0x8000  }
0xf6: {  	[sflag:s30] =	ssyncset.done $0x0  }
0xf7: {  	s7 =	sadd.s32 $0xFFFFFFFF, s7;
	[sflag:s30] =	ssyncadd.s32 $0xFFFF8000  }
0xf8: {  	_ =	sfence.sel $0x180000  }
0xf9: {  	[bflag:$0x0] =	sbarrier.arrive $0xFFFF  }
0xfa: {  	_ =	strace $0x90000050  }
0xfb: {  	s0 =	stileid.u32;
	[bflag:$0x2] =	sbarrier.arrive $0xFFFF  }
0xfc: {  	p0 =	sne.s32 s0, $0x0;
	s0 =	rddreg [dreg:$0x3]  }
0xfd: {  	s0 =	sadd.s32 @!p0 $0x100000, s0  }
0xfe: {  	[sflag:s0] =	ssyncadd.tile.s32 @!p0 $0x1;
	_ =	shalt  }
.Lfunc_end2:
_tile_overlayer_lowered:
.L_overlay_start_2:
0xff: {  	(tag) =	ssettag $0x2  }
0x100: {  	s0 =	rddreg [dreg:$0x0];
	s2 =	stileid.u32  }
0x101: {  	s1 =	rddreg [dreg:$0x1];
	p0 =	sne.s32 s2, $0x0  }
0x102: {  	s3 =	rddreg [dreg:$0x2];
	[bflag:$0x3] =	sbarrier.arrive $0xFFFF;
	s2 =	simm.s32 @!p0 $0x1C07  }
0x103: {  	[timem:s3], [sflag:s2] =	dma.local @!p0 [hbm:s0], s1  }
0x104: {  	s0 =	simm.s32 @!p0 $0x7  }
0x105: {  	_ =	swait.ge @!p0 [sflag:s0], s1  }
0x106: {  	s1 =	ssub.s32 @!p0 $0x0, s1;
	[sflag:s0] =	ssyncset.done @!p0 $0x0  }
0x107: {  	[sflag:s0] =	ssyncadd.s32 @!p0 s1  }
0x108: {  	[bflag:$0x3] =	sbarrier.arrive $0xFFFF  }
0x109: {  	_ =	shalt  }

</sc_bundles>
